<compile_context>
chip_gen: v7x
topology: tpu7x:2x2x1
jax: 0.10.2.dev20260603
libtpu: 0.0.44.dev20260713+nightly
codegen_flags: <defaults>
</compile_context>

<pallas_src>
import functools

import jax
import jax.numpy as jnp
from jax import lax
from jax.experimental import pallas as pl
from jax.experimental.pallas import tpu as pltpu
from jax.experimental.pallas import tpu_sc as plsc

EPS = 1e-15

_N = 10000
_E = 320000
_NC = 2
_NS = 16
_CH = 64
_EPAD = 327680
_EALLOC = 339200
_FAST_CID = 1
_EPT_F = 16000
_EPT_S = 4480
_NCH_F = _EPT_F // _CH
_NCH_S = _EPT_S // _CH
_DEG_EPT = _EPAD // (_NC * _NS)
_DEG_NCH = _DEG_EPT // _CH
_PADN = 10240
_RPT = _PADN // _NS

_BLK = 1000


def _dot(a, b):
    return lax.dot_general(a, b, (((1,), (0,)), ((), ())),
                           preferred_element_type=jnp.float32)


def _tc_pre_body(x_ref, lvl_ref, emb_ref, ws_ref, wn_ref, b_ref,
                 self_ref, m_ref, cr0_ref):
    xb = x_ref[:]
    pid = pl.program_id(0)

    @pl.when(pid == 0)
    def _():
        ii = lax.broadcasted_iota(jnp.int32, (1, 128), 1)
        sgn = jnp.where(ii < 127, 1.0, -1.0).astype(jnp.float32)
        a = xb[0:1, :] * sgn
        bq = xb[1:2, :] * sgn
        i02 = jnp.sum(a * xb[2:3, :], keepdims=True)
        i13 = jnp.sum(bq * xb[3:4, :], keepdims=True)
        i03 = jnp.sum(a * xb[3:4, :], keepdims=True)
        i12 = jnp.sum(bq * xb[2:3, :], keepdims=True)
        cr0_ref[:, :] = (i02 * i13) / (i03 * i12 + EPS)

    nrm = jnp.sqrt(jnp.sum(xb * xb, axis=1, keepdims=True))
    xn = xb / (nrm + EPS)
    lv = lvl_ref[:]
    emb = jnp.where(lv == 0, emb_ref[0:1, :],
                    jnp.where(lv == 1, emb_ref[1:2, :], emb_ref[2:3, :]))
    self_ref[:] = (_dot(xn, ws_ref[0:128, :]) + _dot(emb, ws_ref[128:136, :])
                   + b_ref[:])
    m_ref[:] = _dot(xn, wn_ref[0:128, :]) + _dot(emb, wn_ref[128:136, :])


def _tc_pre(x, levels2d, lvl_emb, Ws, Wn, b):
    grid = _N // _BLK
    return pl.pallas_call(
        _tc_pre_body,
        grid=(grid,),
        in_specs=[
            pl.BlockSpec((_BLK, 128), lambda i: (i, 0)),
            pl.BlockSpec((_BLK, 1), lambda i: (i, 0)),
            pl.BlockSpec((3, 8), lambda i: (0, 0)),
            pl.BlockSpec((136, 128), lambda i: (0, 0)),
            pl.BlockSpec((136, 128), lambda i: (0, 0)),
            pl.BlockSpec((1, 128), lambda i: (0, 0)),
        ],
        out_specs=[
            pl.BlockSpec((_BLK, 128), lambda i: (i, 0)),
            pl.BlockSpec((_BLK, 128), lambda i: (i, 0)),
            pl.BlockSpec((1, 1), lambda i: (0, 0)),
        ],
        out_shape=[
            jax.ShapeDtypeStruct((_N, 128), jnp.float32),
            jax.ShapeDtypeStruct((_N, 128), jnp.float32),
            jax.ShapeDtypeStruct((1, 1), jnp.float32),
        ],
    )(x, levels2d, lvl_emb, Ws, Wn, b.reshape(1, 128))


def _tc_mid_body(self1_ref, p0_ref, p1_ref, deg0_ref, deg1_ref, cr0_ref,
                 lvl_ref, emb_ref, ws_ref, wn_ref, b_ref,
                 self2_ref, m2_ref, s_ref):
    pid = pl.program_id(0)
    deg = jnp.maximum(deg0_ref[:, 0:1] + deg1_ref[:, 0:1], 1.0)
    y = self1_ref[:] + (p0_ref[:] + p1_ref[:]) / deg
    nrm = jnp.sqrt(jnp.sum(y * y, axis=1, keepdims=True))
    y = y / (nrm + EPS)
    f = jnp.maximum(y, 0.0)
    fn = jnp.sqrt(jnp.sum(f * f, axis=1, keepdims=True))
    f = f / (fn + EPS)

    @pl.when(pid == 0)
    def _():
        i02 = jnp.sum(f[0:1, :] * f[2:3, :], keepdims=True) - 1.0
        i13 = jnp.sum(f[1:2, :] * f[3:4, :], keepdims=True) - 1.0
        i03 = jnp.sum(f[0:1, :] * f[3:4, :], keepdims=True) - 1.0
        i12 = jnp.sum(f[1:2, :] * f[2:3, :], keepdims=True) - 1.0
        cr1 = (i02 * i13) / (i03 * i12 + EPS)
        cr0 = cr0_ref[:, :]
        valid = jnp.logical_and(jnp.logical_and(cr1 == cr1, cr0 == cr0),
                                cr1 != 0.0)
        safe = jnp.where(valid, cr1, 1.0)
        s = jnp.where(valid, jnp.sqrt(jnp.abs(cr0 / safe) + EPS), 1.0)
        s_ref[0] = s[0, 0]

    g = f * s_ref[0]
    lv = lvl_ref[:]
    emb = jnp.where(lv == 0, emb_ref[0:1, :],
                    jnp.where(lv == 1, emb_ref[1:2, :], emb_ref[2:3, :]))
    self2_ref[:] = (_dot(g, ws_ref[0:128, :]) + _dot(emb, ws_ref[128:136, :])
                    + b_ref[:])
    m2_ref[:] = _dot(g, wn_ref[0:128, :]) + _dot(emb, wn_ref[128:136, :])


def _tc_mid(self1, p0, p1, deg0, deg1, cr0, levels2d, lvl_emb, Ws, Wn, b):
    grid = _N // _BLK
    return pl.pallas_call(
        _tc_mid_body,
        grid=(grid,),
        in_specs=[
            pl.BlockSpec((_BLK, 128), lambda i: (i, 0)),
            pl.BlockSpec((_BLK, 128), lambda i: (i, 0)),
            pl.BlockSpec((_BLK, 128), lambda i: (i, 0)),
            pl.BlockSpec((_BLK, 128), lambda i: (i, 0)),
            pl.BlockSpec((_BLK, 128), lambda i: (i, 0)),
            pl.BlockSpec((1, 1), lambda i: (0, 0)),
            pl.BlockSpec((_BLK, 1), lambda i: (i, 0)),
            pl.BlockSpec((3, 8), lambda i: (0, 0)),
            pl.BlockSpec((136, 128), lambda i: (0, 0)),
            pl.BlockSpec((136, 128), lambda i: (0, 0)),
            pl.BlockSpec((1, 128), lambda i: (0, 0)),
        ],
        out_specs=[
            pl.BlockSpec((_BLK, 128), lambda i: (i, 0)),
            pl.BlockSpec((_BLK, 128), lambda i: (i, 0)),
        ],
        out_shape=[
            jax.ShapeDtypeStruct((_N, 128), jnp.float32),
            jax.ShapeDtypeStruct((_N, 128), jnp.float32),
        ],
        scratch_shapes=[pltpu.SMEM((1,), jnp.float32)],
    )(self1, p0, p1, deg0, deg1, cr0, levels2d, lvl_emb, Ws, Wn,
      b.reshape(1, 128))


def _tc_post_body(self2_ref, q0_ref, q1_ref, deg0_ref, deg1_ref, out_ref):
    deg = jnp.maximum(deg0_ref[:, 0:1] + deg1_ref[:, 0:1], 1.0)
    z = self2_ref[:] + (q0_ref[:] + q1_ref[:]) / deg
    nrm = jnp.sqrt(jnp.sum(z * z, axis=1, keepdims=True))
    z = z / (nrm + EPS)
    nrm2 = jnp.sqrt(jnp.sum(z * z, axis=1, keepdims=True))
    out_ref[:] = z / (nrm2 + EPS)


def _tc_post(self2, q0, q1, deg0, deg1):
    grid = _N // _BLK
    return pl.pallas_call(
        _tc_post_body,
        grid=(grid,),
        in_specs=[
            pl.BlockSpec((_BLK, 128), lambda i: (i, 0)),
            pl.BlockSpec((_BLK, 128), lambda i: (i, 0)),
            pl.BlockSpec((_BLK, 128), lambda i: (i, 0)),
            pl.BlockSpec((_BLK, 128), lambda i: (i, 0)),
            pl.BlockSpec((_BLK, 128), lambda i: (i, 0)),
        ],
        out_specs=pl.BlockSpec((_BLK, 128), lambda i: (i, 0)),
        out_shape=jax.ShapeDtypeStruct((_N, 128), jnp.float32),
    )(self2, q0, q1, deg0, deg1)


def _make_sc_agg(with_deg):
    out_type = [jax.ShapeDtypeStruct((_NC * _PADN, 128), jnp.float32)]
    scratch = [
        pltpu.VMEM((_EPT_F,), jnp.int32),
        pltpu.VMEM((_EPT_F,), jnp.int32),
        pltpu.VMEM((_CH, 128), jnp.float32),
        pltpu.VMEM((_CH, 128), jnp.float32),
        pltpu.VMEM_SHARED((_PADN, 128), jnp.float32),
        pltpu.SemaphoreType.DMA,
        pltpu.SemaphoreType.DMA,
    ]
    if with_deg:
        out_type.append(jax.ShapeDtypeStruct((_NC * _PADN, 128), jnp.float32))
    mesh = plsc.VectorSubcoreMesh(core_axis_name="c", subcore_axis_name="s",
                                  num_cores=_NC, num_subcores=_NS)

    def body(m_hbm, src_hbm, dst_hbm, zeros_hbm, ones_hbm, *rest):
        if with_deg:
            (acc_out, deg_out, s_all, d_all, rows0, rows1, acc_sh,
             sem0, sem1) = rest
        else:
            acc_out, s_all, d_all, rows0, rows1, acc_sh, sem0, sem1 = rest
        cid = lax.axis_index("c")
        tid = lax.axis_index("s")
        is_fast = cid == _FAST_CID
        ept = jnp.where(is_fast, _EPT_F, _EPT_S)
        nch = jnp.where(is_fast, _NCH_F, _NCH_S)
        cbase = jnp.where(is_fast, tid * _EPT_F,
                          _NS * _EPT_F + tid * _EPT_S)
        for k in range(_RPT // _CH):
            pltpu.sync_copy(zeros_hbm,
                            acc_sh.at[pl.ds(tid * _RPT + k * _CH, _CH)])
        pltpu.sync_copy(src_hbm.at[pl.ds(cbase, _EPT_F)],
                        s_all)
        pltpu.sync_copy(dst_hbm.at[pl.ds(cbase, _EPT_F)],
                        d_all)
        plsc.subcore_barrier()

        pltpu.async_copy(m_hbm.at[s_all.at[pl.ds(0, _CH)]], rows0, sem0)

        def step(j, c):
            c0 = 2 * j * _CH
            s0 = s_all.at[pl.ds(c0, _CH)]
            s1 = s_all.at[pl.ds(c0 + _CH, _CH)]
            pltpu.async_copy(m_hbm.at[s1], rows1, sem1)
            pltpu.make_async_copy(m_hbm.at[s0], rows0, sem0).wait()
            pltpu.sync_copy(rows0, acc_sh.at[d_all.at[pl.ds(c0, _CH)]],
                            add=True)

            @pl.when(2 * j + 2 < nch)
            def _():
                pltpu.async_copy(
                    m_hbm.at[s_all.at[pl.ds(c0 + 2 * _CH, _CH)]], rows0, sem0)

            pltpu.make_async_copy(m_hbm.at[s1], rows1, sem1).wait()
            pltpu.sync_copy(rows1, acc_sh.at[d_all.at[pl.ds(c0 + _CH, _CH)]],
                            add=True)
            return c

        lax.fori_loop(0, nch // 2, step, 0)
        plsc.subcore_barrier()
        pltpu.sync_copy(acc_sh.at[pl.ds(tid * _RPT, _RPT)],
                        acc_out.at[pl.ds(cid * _PADN + tid * _RPT, _RPT)])

        if with_deg:
            wid = cid * _NS + tid
            for k in range(_RPT // _CH):
                pltpu.sync_copy(zeros_hbm,
                                acc_sh.at[pl.ds(tid * _RPT + k * _CH, _CH)])
            pltpu.sync_copy(dst_hbm.at[pl.ds(wid * _DEG_EPT, _DEG_EPT)],
                            d_all.at[pl.ds(0, _DEG_EPT)])
            pltpu.sync_copy(ones_hbm, rows0)
            plsc.subcore_barrier()

            def step2(j, c):
                for k in range(8):
                    pltpu.async_copy(
                        rows0,
                        acc_sh.at[d_all.at[pl.ds((8 * j + k) * _CH, _CH)]],
                        sem0, add=True)
                for k in range(8):
                    pltpu.make_async_copy(
                        rows0,
                        acc_sh.at[d_all.at[pl.ds((8 * j + k) * _CH, _CH)]],
                        sem0).wait()
                return c

            lax.fori_loop(0, _DEG_NCH // 8, step2, 0)
            plsc.subcore_barrier()
            pltpu.sync_copy(acc_sh.at[pl.ds(tid * _RPT, _RPT)],
                            deg_out.at[pl.ds(cid * _PADN + tid * _RPT, _RPT)])

    return pl.kernel(body, out_type=tuple(out_type) if with_deg else out_type[0],
                     mesh=mesh, scratch_types=scratch)


_sc_agg_deg = _make_sc_agg(True)
_sc_agg = _make_sc_agg(False)


def kernel(x, edge_index, node_levels, W_self1, W_neigh1, b1, lvl_emb1,
           W_self2, W_neigh2, b2, lvl_emb2):
    src = edge_index[0]
    dst = edge_index[1]
    pad = _EALLOC - _E
    srcp = jnp.concatenate([src, jnp.zeros((pad,), jnp.int32)])
    dstp = jnp.concatenate([dst, jnp.full((pad,), _N, jnp.int32)])
    levels2d = node_levels.reshape(_N, 1)
    zeros_hbm = jnp.zeros((_CH, 128), jnp.float32)

    self1, m1, cr0 = _tc_pre(x, levels2d, lvl_emb1, W_self1, W_neigh1, b1)
    ones_hbm = jnp.ones((_CH, 128), jnp.float32)
    acc1, degp = _sc_agg_deg(m1, srcp, dstp, zeros_hbm, ones_hbm)
    acc1 = acc1.reshape(_NC, _PADN, 128)
    degp = degp.reshape(_NC, _PADN, 128)
    deg0 = degp[0, :_N]
    deg1 = degp[1, :_N]

    self2, m2 = _tc_mid(self1, acc1[0, :_N], acc1[1, :_N], deg0, deg1, cr0,
                        levels2d, lvl_emb2, W_self2, W_neigh2, b2)
    acc2 = _sc_agg(m2, srcp, dstp, zeros_hbm, ones_hbm).reshape(_NC, _PADN, 128)
    return _tc_post(self2, acc2[0, :_N], acc2[1, :_N], deg0, deg1)

# --- scband reference (transcript-rebuilt; emitter-appended) ---
"""Pipeline reference for scband-projective-hierarchical-gnn-36773509988978 (READ-ONLY COPY).

The authoritative reference and input builder live on the scoring server;
editing this copy changes nothing except your own understanding.
"""

import jax, jax.numpy as jnp
import numpy as np

EPS = 1e-15

def _l2norm(v):
    return v / (jnp.linalg.norm(v, axis=-1, keepdims=True) + EPS)

def _hyp_inner(a, b):
    return jnp.sum(a[..., :-1] * b[..., :-1], axis=-1) - a[..., -1] * b[..., -1]

def _cross_ratio(a, b, c, d):
    num = _hyp_inner(a, c) * _hyp_inner(b, d)
    den = _hyp_inner(a, d) * _hyp_inner(b, c)
    return num / (den + EPS)

def _layer(x, edge_index, node_levels, Ws, Wn, b, E):
    N = x.shape[0]
    feats = x[:, :-1]
    lvl = jnp.take(E, node_levels, axis=0)
    h = jnp.concatenate([feats, lvl], axis=-1)
    self_msg = h @ Ws
    src = edge_index[0]
    dst = edge_index[1]
    msg = jnp.take(h, src, axis=0) @ Wn
    agg = jax.ops.segment_sum(msg, dst, num_segments=N)
    deg = jax.ops.segment_sum(jnp.ones((edge_index.shape[1],), msg.dtype), dst, num_segments=N)
    agg = agg / jnp.clip(deg, 1.0, None)[:, None]
    return _l2norm(self_msg + agg + b)

def setup_inputs(seed: int = 0):
    key = jax.random.key(seed)
    ks = jax.random.split(key, 12)
    N, NE, F, H, O, L, LD = 10000, 320000, 128, 128, 128, 3, 8
    x = jax.random.normal(ks[0], (N, F), dtype=jnp.float32)
    edge_index = jax.random.randint(ks[1], (2, NE), 0, N, dtype=jnp.int32)
    node_levels = jax.random.randint(ks[2], (N,), 0, L, dtype=jnp.int32)
    s1 = 1.0 / np.sqrt(F + LD)
    s2 = 1.0 / np.sqrt(H + LD)
    return {
        'x': x,
        'edge_index': edge_index,
        'node_levels': node_levels,
        'W_self1': jax.random.normal(ks[3], (F + LD, H), dtype=jnp.float32) * s1,
        'W_neigh1': jax.random.normal(ks[4], (F + LD, H), dtype=jnp.float32) * s1,
        'b1': jnp.zeros((H,), dtype=jnp.float32),
        'lvl_emb1': jax.random.normal(ks[5], (L, LD), dtype=jnp.float32) * 0.1,
        'W_self2': jax.random.normal(ks[6], (H + LD, O), dtype=jnp.float32) * s2,
        'W_neigh2': jax.random.normal(ks[7], (H + LD, O), dtype=jnp.float32) * s2,
        'b2': jnp.zeros((O,), dtype=jnp.float32),
        'lvl_emb2': jax.random.normal(ks[8], (L, LD), dtype=jnp.float32) * 0.1,
    }

def reference(x, edge_index, node_levels, W_self1, W_neigh1, b1, lvl_emb1, W_self2, W_neigh2, b2, lvl_emb2):
    N = x.shape[0]
    ones = jnp.ones((N, 1), x.dtype)
    cr0 = _cross_ratio(x[0], x[1], x[2], x[3])
    x = _l2norm(x)
    x = jnp.concatenate([x, ones], axis=-1)
    x = _layer(x, edge_index, node_levels, W_self1, W_neigh1, b1, lvl_emb1)
    x = jnp.concatenate([x, ones], axis=-1)
    f = _l2norm(jax.nn.relu(x[:, :-1]))
    x = jnp.concatenate([f, x[:, -1:]], axis=-1)
    cr1 = _cross_ratio(x[0], x[1], x[2], x[3])
    valid = (~jnp.isnan(cr1)) & (~jnp.isnan(cr0)) & (cr1 != 0)
    safe_cr1 = jnp.where(valid, cr1, 1.0)
    s = jnp.where(valid, jnp.sqrt(jnp.abs(cr0 / safe_cr1) + EPS), 1.0)
    x = jnp.concatenate([x[:, :-1] * s, x[:, -1:]], axis=-1)
    x = _layer(x, edge_index, node_levels, W_self2, W_neigh2, b2, lvl_emb2)
    x = jnp.concatenate([x, ones], axis=-1)
    return _l2norm(x[:, :-1])

if __name__ == "__main__":
    import jax
    _d = setup_inputs()
    print(jax.jit(kernel)(*tuple(_d.values())))

</pallas_src>

<mosaic_0001>
#map = affine_map<(d0, d1) -> (0, 0)>
#map1 = affine_map<(d0, d1) -> (0)>
module attributes {stable_mosaic.version = 14 : i64} {
  func.func @body(%arg0: i32, %arg1: i32, %arg2: memref<10000x128xf32, #tpu.memory_space<hbm>>, %arg3: memref<339200xi32, #tpu.memory_space<hbm>>, %arg4: memref<339200xi32, #tpu.memory_space<hbm>>, %arg5: memref<64x128xf32, #tpu.memory_space<hbm>>, %arg6: memref<64x128xf32, #tpu.memory_space<hbm>>, %arg7: memref<20480x128xf32, #tpu.memory_space<hbm>>, %arg8: memref<20480x128xf32, #tpu.memory_space<hbm>>, %arg9: memref<16000xi32, #tpu.memory_space<vmem>>, %arg10: memref<16000xi32, #tpu.memory_space<vmem>>, %arg11: memref<64x128xf32, #tpu.memory_space<vmem>>, %arg12: memref<64x128xf32, #tpu.memory_space<vmem>>, %arg13: memref<10240x128xf32, #tpu.memory_space<vmem_shared>>, %arg14: memref<!tpu.dma_semaphore, #tpu.memory_space<semaphore_mem>>, %arg15: memref<!tpu.dma_semaphore, #tpu.memory_space<semaphore_mem>>) attributes {dimension_semantics = [#tpu.dimension_semantics<core_parallel>, #tpu.dimension_semantics<subcore_parallel>], iteration_bounds = array<i64: 2, 16>, scalar_prefetch = 0 : i64, scratch_operands = 7 : i64, tpu.core_type = #tpu.core_type<sc_vector_subcore>, window_params = [{transform_indices = #map}, {transform_indices = #map1}, {transform_indices = #map1}, {transform_indices = #map}, {transform_indices = #map}, {transform_indices = #map}, {transform_indices = #map}]} {
    %eq3A = arith.constant 1 : i32
    %eq3A_0 = arith.cmpi eq, %arg0, %eq3A : i32
    %jit3A = arith.constant 16000 : i32
    %jit3A_1 = arith.constant 4480 : i32
    %select_n3A = arith.select %eq3A_0, %jit3A, %jit3A_1 : i32
    %jit3A_2 = arith.constant 250 : i32
    %jit3A_3 = arith.constant 70 : i32
    %select_n3A_4 = arith.select %eq3A_0, %jit3A_2, %jit3A_3 : i32
    %mul3A = arith.constant 16000 : i32
    %mul3A_5 = arith.muli %arg1, %mul3A : i32
    %mul3A_6 = arith.constant 4480 : i32
    %mul3A_7 = arith.muli %arg1, %mul3A_6 : i32
    %add3A = arith.constant 256000 : i32
    %add3A_8 = arith.addi %add3A, %mul3A_7 : i32
    %select_n3A_9 = arith.select %eq3A_0, %mul3A_5, %add3A_8 : i32
    %mul3A_10 = arith.constant 640 : i32
    %mul3A_11 = arith.muli %arg1, %mul3A_10 : i32
    %add3A_12 = arith.constant 0 : i32
    %add3A_13 = arith.addi %mul3A_11, %add3A_12 : i32
    "tpu.region"() ({
      %run_scoped3A = tpu.sem_alloc : memref<!tpu.dma_semaphore, #tpu.memory_space<semaphore_mem>>
      %dma_start3A_148 = arith.constant 0 : i32
      %dma_start3A_149 = tpu.memref_slice %arg13[%add3A_13, %dma_start3A_148] : memref<10240x128xf32, #tpu.memory_space<vmem_shared>> -> memref<64x128xf32, #tpu.memory_space<vmem_shared>>
      tpu.enqueue_dma source(%arg5 : memref<64x128xf32, #tpu.memory_space<hbm>>) target(%dma_start3A_149 : memref<64x128xf32, #tpu.memory_space<vmem_shared>>) target_semaphore(%run_scoped3A : memref<!tpu.dma_semaphore, #tpu.memory_space<semaphore_mem>>)
      %dma_wait3A = arith.constant 0 : i32
      %dma_wait3A_150 = tpu.memref_slice %arg13[%add3A_13, %dma_wait3A] : memref<10240x128xf32, #tpu.memory_space<vmem_shared>> -> memref<64x128xf32, #tpu.memory_space<vmem_shared>>
      tpu.wait_dma2 semaphore(%run_scoped3A : memref<!tpu.dma_semaphore, #tpu.memory_space<semaphore_mem>>) src(%arg5 : memref<64x128xf32, #tpu.memory_space<hbm>>) dst(%dma_wait3A_150 : memref<64x128xf32, #tpu.memory_space<vmem_shared>>)
      tpu.yield
    }) : () -> ()
    %mul3A_14 = arith.constant 640 : i32
    %mul3A_15 = arith.muli %arg1, %mul3A_14 : i32
    %add3A_16 = arith.constant 64 : i32
    %add3A_17 = arith.addi %mul3A_15, %add3A_16 : i32
    "tpu.region"() ({
      %run_scoped3A = tpu.sem_alloc : memref<!tpu.dma_semaphore, #tpu.memory_space<semaphore_mem>>
      %dma_start3A_148 = arith.constant 0 : i32
      %dma_start3A_149 = tpu.memref_slice %arg13[%add3A_17, %dma_start3A_148] : memref<10240x128xf32, #tpu.memory_space<vmem_shared>> -> memref<64x128xf32, #tpu.memory_space<vmem_shared>>
      tpu.enqueue_dma source(%arg5 : memref<64x128xf32, #tpu.memory_space<hbm>>) target(%dma_start3A_149 : memref<64x128xf32, #tpu.memory_space<vmem_shared>>) target_semaphore(%run_scoped3A : memref<!tpu.dma_semaphore, #tpu.memory_space<semaphore_mem>>)
      %dma_wait3A = arith.constant 0 : i32
      %dma_wait3A_150 = tpu.memref_slice %arg13[%add3A_17, %dma_wait3A] : memref<10240x128xf32, #tpu.memory_space<vmem_shared>> -> memref<64x128xf32, #tpu.memory_space<vmem_shared>>
      tpu.wait_dma2 semaphore(%run_scoped3A : memref<!tpu.dma_semaphore, #tpu.memory_space<semaphore_mem>>) src(%arg5 : memref<64x128xf32, #tpu.memory_space<hbm>>) dst(%dma_wait3A_150 : memref<64x128xf32, #tpu.memory_space<vmem_shared>>)
      tpu.yield
    }) : () -> ()
    %mul3A_18 = arith.constant 640 : i32
    %mul3A_19 = arith.muli %arg1, %mul3A_18 : i32
    %add3A_20 = arith.constant 128 : i32
    %add3A_21 = arith.addi %mul3A_19, %add3A_20 : i32
    "tpu.region"() ({
      %run_scoped3A = tpu.sem_alloc : memref<!tpu.dma_semaphore, #tpu.memory_space<semaphore_mem>>
      %dma_start3A_148 = arith.constant 0 : i32
      %dma_start3A_149 = tpu.memref_slice %arg13[%add3A_21, %dma_start3A_148] : memref<10240x128xf32, #tpu.memory_space<vmem_shared>> -> memref<64x128xf32, #tpu.memory_space<vmem_shared>>
      tpu.enqueue_dma source(%arg5 : memref<64x128xf32, #tpu.memory_space<hbm>>) target(%dma_start3A_149 : memref<64x128xf32, #tpu.memory_space<vmem_shared>>) target_semaphore(%run_scoped3A : memref<!tpu.dma_semaphore, #tpu.memory_space<semaphore_mem>>)
      %dma_wait3A = arith.constant 0 : i32
      %dma_wait3A_150 = tpu.memref_slice %arg13[%add3A_21, %dma_wait3A] : memref<10240x128xf32, #tpu.memory_space<vmem_shared>> -> memref<64x128xf32, #tpu.memory_space<vmem_shared>>
      tpu.wait_dma2 semaphore(%run_scoped3A : memref<!tpu.dma_semaphore, #tpu.memory_space<semaphore_mem>>) src(%arg5 : memref<64x128xf32, #tpu.memory_space<hbm>>) dst(%dma_wait3A_150 : memref<64x128xf32, #tpu.memory_space<vmem_shared>>)
      tpu.yield
    }) : () -> ()
    %mul3A_22 = arith.constant 640 : i32
    %mul3A_23 = arith.muli %arg1, %mul3A_22 : i32
    %add3A_24 = arith.constant 192 : i32
    %add3A_25 = arith.addi %mul3A_23, %add3A_24 : i32
    "tpu.region"() ({
      %run_scoped3A = tpu.sem_alloc : memref<!tpu.dma_semaphore, #tpu.memory_space<semaphore_mem>>
      %dma_start3A_148 = arith.constant 0 : i32
      %dma_start3A_149 = tpu.memref_slice %arg13[%add3A_25, %dma_start3A_148] : memref<10240x128xf32, #tpu.memory_space<vmem_shared>> -> memref<64x128xf32, #tpu.memory_space<vmem_shared>>
      tpu.enqueue_dma source(%arg5 : memref<64x128xf32, #tpu.memory_space<hbm>>) target(%dma_start3A_149 : memref<64x128xf32, #tpu.memory_space<vmem_shared>>) target_semaphore(%run_scoped3A : memref<!tpu.dma_semaphore, #tpu.memory_space<semaphore_mem>>)
      %dma_wait3A = arith.constant 0 : i32
      %dma_wait3A_150 = tpu.memref_slice %arg13[%add3A_25, %dma_wait3A] : memref<10240x128xf32, #tpu.memory_space<vmem_shared>> -> memref<64x128xf32, #tpu.memory_space<vmem_shared>>
      tpu.wait_dma2 semaphore(%run_scoped3A : memref<!tpu.dma_semaphore, #tpu.memory_space<semaphore_mem>>) src(%arg5 : memref<64x128xf32, #tpu.memory_space<hbm>>) dst(%dma_wait3A_150 : memref<64x128xf32, #tpu.memory_space<vmem_shared>>)
      tpu.yield
    }) : () -> ()
    %mul3A_26 = arith.constant 640 : i32
    %mul3A_27 = arith.muli %arg1, %mul3A_26 : i32
    %add3A_28 = arith.constant 256 : i32
    %add3A_29 = arith.addi %mul3A_27, %add3A_28 : i32
    "tpu.region"() ({
      %run_scoped3A = tpu.sem_alloc : memref<!tpu.dma_semaphore, #tpu.memory_space<semaphore_mem>>
      %dma_start3A_148 = arith.constant 0 : i32
      %dma_start3A_149 = tpu.memref_slice %arg13[%add3A_29, %dma_start3A_148] : memref<10240x128xf32, #tpu.memory_space<vmem_shared>> -> memref<64x128xf32, #tpu.memory_space<vmem_shared>>
      tpu.enqueue_dma source(%arg5 : memref<64x128xf32, #tpu.memory_space<hbm>>) target(%dma_start3A_149 : memref<64x128xf32, #tpu.memory_space<vmem_shared>>) target_semaphore(%run_scoped3A : memref<!tpu.dma_semaphore, #tpu.memory_space<semaphore_mem>>)
      %dma_wait3A = arith.constant 0 : i32
      %dma_wait3A_150 = tpu.memref_slice %arg13[%add3A_29, %dma_wait3A] : memref<10240x128xf32, #tpu.memory_space<vmem_shared>> -> memref<64x128xf32, #tpu.memory_space<vmem_shared>>
      tpu.wait_dma2 semaphore(%run_scoped3A : memref<!tpu.dma_semaphore, #tpu.memory_space<semaphore_mem>>) src(%arg5 : memref<64x128xf32, #tpu.memory_space<hbm>>) dst(%dma_wait3A_150 : memref<64x128xf32, #tpu.memory_space<vmem_shared>>)
      tpu.yield
    }) : () -> ()
    %mul3A_30 = arith.constant 640 : i32
    %mul3A_31 = arith.muli %arg1, %mul3A_30 : i32
    %add3A_32 = arith.constant 320 : i32
    %add3A_33 = arith.addi %mul3A_31, %add3A_32 : i32
    "tpu.region"() ({
      %run_scoped3A = tpu.sem_alloc : memref<!tpu.dma_semaphore, #tpu.memory_space<semaphore_mem>>
      %dma_start3A_148 = arith.constant 0 : i32
      %dma_start3A_149 = tpu.memref_slice %arg13[%add3A_33, %dma_start3A_148] : memref<10240x128xf32, #tpu.memory_space<vmem_shared>> -> memref<64x128xf32, #tpu.memory_space<vmem_shared>>
      tpu.enqueue_dma source(%arg5 : memref<64x128xf32, #tpu.memory_space<hbm>>) target(%dma_start3A_149 : memref<64x128xf32, #tpu.memory_space<vmem_shared>>) target_semaphore(%run_scoped3A : memref<!tpu.dma_semaphore, #tpu.memory_space<semaphore_mem>>)
      %dma_wait3A = arith.constant 0 : i32
      %dma_wait3A_150 = tpu.memref_slice %arg13[%add3A_33, %dma_wait3A] : memref<10240x128xf32, #tpu.memory_space<vmem_shared>> -> memref<64x128xf32, #tpu.memory_space<vmem_shared>>
      tpu.wait_dma2 semaphore(%run_scoped3A : memref<!tpu.dma_semaphore, #tpu.memory_space<semaphore_mem>>) src(%arg5 : memref<64x128xf32, #tpu.memory_space<hbm>>) dst(%dma_wait3A_150 : memref<64x128xf32, #tpu.memory_space<vmem_shared>>)
      tpu.yield
    }) : () -> ()
    %mul3A_34 = arith.constant 640 : i32
    %mul3A_35 = arith.muli %arg1, %mul3A_34 : i32
    %add3A_36 = arith.constant 384 : i32
    %add3A_37 = arith.addi %mul3A_35, %add3A_36 : i32
    "tpu.region"() ({
      %run_scoped3A = tpu.sem_alloc : memref<!tpu.dma_semaphore, #tpu.memory_space<semaphore_mem>>
      %dma_start3A_148 = arith.constant 0 : i32
      %dma_start3A_149 = tpu.memref_slice %arg13[%add3A_37, %dma_start3A_148] : memref<10240x128xf32, #tpu.memory_space<vmem_shared>> -> memref<64x128xf32, #tpu.memory_space<vmem_shared>>
      tpu.enqueue_dma source(%arg5 : memref<64x128xf32, #tpu.memory_space<hbm>>) target(%dma_start3A_149 : memref<64x128xf32, #tpu.memory_space<vmem_shared>>) target_semaphore(%run_scoped3A : memref<!tpu.dma_semaphore, #tpu.memory_space<semaphore_mem>>)
      %dma_wait3A = arith.constant 0 : i32
      %dma_wait3A_150 = tpu.memref_slice %arg13[%add3A_37, %dma_wait3A] : memref<10240x128xf32, #tpu.memory_space<vmem_shared>> -> memref<64x128xf32, #tpu.memory_space<vmem_shared>>
      tpu.wait_dma2 semaphore(%run_scoped3A : memref<!tpu.dma_semaphore, #tpu.memory_space<semaphore_mem>>) src(%arg5 : memref<64x128xf32, #tpu.memory_space<hbm>>) dst(%dma_wait3A_150 : memref<64x128xf32, #tpu.memory_space<vmem_shared>>)
      tpu.yield
    }) : () -> ()
    %mul3A_38 = arith.constant 640 : i32
    %mul3A_39 = arith.muli %arg1, %mul3A_38 : i32
    %add3A_40 = arith.constant 448 : i32
    %add3A_41 = arith.addi %mul3A_39, %add3A_40 : i32
    "tpu.region"() ({
      %run_scoped3A = tpu.sem_alloc : memref<!tpu.dma_semaphore, #tpu.memory_space<semaphore_mem>>
      %dma_start3A_148 = arith.constant 0 : i32
      %dma_start3A_149 = tpu.memref_slice %arg13[%add3A_41, %dma_start3A_148] : memref<10240x128xf32, #tpu.memory_space<vmem_shared>> -> memref<64x128xf32, #tpu.memory_space<vmem_shared>>
      tpu.enqueue_dma source(%arg5 : memref<64x128xf32, #tpu.memory_space<hbm>>) target(%dma_start3A_149 : memref<64x128xf32, #tpu.memory_space<vmem_shared>>) target_semaphore(%run_scoped3A : memref<!tpu.dma_semaphore, #tpu.memory_space<semaphore_mem>>)
      %dma_wait3A = arith.constant 0 : i32
      %dma_wait3A_150 = tpu.memref_slice %arg13[%add3A_41, %dma_wait3A] : memref<10240x128xf32, #tpu.memory_space<vmem_shared>> -> memref<64x128xf32, #tpu.memory_space<vmem_shared>>
      tpu.wait_dma2 semaphore(%run_scoped3A : memref<!tpu.dma_semaphore, #tpu.memory_space<semaphore_mem>>) src(%arg5 : memref<64x128xf32, #tpu.memory_space<hbm>>) dst(%dma_wait3A_150 : memref<64x128xf32, #tpu.memory_space<vmem_shared>>)
      tpu.yield
    }) : () -> ()
    %mul3A_42 = arith.constant 640 : i32
    %mul3A_43 = arith.muli %arg1, %mul3A_42 : i32
    %add3A_44 = arith.constant 512 : i32
    %add3A_45 = arith.addi %mul3A_43, %add3A_44 : i32
    "tpu.region"() ({
      %run_scoped3A = tpu.sem_alloc : memref<!tpu.dma_semaphore, #tpu.memory_space<semaphore_mem>>
      %dma_start3A_148 = arith.constant 0 : i32
      %dma_start3A_149 = tpu.memref_slice %arg13[%add3A_45, %dma_start3A_148] : memref<10240x128xf32, #tpu.memory_space<vmem_shared>> -> memref<64x128xf32, #tpu.memory_space<vmem_shared>>
      tpu.enqueue_dma source(%arg5 : memref<64x128xf32, #tpu.memory_space<hbm>>) target(%dma_start3A_149 : memref<64x128xf32, #tpu.memory_space<vmem_shared>>) target_semaphore(%run_scoped3A : memref<!tpu.dma_semaphore, #tpu.memory_space<semaphore_mem>>)
      %dma_wait3A = arith.constant 0 : i32
      %dma_wait3A_150 = tpu.memref_slice %arg13[%add3A_45, %dma_wait3A] : memref<10240x128xf32, #tpu.memory_space<vmem_shared>> -> memref<64x128xf32, #tpu.memory_space<vmem_shared>>
      tpu.wait_dma2 semaphore(%run_scoped3A : memref<!tpu.dma_semaphore, #tpu.memory_space<semaphore_mem>>) src(%arg5 : memref<64x128xf32, #tpu.memory_space<hbm>>) dst(%dma_wait3A_150 : memref<64x128xf32, #tpu.memory_space<vmem_shared>>)
      tpu.yield
    }) : () -> ()
    %mul3A_46 = arith.constant 640 : i32
    %mul3A_47 = arith.muli %arg1, %mul3A_46 : i32
    %add3A_48 = arith.constant 576 : i32
    %add3A_49 = arith.addi %mul3A_47, %add3A_48 : i32
    "tpu.region"() ({
      %run_scoped3A = tpu.sem_alloc : memref<!tpu.dma_semaphore, #tpu.memory_space<semaphore_mem>>
      %dma_start3A_148 = arith.constant 0 : i32
      %dma_start3A_149 = tpu.memref_slice %arg13[%add3A_49, %dma_start3A_148] : memref<10240x128xf32, #tpu.memory_space<vmem_shared>> -> memref<64x128xf32, #tpu.memory_space<vmem_shared>>
      tpu.enqueue_dma source(%arg5 : memref<64x128xf32, #tpu.memory_space<hbm>>) target(%dma_start3A_149 : memref<64x128xf32, #tpu.memory_space<vmem_shared>>) target_semaphore(%run_scoped3A : memref<!tpu.dma_semaphore, #tpu.memory_space<semaphore_mem>>)
      %dma_wait3A = arith.constant 0 : i32
      %dma_wait3A_150 = tpu.memref_slice %arg13[%add3A_49, %dma_wait3A] : memref<10240x128xf32, #tpu.memory_space<vmem_shared>> -> memref<64x128xf32, #tpu.memory_space<vmem_shared>>
      tpu.wait_dma2 semaphore(%run_scoped3A : memref<!tpu.dma_semaphore, #tpu.memory_space<semaphore_mem>>) src(%arg5 : memref<64x128xf32, #tpu.memory_space<hbm>>) dst(%dma_wait3A_150 : memref<64x128xf32, #tpu.memory_space<vmem_shared>>)
      tpu.yield
    }) : () -> ()
    "tpu.region"() ({
      %run_scoped3A = tpu.sem_alloc : memref<!tpu.dma_semaphore, #tpu.memory_space<semaphore_mem>>
      %dma_start3A_148 = tpu.memref_slice %arg3[%select_n3A_9] : memref<339200xi32, #tpu.memory_space<hbm>> -> memref<16000xi32, #tpu.memory_space<hbm>>
      %dma_start3A_149 = tpu.memref_slice %arg3[%select_n3A_9] : memref<339200xi32, #tpu.memory_space<hbm>> -> memref<16000xi32, #tpu.memory_space<hbm>>
      tpu.enqueue_dma source(%dma_start3A_149 : memref<16000xi32, #tpu.memory_space<hbm>>) target(%arg9 : memref<16000xi32, #tpu.memory_space<vmem>>) target_semaphore(%run_scoped3A : memref<!tpu.dma_semaphore, #tpu.memory_space<semaphore_mem>>)
      %dma_wait3A = tpu.memref_slice %arg3[%select_n3A_9] : memref<339200xi32, #tpu.memory_space<hbm>> -> memref<16000xi32, #tpu.memory_space<hbm>>
      %dma_wait3A_150 = tpu.memref_slice %arg3[%select_n3A_9] : memref<339200xi32, #tpu.memory_space<hbm>> -> memref<16000xi32, #tpu.memory_space<hbm>>
      tpu.wait_dma2 semaphore(%run_scoped3A : memref<!tpu.dma_semaphore, #tpu.memory_space<semaphore_mem>>) src(%dma_wait3A_150 : memref<16000xi32, #tpu.memory_space<hbm>>) dst(%arg9 : memref<16000xi32, #tpu.memory_space<vmem>>)
      tpu.yield
    }) : () -> ()
    "tpu.region"() ({
      %run_scoped3A = tpu.sem_alloc : memref<!tpu.dma_semaphore, #tpu.memory_space<semaphore_mem>>
      %dma_start3A_148 = tpu.memref_slice %arg4[%select_n3A_9] : memref<339200xi32, #tpu.memory_space<hbm>> -> memref<16000xi32, #tpu.memory_space<hbm>>
      %dma_start3A_149 = tpu.memref_slice %arg4[%select_n3A_9] : memref<339200xi32, #tpu.memory_space<hbm>> -> memref<16000xi32, #tpu.memory_space<hbm>>
      tpu.enqueue_dma source(%dma_start3A_149 : memref<16000xi32, #tpu.memory_space<hbm>>) target(%arg10 : memref<16000xi32, #tpu.memory_space<vmem>>) target_semaphore(%run_scoped3A : memref<!tpu.dma_semaphore, #tpu.memory_space<semaphore_mem>>)
      %dma_wait3A = tpu.memref_slice %arg4[%select_n3A_9] : memref<339200xi32, #tpu.memory_space<hbm>> -> memref<16000xi32, #tpu.memory_space<hbm>>
      %dma_wait3A_150 = tpu.memref_slice %arg4[%select_n3A_9] : memref<339200xi32, #tpu.memory_space<hbm>> -> memref<16000xi32, #tpu.memory_space<hbm>>
      tpu.wait_dma2 semaphore(%run_scoped3A : memref<!tpu.dma_semaphore, #tpu.memory_space<semaphore_mem>>) src(%dma_wait3A_150 : memref<16000xi32, #tpu.memory_space<hbm>>) dst(%arg10 : memref<16000xi32, #tpu.memory_space<vmem>>)
      tpu.yield
    }) : () -> ()
    %barrier3A = arith.constant 0 : index
    tpu.barrier barrier_id(%barrier3A)
    %dma_start3A = arith.constant 0 : i32
    %dma_start3A_50 = tpu.memref_slice %arg9[%dma_start3A] : memref<16000xi32, #tpu.memory_space<vmem>> -> memref<64xi32, #tpu.memory_space<vmem>>
    %dma_start3A_51 = arith.constant 0 : i32
    %dma_start3A_52 = arith.constant 0 : i32
    %dma_start3A_53 = tpu.memref_slice %arg2[%dma_start3A_51, %dma_start3A_52] : memref<10000x128xf32, #tpu.memory_space<hbm>> -> memref<10000x128xf32, #tpu.memory_space<hbm>>
    tpu.enqueue_indirect_dma source(%dma_start3A_53 : memref<10000x128xf32, #tpu.memory_space<hbm>>) target(%arg11 : memref<64x128xf32, #tpu.memory_space<vmem>>) offsets(%dma_start3A_50 : memref<64xi32, #tpu.memory_space<vmem>>) semaphore(%arg14 : memref<!tpu.dma_semaphore, #tpu.memory_space<semaphore_mem>>)
    %jit3A_54 = arith.constant 2 : i32
    %div3A = arith.divsi %select_n3A_4, %jit3A_54 : i32
    %sign3A = arith.constant 0 : i32
    %sign3A_55 = arith.cmpi sgt, %select_n3A_4, %sign3A : i32
    %sign3A_56 = arith.extui %sign3A_55 : i1 to i32
    %sign3A_57 = arith.constant 0 : i32
    %sign3A_58 = arith.cmpi slt, %select_n3A_4, %sign3A_57 : i32
    %sign3A_59 = arith.extui %sign3A_58 : i1 to i32
    %sign3A_60 = arith.subi %sign3A_56, %sign3A_59 : i32
    %sign3A_61 = arith.constant 0 : i32
    %sign3A_62 = arith.cmpi sgt, %jit3A_54, %sign3A_61 : i32
    %sign3A_63 = arith.extui %sign3A_62 : i1 to i32
    %sign3A_64 = arith.constant 0 : i32
    %sign3A_65 = arith.cmpi slt, %jit3A_54, %sign3A_64 : i32
    %sign3A_66 = arith.extui %sign3A_65 : i1 to i32
    %sign3A_67 = arith.subi %sign3A_63, %sign3A_66 : i32
    %ne3A = arith.cmpi ne, %sign3A_60, %sign3A_67 : i32
    %rem3A = arith.remsi %select_n3A_4, %jit3A_54 : i32
    %ne3A_68 = arith.constant 0 : i32
    %ne3A_69 = arith.cmpi ne, %rem3A, %ne3A_68 : i32
    %and3A = arith.andi %ne3A, %ne3A_69 : i1
    %sub3A = arith.constant 1 : i32
    %sub3A_70 = arith.subi %div3A, %sub3A : i32
    %select_n3A_71 = arith.select %and3A, %sub3A_70, %div3A : i32
    %while3A = arith.constant 0 : i32
    %while3A_72 = arith.constant 0 : i32
    %while3A_73 = arith.subi %select_n3A_71, %while3A_72 : i32
    %while3A_74 = arith.addi %while3A_72, %while3A_73 : i32
    %while3A_75 = arith.constant 1 : i32
    %while3A_76 = arith.divsi %while3A_73, %while3A_75 : i32
    %while3A_77 = arith.muli %while3A_76, %while3A_75 : i32
    %while3A_78 = arith.addi %while3A_72, %while3A_77 : i32
    %while3A_79 = arith.constant 1 : i32
    scf.for %while3A_148 = %while3A_72 to %while3A_78 step %while3A_79  : i32 {
      %mul3A_149 = arith.constant 2 : i32
      %mul3A_150 = arith.muli %mul3A_149, %while3A_148 : i32
      %mul3A_151 = arith.constant 64 : i32
      %mul3A_152 = arith.muli %mul3A_150, %mul3A_151 : i32
      %add3A_153 = arith.constant 64 : i32
      %add3A_154 = arith.addi %mul3A_152, %add3A_153 : i32
      %dma_start3A_155 = tpu.memref_slice %arg9[%add3A_154] : memref<16000xi32, #tpu.memory_space<vmem>> -> memref<64xi32, #tpu.memory_space<vmem>>
      %dma_start3A_156 = arith.constant 0 : i32
      %dma_start3A_157 = arith.constant 0 : i32
      %dma_start3A_158 = tpu.memref_slice %arg2[%dma_start3A_156, %dma_start3A_157] : memref<10000x128xf32, #tpu.memory_space<hbm>> -> memref<10000x128xf32, #tpu.memory_space<hbm>>
      tpu.enqueue_indirect_dma source(%dma_start3A_158 : memref<10000x128xf32, #tpu.memory_space<hbm>>) target(%arg12 : memref<64x128xf32, #tpu.memory_space<vmem>>) offsets(%dma_start3A_155 : memref<64xi32, #tpu.memory_space<vmem>>) semaphore(%arg15 : memref<!tpu.dma_semaphore, #tpu.memory_space<semaphore_mem>>)
      %dma_wait3A = tpu.memref_slice %arg9[%mul3A_152] : memref<16000xi32, #tpu.memory_space<vmem>> -> memref<64xi32, #tpu.memory_space<vmem>>
      %dma_wait3A_159 = arith.constant 0 : i32
      %dma_wait3A_160 = arith.constant 0 : i32
      %dma_wait3A_161 = tpu.memref_slice %arg2[%dma_wait3A_159, %dma_wait3A_160] : memref<10000x128xf32, #tpu.memory_space<hbm>> -> memref<10000x128xf32, #tpu.memory_space<hbm>>
      tpu.wait_indirect_dma semaphore(%arg14 : memref<!tpu.dma_semaphore, #tpu.memory_space<semaphore_mem>>) src(%dma_wait3A_161 : memref<10000x128xf32, #tpu.memory_space<hbm>>) dst(%arg11 : memref<64x128xf32, #tpu.memory_space<vmem>>)
      "tpu.region"() ({
        %run_scoped3A = tpu.sem_alloc : memref<!tpu.dma_semaphore, #tpu.memory_space<semaphore_mem>>
        %dma_start3A_173 = tpu.memref_slice %arg10[%mul3A_152] : memref<16000xi32, #tpu.memory_space<vmem>> -> memref<64xi32, #tpu.memory_space<vmem>>
        %dma_start3A_174 = arith.constant 0 : i32
        %dma_start3A_175 = arith.constant 0 : i32
        %dma_start3A_176 = tpu.memref_slice %arg13[%dma_start3A_174, %dma_start3A_175] : memref<10240x128xf32, #tpu.memory_space<vmem_shared>> -> memref<10240x128xf32, #tpu.memory_space<vmem_shared>>
        tpu.enqueue_indirect_dma source(%arg11 : memref<64x128xf32, #tpu.memory_space<vmem>>) target(%dma_start3A_176 : memref<10240x128xf32, #tpu.memory_space<vmem_shared>>) offsets(%dma_start3A_173 : memref<64xi32, #tpu.memory_space<vmem>>) semaphore(%run_scoped3A : memref<!tpu.dma_semaphore, #tpu.memory_space<semaphore_mem>>) {add = true}
        %dma_wait3A_177 = tpu.memref_slice %arg10[%mul3A_152] : memref<16000xi32, #tpu.memory_space<vmem>> -> memref<64xi32, #tpu.memory_space<vmem>>
        %dma_wait3A_178 = arith.constant 0 : i32
        %dma_wait3A_179 = arith.constant 0 : i32
        %dma_wait3A_180 = tpu.memref_slice %arg13[%dma_wait3A_178, %dma_wait3A_179] : memref<10240x128xf32, #tpu.memory_space<vmem_shared>> -> memref<10240x128xf32, #tpu.memory_space<vmem_shared>>
        tpu.wait_indirect_dma semaphore(%run_scoped3A : memref<!tpu.dma_semaphore, #tpu.memory_space<semaphore_mem>>) src(%arg11 : memref<64x128xf32, #tpu.memory_space<vmem>>) dst(%dma_wait3A_180 : memref<10240x128xf32, #tpu.memory_space<vmem_shared>>)
        tpu.yield
      }) : () -> ()
      %mul3A_162 = arith.constant 2 : i32
      %mul3A_163 = arith.muli %mul3A_162, %while3A_148 : i32
      %add3A_164 = arith.constant 2 : i32
      %add3A_165 = arith.addi %mul3A_163, %add3A_164 : i32
      %lt3A = arith.cmpi slt, %add3A_165, %select_n3A_4 : i32
      %convert_element_type3A = arith.extui %lt3A : i1 to i32
      %cond3A = arith.constant 0 : i32
      %cond3A_166 = arith.cmpi ne, %convert_element_type3A, %cond3A : i32
      scf.if %cond3A_166 {
        %add3A_173 = arith.constant 128 : i32
        %add3A_174 = arith.addi %mul3A_152, %add3A_173 : i32
        %dma_start3A_175 = tpu.memref_slice %arg9[%add3A_174] : memref<16000xi32, #tpu.memory_space<vmem>> -> memref<64xi32, #tpu.memory_space<vmem>>
        %dma_start3A_176 = arith.constant 0 : i32
        %dma_start3A_177 = arith.constant 0 : i32
        %dma_start3A_178 = tpu.memref_slice %arg2[%dma_start3A_176, %dma_start3A_177] : memref<10000x128xf32, #tpu.memory_space<hbm>> -> memref<10000x128xf32, #tpu.memory_space<hbm>>
        tpu.enqueue_indirect_dma source(%dma_start3A_178 : memref<10000x128xf32, #tpu.memory_space<hbm>>) target(%arg11 : memref<64x128xf32, #tpu.memory_space<vmem>>) offsets(%dma_start3A_175 : memref<64xi32, #tpu.memory_space<vmem>>) semaphore(%arg14 : memref<!tpu.dma_semaphore, #tpu.memory_space<semaphore_mem>>)
      } else {
      }
      %dma_wait3A_167 = tpu.memref_slice %arg9[%add3A_154] : memref<16000xi32, #tpu.memory_space<vmem>> -> memref<64xi32, #tpu.memory_space<vmem>>
      %dma_wait3A_168 = arith.constant 0 : i32
      %dma_wait3A_169 = arith.constant 0 : i32
      %dma_wait3A_170 = tpu.memref_slice %arg2[%dma_wait3A_168, %dma_wait3A_169] : memref<10000x128xf32, #tpu.memory_space<hbm>> -> memref<10000x128xf32, #tpu.memory_space<hbm>>
      tpu.wait_indirect_dma semaphore(%arg15 : memref<!tpu.dma_semaphore, #tpu.memory_space<semaphore_mem>>) src(%dma_wait3A_170 : memref<10000x128xf32, #tpu.memory_space<hbm>>) dst(%arg12 : memref<64x128xf32, #tpu.memory_space<vmem>>)
      %add3A_171 = arith.constant 64 : i32
      %add3A_172 = arith.addi %mul3A_152, %add3A_171 : i32
      "tpu.region"() ({
        %run_scoped3A = tpu.sem_alloc : memref<!tpu.dma_semaphore, #tpu.memory_space<semaphore_mem>>
        %dma_start3A_173 = tpu.memref_slice %arg10[%add3A_172] : memref<16000xi32, #tpu.memory_space<vmem>> -> memref<64xi32, #tpu.memory_space<vmem>>
        %dma_start3A_174 = arith.constant 0 : i32
        %dma_start3A_175 = arith.constant 0 : i32
        %dma_start3A_176 = tpu.memref_slice %arg13[%dma_start3A_174, %dma_start3A_175] : memref<10240x128xf32, #tpu.memory_space<vmem_shared>> -> memref<10240x128xf32, #tpu.memory_space<vmem_shared>>
        tpu.enqueue_indirect_dma source(%arg12 : memref<64x128xf32, #tpu.memory_space<vmem>>) target(%dma_start3A_176 : memref<10240x128xf32, #tpu.memory_space<vmem_shared>>) offsets(%dma_start3A_173 : memref<64xi32, #tpu.memory_space<vmem>>) semaphore(%run_scoped3A : memref<!tpu.dma_semaphore, #tpu.memory_space<semaphore_mem>>) {add = true}
        %dma_wait3A_177 = tpu.memref_slice %arg10[%add3A_172] : memref<16000xi32, #tpu.memory_space<vmem>> -> memref<64xi32, #tpu.memory_space<vmem>>
        %dma_wait3A_178 = arith.constant 0 : i32
        %dma_wait3A_179 = arith.constant 0 : i32
        %dma_wait3A_180 = tpu.memref_slice %arg13[%dma_wait3A_178, %dma_wait3A_179] : memref<10240x128xf32, #tpu.memory_space<vmem_shared>> -> memref<10240x128xf32, #tpu.memory_space<vmem_shared>>
        tpu.wait_indirect_dma semaphore(%run_scoped3A : memref<!tpu.dma_semaphore, #tpu.memory_space<semaphore_mem>>) src(%arg12 : memref<64x128xf32, #tpu.memory_space<vmem>>) dst(%dma_wait3A_180 : memref<10240x128xf32, #tpu.memory_space<vmem_shared>>)
        tpu.yield
      }) : () -> ()
    }
    %while3A_80 = arith.constant 1 : i32
    scf.for %while3A_148 = %while3A_78 to %while3A_74 step %while3A_80  : i32 {
      %mul3A_149 = arith.constant 2 : i32
      %mul3A_150 = arith.muli %mul3A_149, %while3A_148 : i32
      %mul3A_151 = arith.constant 64 : i32
      %mul3A_152 = arith.muli %mul3A_150, %mul3A_151 : i32
      %add3A_153 = arith.constant 64 : i32
      %add3A_154 = arith.addi %mul3A_152, %add3A_153 : i32
      %dma_start3A_155 = tpu.memref_slice %arg9[%add3A_154] : memref<16000xi32, #tpu.memory_space<vmem>> -> memref<64xi32, #tpu.memory_space<vmem>>
      %dma_start3A_156 = arith.constant 0 : i32
      %dma_start3A_157 = arith.constant 0 : i32
      %dma_start3A_158 = tpu.memref_slice %arg2[%dma_start3A_156, %dma_start3A_157] : memref<10000x128xf32, #tpu.memory_space<hbm>> -> memref<10000x128xf32, #tpu.memory_space<hbm>>
      tpu.enqueue_indirect_dma source(%dma_start3A_158 : memref<10000x128xf32, #tpu.memory_space<hbm>>) target(%arg12 : memref<64x128xf32, #tpu.memory_space<vmem>>) offsets(%dma_start3A_155 : memref<64xi32, #tpu.memory_space<vmem>>) semaphore(%arg15 : memref<!tpu.dma_semaphore, #tpu.memory_space<semaphore_mem>>)
      %dma_wait3A = tpu.memref_slice %arg9[%mul3A_152] : memref<16000xi32, #tpu.memory_space<vmem>> -> memref<64xi32, #tpu.memory_space<vmem>>
      %dma_wait3A_159 = arith.constant 0 : i32
      %dma_wait3A_160 = arith.constant 0 : i32
      %dma_wait3A_161 = tpu.memref_slice %arg2[%dma_wait3A_159, %dma_wait3A_160] : memref<10000x128xf32, #tpu.memory_space<hbm>> -> memref<10000x128xf32, #tpu.memory_space<hbm>>
      tpu.wait_indirect_dma semaphore(%arg14 : memref<!tpu.dma_semaphore, #tpu.memory_space<semaphore_mem>>) src(%dma_wait3A_161 : memref<10000x128xf32, #tpu.memory_space<hbm>>) dst(%arg11 : memref<64x128xf32, #tpu.memory_space<vmem>>)
      "tpu.region"() ({
        %run_scoped3A = tpu.sem_alloc : memref<!tpu.dma_semaphore, #tpu.memory_space<semaphore_mem>>
        %dma_start3A_173 = tpu.memref_slice %arg10[%mul3A_152] : memref<16000xi32, #tpu.memory_space<vmem>> -> memref<64xi32, #tpu.memory_space<vmem>>
        %dma_start3A_174 = arith.constant 0 : i32
        %dma_start3A_175 = arith.constant 0 : i32
        %dma_start3A_176 = tpu.memref_slice %arg13[%dma_start3A_174, %dma_start3A_175] : memref<10240x128xf32, #tpu.memory_space<vmem_shared>> -> memref<10240x128xf32, #tpu.memory_space<vmem_shared>>
        tpu.enqueue_indirect_dma source(%arg11 : memref<64x128xf32, #tpu.memory_space<vmem>>) target(%dma_start3A_176 : memref<10240x128xf32, #tpu.memory_space<vmem_shared>>) offsets(%dma_start3A_173 : memref<64xi32, #tpu.memory_space<vmem>>) semaphore(%run_scoped3A : memref<!tpu.dma_semaphore, #tpu.memory_space<semaphore_mem>>) {add = true}
        %dma_wait3A_177 = tpu.memref_slice %arg10[%mul3A_152] : memref<16000xi32, #tpu.memory_space<vmem>> -> memref<64xi32, #tpu.memory_space<vmem>>
        %dma_wait3A_178 = arith.constant 0 : i32
        %dma_wait3A_179 = arith.constant 0 : i32
        %dma_wait3A_180 = tpu.memref_slice %arg13[%dma_wait3A_178, %dma_wait3A_179] : memref<10240x128xf32, #tpu.memory_space<vmem_shared>> -> memref<10240x128xf32, #tpu.memory_space<vmem_shared>>
        tpu.wait_indirect_dma semaphore(%run_scoped3A : memref<!tpu.dma_semaphore, #tpu.memory_space<semaphore_mem>>) src(%arg11 : memref<64x128xf32, #tpu.memory_space<vmem>>) dst(%dma_wait3A_180 : memref<10240x128xf32, #tpu.memory_space<vmem_shared>>)
        tpu.yield
      }) : () -> ()
      %mul3A_162 = arith.constant 2 : i32
      %mul3A_163 = arith.muli %mul3A_162, %while3A_148 : i32
      %add3A_164 = arith.constant 2 : i32
      %add3A_165 = arith.addi %mul3A_163, %add3A_164 : i32
      %lt3A = arith.cmpi slt, %add3A_165, %select_n3A_4 : i32
      %convert_element_type3A = arith.extui %lt3A : i1 to i32
      %cond3A = arith.constant 0 : i32
      %cond3A_166 = arith.cmpi ne, %convert_element_type3A, %cond3A : i32
      scf.if %cond3A_166 {
        %add3A_173 = arith.constant 128 : i32
        %add3A_174 = arith.addi %mul3A_152, %add3A_173 : i32
        %dma_start3A_175 = tpu.memref_slice %arg9[%add3A_174] : memref<16000xi32, #tpu.memory_space<vmem>> -> memref<64xi32, #tpu.memory_space<vmem>>
        %dma_start3A_176 = arith.constant 0 : i32
        %dma_start3A_177 = arith.constant 0 : i32
        %dma_start3A_178 = tpu.memref_slice %arg2[%dma_start3A_176, %dma_start3A_177] : memref<10000x128xf32, #tpu.memory_space<hbm>> -> memref<10000x128xf32, #tpu.memory_space<hbm>>
        tpu.enqueue_indirect_dma source(%dma_start3A_178 : memref<10000x128xf32, #tpu.memory_space<hbm>>) target(%arg11 : memref<64x128xf32, #tpu.memory_space<vmem>>) offsets(%dma_start3A_175 : memref<64xi32, #tpu.memory_space<vmem>>) semaphore(%arg14 : memref<!tpu.dma_semaphore, #tpu.memory_space<semaphore_mem>>)
      } else {
      }
      %dma_wait3A_167 = tpu.memref_slice %arg9[%add3A_154] : memref<16000xi32, #tpu.memory_space<vmem>> -> memref<64xi32, #tpu.memory_space<vmem>>
      %dma_wait3A_168 = arith.constant 0 : i32
      %dma_wait3A_169 = arith.constant 0 : i32
      %dma_wait3A_170 = tpu.memref_slice %arg2[%dma_wait3A_168, %dma_wait3A_169] : memref<10000x128xf32, #tpu.memory_space<hbm>> -> memref<10000x128xf32, #tpu.memory_space<hbm>>
      tpu.wait_indirect_dma semaphore(%arg15 : memref<!tpu.dma_semaphore, #tpu.memory_space<semaphore_mem>>) src(%dma_wait3A_170 : memref<10000x128xf32, #tpu.memory_space<hbm>>) dst(%arg12 : memref<64x128xf32, #tpu.memory_space<vmem>>)
      %add3A_171 = arith.constant 64 : i32
      %add3A_172 = arith.addi %mul3A_152, %add3A_171 : i32
      "tpu.region"() ({
        %run_scoped3A = tpu.sem_alloc : memref<!tpu.dma_semaphore, #tpu.memory_space<semaphore_mem>>
        %dma_start3A_173 = tpu.memref_slice %arg10[%add3A_172] : memref<16000xi32, #tpu.memory_space<vmem>> -> memref<64xi32, #tpu.memory_space<vmem>>
        %dma_start3A_174 = arith.constant 0 : i32
        %dma_start3A_175 = arith.constant 0 : i32
        %dma_start3A_176 = tpu.memref_slice %arg13[%dma_start3A_174, %dma_start3A_175] : memref<10240x128xf32, #tpu.memory_space<vmem_shared>> -> memref<10240x128xf32, #tpu.memory_space<vmem_shared>>
        tpu.enqueue_indirect_dma source(%arg12 : memref<64x128xf32, #tpu.memory_space<vmem>>) target(%dma_start3A_176 : memref<10240x128xf32, #tpu.memory_space<vmem_shared>>) offsets(%dma_start3A_173 : memref<64xi32, #tpu.memory_space<vmem>>) semaphore(%run_scoped3A : memref<!tpu.dma_semaphore, #tpu.memory_space<semaphore_mem>>) {add = true}
        %dma_wait3A_177 = tpu.memref_slice %arg10[%add3A_172] : memref<16000xi32, #tpu.memory_space<vmem>> -> memref<64xi32, #tpu.memory_space<vmem>>
        %dma_wait3A_178 = arith.constant 0 : i32
        %dma_wait3A_179 = arith.constant 0 : i32
        %dma_wait3A_180 = tpu.memref_slice %arg13[%dma_wait3A_178, %dma_wait3A_179] : memref<10240x128xf32, #tpu.memory_space<vmem_shared>> -> memref<10240x128xf32, #tpu.memory_space<vmem_shared>>
        tpu.wait_indirect_dma semaphore(%run_scoped3A : memref<!tpu.dma_semaphore, #tpu.memory_space<semaphore_mem>>) src(%arg12 : memref<64x128xf32, #tpu.memory_space<vmem>>) dst(%dma_wait3A_180 : memref<10240x128xf32, #tpu.memory_space<vmem_shared>>)
        tpu.yield
      }) : () -> ()
    }
    %barrier3A_81 = arith.constant 0 : index
    tpu.barrier barrier_id(%barrier3A_81)
    %mul3A_82 = arith.constant 640 : i32
    %mul3A_83 = arith.muli %arg1, %mul3A_82 : i32
    %mul3A_84 = arith.constant 10240 : i32
    %mul3A_85 = arith.muli %arg0, %mul3A_84 : i32
    %mul3A_86 = arith.constant 640 : i32
    %mul3A_87 = arith.muli %arg1, %mul3A_86 : i32
    %add3A_88 = arith.addi %mul3A_85, %mul3A_87 : i32
    "tpu.region"() ({
      %run_scoped3A = tpu.sem_alloc : memref<!tpu.dma_semaphore, #tpu.memory_space<semaphore_mem>>
      %dma_start3A_148 = arith.constant 0 : i32
      %dma_start3A_149 = tpu.memref_slice %arg7[%add3A_88, %dma_start3A_148] : memref<20480x128xf32, #tpu.memory_space<hbm>> -> memref<640x128xf32, #tpu.memory_space<hbm>>
      %dma_start3A_150 = arith.constant 0 : i32
      %dma_start3A_151 = tpu.memref_slice %arg13[%mul3A_83, %dma_start3A_150] : memref<10240x128xf32, #tpu.memory_space<vmem_shared>> -> memref<640x128xf32, #tpu.memory_space<vmem_shared>>
      tpu.enqueue_dma source(%dma_start3A_151 : memref<640x128xf32, #tpu.memory_space<vmem_shared>>) target(%dma_start3A_149 : memref<640x128xf32, #tpu.memory_space<hbm>>) target_semaphore(%run_scoped3A : memref<!tpu.dma_semaphore, #tpu.memory_space<semaphore_mem>>)
      %dma_wait3A = arith.constant 0 : i32
      %dma_wait3A_152 = tpu.memref_slice %arg7[%add3A_88, %dma_wait3A] : memref<20480x128xf32, #tpu.memory_space<hbm>> -> memref<640x128xf32, #tpu.memory_space<hbm>>
      %dma_wait3A_153 = arith.constant 0 : i32
      %dma_wait3A_154 = tpu.memref_slice %arg13[%mul3A_83, %dma_wait3A_153] : memref<10240x128xf32, #tpu.memory_space<vmem_shared>> -> memref<640x128xf32, #tpu.memory_space<vmem_shared>>
      tpu.wait_dma2 semaphore(%run_scoped3A : memref<!tpu.dma_semaphore, #tpu.memory_space<semaphore_mem>>) src(%dma_wait3A_154 : memref<640x128xf32, #tpu.memory_space<vmem_shared>>) dst(%dma_wait3A_152 : memref<640x128xf32, #tpu.memory_space<hbm>>)
      tpu.yield
    }) : () -> ()
    %mul3A_89 = arith.constant 16 : i32
    %mul3A_90 = arith.muli %arg0, %mul3A_89 : i32
    %add3A_91 = arith.addi %mul3A_90, %arg1 : i32
    %mul3A_92 = arith.constant 640 : i32
    %mul3A_93 = arith.muli %arg1, %mul3A_92 : i32
    %add3A_94 = arith.constant 0 : i32
    %add3A_95 = arith.addi %mul3A_93, %add3A_94 : i32
    "tpu.region"() ({
      %run_scoped3A = tpu.sem_alloc : memref<!tpu.dma_semaphore, #tpu.memory_space<semaphore_mem>>
      %dma_start3A_148 = arith.constant 0 : i32
      %dma_start3A_149 = tpu.memref_slice %arg13[%add3A_95, %dma_start3A_148] : memref<10240x128xf32, #tpu.memory_space<vmem_shared>> -> memref<64x128xf32, #tpu.memory_space<vmem_shared>>
      tpu.enqueue_dma source(%arg5 : memref<64x128xf32, #tpu.memory_space<hbm>>) target(%dma_start3A_149 : memref<64x128xf32, #tpu.memory_space<vmem_shared>>) target_semaphore(%run_scoped3A : memref<!tpu.dma_semaphore, #tpu.memory_space<semaphore_mem>>)
      %dma_wait3A = arith.constant 0 : i32
      %dma_wait3A_150 = tpu.memref_slice %arg13[%add3A_95, %dma_wait3A] : memref<10240x128xf32, #tpu.memory_space<vmem_shared>> -> memref<64x128xf32, #tpu.memory_space<vmem_shared>>
      tpu.wait_dma2 semaphore(%run_scoped3A : memref<!tpu.dma_semaphore, #tpu.memory_space<semaphore_mem>>) src(%arg5 : memref<64x128xf32, #tpu.memory_space<hbm>>) dst(%dma_wait3A_150 : memref<64x128xf32, #tpu.memory_space<vmem_shared>>)
      tpu.yield
    }) : () -> ()
    %mul3A_96 = arith.constant 640 : i32
    %mul3A_97 = arith.muli %arg1, %mul3A_96 : i32
    %add3A_98 = arith.constant 64 : i32
    %add3A_99 = arith.addi %mul3A_97, %add3A_98 : i32
    "tpu.region"() ({
      %run_scoped3A = tpu.sem_alloc : memref<!tpu.dma_semaphore, #tpu.memory_space<semaphore_mem>>
      %dma_start3A_148 = arith.constant 0 : i32
      %dma_start3A_149 = tpu.memref_slice %arg13[%add3A_99, %dma_start3A_148] : memref<10240x128xf32, #tpu.memory_space<vmem_shared>> -> memref<64x128xf32, #tpu.memory_space<vmem_shared>>
      tpu.enqueue_dma source(%arg5 : memref<64x128xf32, #tpu.memory_space<hbm>>) target(%dma_start3A_149 : memref<64x128xf32, #tpu.memory_space<vmem_shared>>) target_semaphore(%run_scoped3A : memref<!tpu.dma_semaphore, #tpu.memory_space<semaphore_mem>>)
      %dma_wait3A = arith.constant 0 : i32
      %dma_wait3A_150 = tpu.memref_slice %arg13[%add3A_99, %dma_wait3A] : memref<10240x128xf32, #tpu.memory_space<vmem_shared>> -> memref<64x128xf32, #tpu.memory_space<vmem_shared>>
      tpu.wait_dma2 semaphore(%run_scoped3A : memref<!tpu.dma_semaphore, #tpu.memory_space<semaphore_mem>>) src(%arg5 : memref<64x128xf32, #tpu.memory_space<hbm>>) dst(%dma_wait3A_150 : memref<64x128xf32, #tpu.memory_space<vmem_shared>>)
      tpu.yield
    }) : () -> ()
    %mul3A_100 = arith.constant 640 : i32
    %mul3A_101 = arith.muli %arg1, %mul3A_100 : i32
    %add3A_102 = arith.constant 128 : i32
    %add3A_103 = arith.addi %mul3A_101, %add3A_102 : i32
    "tpu.region"() ({
      %run_scoped3A = tpu.sem_alloc : memref<!tpu.dma_semaphore, #tpu.memory_space<semaphore_mem>>
      %dma_start3A_148 = arith.constant 0 : i32
      %dma_start3A_149 = tpu.memref_slice %arg13[%add3A_103, %dma_start3A_148] : memref<10240x128xf32, #tpu.memory_space<vmem_shared>> -> memref<64x128xf32, #tpu.memory_space<vmem_shared>>
      tpu.enqueue_dma source(%arg5 : memref<64x128xf32, #tpu.memory_space<hbm>>) target(%dma_start3A_149 : memref<64x128xf32, #tpu.memory_space<vmem_shared>>) target_semaphore(%run_scoped3A : memref<!tpu.dma_semaphore, #tpu.memory_space<semaphore_mem>>)
      %dma_wait3A = arith.constant 0 : i32
      %dma_wait3A_150 = tpu.memref_slice %arg13[%add3A_103, %dma_wait3A] : memref<10240x128xf32, #tpu.memory_space<vmem_shared>> -> memref<64x128xf32, #tpu.memory_space<vmem_shared>>
      tpu.wait_dma2 semaphore(%run_scoped3A : memref<!tpu.dma_semaphore, #tpu.memory_space<semaphore_mem>>) src(%arg5 : memref<64x128xf32, #tpu.memory_space<hbm>>) dst(%dma_wait3A_150 : memref<64x128xf32, #tpu.memory_space<vmem_shared>>)
      tpu.yield
    }) : () -> ()
    %mul3A_104 = arith.constant 640 : i32
    %mul3A_105 = arith.muli %arg1, %mul3A_104 : i32
    %add3A_106 = arith.constant 192 : i32
    %add3A_107 = arith.addi %mul3A_105, %add3A_106 : i32
    "tpu.region"() ({
      %run_scoped3A = tpu.sem_alloc : memref<!tpu.dma_semaphore, #tpu.memory_space<semaphore_mem>>
      %dma_start3A_148 = arith.constant 0 : i32
      %dma_start3A_149 = tpu.memref_slice %arg13[%add3A_107, %dma_start3A_148] : memref<10240x128xf32, #tpu.memory_space<vmem_shared>> -> memref<64x128xf32, #tpu.memory_space<vmem_shared>>
      tpu.enqueue_dma source(%arg5 : memref<64x128xf32, #tpu.memory_space<hbm>>) target(%dma_start3A_149 : memref<64x128xf32, #tpu.memory_space<vmem_shared>>) target_semaphore(%run_scoped3A : memref<!tpu.dma_semaphore, #tpu.memory_space<semaphore_mem>>)
      %dma_wait3A = arith.constant 0 : i32
      %dma_wait3A_150 = tpu.memref_slice %arg13[%add3A_107, %dma_wait3A] : memref<10240x128xf32, #tpu.memory_space<vmem_shared>> -> memref<64x128xf32, #tpu.memory_space<vmem_shared>>
      tpu.wait_dma2 semaphore(%run_scoped3A : memref<!tpu.dma_semaphore, #tpu.memory_space<semaphore_mem>>) src(%arg5 : memref<64x128xf32, #tpu.memory_space<hbm>>) dst(%dma_wait3A_150 : memref<64x128xf32, #tpu.memory_space<vmem_shared>>)
      tpu.yield
    }) : () -> ()
    %mul3A_108 = arith.constant 640 : i32
    %mul3A_109 = arith.muli %arg1, %mul3A_108 : i32
    %add3A_110 = arith.constant 256 : i32
    %add3A_111 = arith.addi %mul3A_109, %add3A_110 : i32
    "tpu.region"() ({
      %run_scoped3A = tpu.sem_alloc : memref<!tpu.dma_semaphore, #tpu.memory_space<semaphore_mem>>
      %dma_start3A_148 = arith.constant 0 : i32
      %dma_start3A_149 = tpu.memref_slice %arg13[%add3A_111, %dma_start3A_148] : memref<10240x128xf32, #tpu.memory_space<vmem_shared>> -> memref<64x128xf32, #tpu.memory_space<vmem_shared>>
      tpu.enqueue_dma source(%arg5 : memref<64x128xf32, #tpu.memory_space<hbm>>) target(%dma_start3A_149 : memref<64x128xf32, #tpu.memory_space<vmem_shared>>) target_semaphore(%run_scoped3A : memref<!tpu.dma_semaphore, #tpu.memory_space<semaphore_mem>>)
      %dma_wait3A = arith.constant 0 : i32
      %dma_wait3A_150 = tpu.memref_slice %arg13[%add3A_111, %dma_wait3A] : memref<10240x128xf32, #tpu.memory_space<vmem_shared>> -> memref<64x128xf32, #tpu.memory_space<vmem_shared>>
      tpu.wait_dma2 semaphore(%run_scoped3A : memref<!tpu.dma_semaphore, #tpu.memory_space<semaphore_mem>>) src(%arg5 : memref<64x128xf32, #tpu.memory_space<hbm>>) dst(%dma_wait3A_150 : memref<64x128xf32, #tpu.memory_space<vmem_shared>>)
      tpu.yield
    }) : () -> ()
    %mul3A_112 = arith.constant 640 : i32
    %mul3A_113 = arith.muli %arg1, %mul3A_112 : i32
    %add3A_114 = arith.constant 320 : i32
    %add3A_115 = arith.addi %mul3A_113, %add3A_114 : i32
    "tpu.region"() ({
      %run_scoped3A = tpu.sem_alloc : memref<!tpu.dma_semaphore, #tpu.memory_space<semaphore_mem>>
      %dma_start3A_148 = arith.constant 0 : i32
      %dma_start3A_149 = tpu.memref_slice %arg13[%add3A_115, %dma_start3A_148] : memref<10240x128xf32, #tpu.memory_space<vmem_shared>> -> memref<64x128xf32, #tpu.memory_space<vmem_shared>>
      tpu.enqueue_dma source(%arg5 : memref<64x128xf32, #tpu.memory_space<hbm>>) target(%dma_start3A_149 : memref<64x128xf32, #tpu.memory_space<vmem_shared>>) target_semaphore(%run_scoped3A : memref<!tpu.dma_semaphore, #tpu.memory_space<semaphore_mem>>)
      %dma_wait3A = arith.constant 0 : i32
      %dma_wait3A_150 = tpu.memref_slice %arg13[%add3A_115, %dma_wait3A] : memref<10240x128xf32, #tpu.memory_space<vmem_shared>> -> memref<64x128xf32, #tpu.memory_space<vmem_shared>>
      tpu.wait_dma2 semaphore(%run_scoped3A : memref<!tpu.dma_semaphore, #tpu.memory_space<semaphore_mem>>) src(%arg5 : memref<64x128xf32, #tpu.memory_space<hbm>>) dst(%dma_wait3A_150 : memref<64x128xf32, #tpu.memory_space<vmem_shared>>)
      tpu.yield
    }) : () -> ()
    %mul3A_116 = arith.constant 640 : i32
    %mul3A_117 = arith.muli %arg1, %mul3A_116 : i32
    %add3A_118 = arith.constant 384 : i32
    %add3A_119 = arith.addi %mul3A_117, %add3A_118 : i32
    "tpu.region"() ({
      %run_scoped3A = tpu.sem_alloc : memref<!tpu.dma_semaphore, #tpu.memory_space<semaphore_mem>>
      %dma_start3A_148 = arith.constant 0 : i32
      %dma_start3A_149 = tpu.memref_slice %arg13[%add3A_119, %dma_start3A_148] : memref<10240x128xf32, #tpu.memory_space<vmem_shared>> -> memref<64x128xf32, #tpu.memory_space<vmem_shared>>
      tpu.enqueue_dma source(%arg5 : memref<64x128xf32, #tpu.memory_space<hbm>>) target(%dma_start3A_149 : memref<64x128xf32, #tpu.memory_space<vmem_shared>>) target_semaphore(%run_scoped3A : memref<!tpu.dma_semaphore, #tpu.memory_space<semaphore_mem>>)
      %dma_wait3A = arith.constant 0 : i32
      %dma_wait3A_150 = tpu.memref_slice %arg13[%add3A_119, %dma_wait3A] : memref<10240x128xf32, #tpu.memory_space<vmem_shared>> -> memref<64x128xf32, #tpu.memory_space<vmem_shared>>
      tpu.wait_dma2 semaphore(%run_scoped3A : memref<!tpu.dma_semaphore, #tpu.memory_space<semaphore_mem>>) src(%arg5 : memref<64x128xf32, #tpu.memory_space<hbm>>) dst(%dma_wait3A_150 : memref<64x128xf32, #tpu.memory_space<vmem_shared>>)
      tpu.yield
    }) : () -> ()
    %mul3A_120 = arith.constant 640 : i32
    %mul3A_121 = arith.muli %arg1, %mul3A_120 : i32
    %add3A_122 = arith.constant 448 : i32
    %add3A_123 = arith.addi %mul3A_121, %add3A_122 : i32
    "tpu.region"() ({
      %run_scoped3A = tpu.sem_alloc : memref<!tpu.dma_semaphore, #tpu.memory_space<semaphore_mem>>
      %dma_start3A_148 = arith.constant 0 : i32
      %dma_start3A_149 = tpu.memref_slice %arg13[%add3A_123, %dma_start3A_148] : memref<10240x128xf32, #tpu.memory_space<vmem_shared>> -> memref<64x128xf32, #tpu.memory_space<vmem_shared>>
      tpu.enqueue_dma source(%arg5 : memref<64x128xf32, #tpu.memory_space<hbm>>) target(%dma_start3A_149 : memref<64x128xf32, #tpu.memory_space<vmem_shared>>) target_semaphore(%run_scoped3A : memref<!tpu.dma_semaphore, #tpu.memory_space<semaphore_mem>>)
      %dma_wait3A = arith.constant 0 : i32
      %dma_wait3A_150 = tpu.memref_slice %arg13[%add3A_123, %dma_wait3A] : memref<10240x128xf32, #tpu.memory_space<vmem_shared>> -> memref<64x128xf32, #tpu.memory_space<vmem_shared>>
      tpu.wait_dma2 semaphore(%run_scoped3A : memref<!tpu.dma_semaphore, #tpu.memory_space<semaphore_mem>>) src(%arg5 : memref<64x128xf32, #tpu.memory_space<hbm>>) dst(%dma_wait3A_150 : memref<64x128xf32, #tpu.memory_space<vmem_shared>>)
      tpu.yield
    }) : () -> ()
    %mul3A_124 = arith.constant 640 : i32
    %mul3A_125 = arith.muli %arg1, %mul3A_124 : i32
    %add3A_126 = arith.constant 512 : i32
    %add3A_127 = arith.addi %mul3A_125, %add3A_126 : i32
    "tpu.region"() ({
      %run_scoped3A = tpu.sem_alloc : memref<!tpu.dma_semaphore, #tpu.memory_space<semaphore_mem>>
      %dma_start3A_148 = arith.constant 0 : i32
      %dma_start3A_149 = tpu.memref_slice %arg13[%add3A_127, %dma_start3A_148] : memref<10240x128xf32, #tpu.memory_space<vmem_shared>> -> memref<64x128xf32, #tpu.memory_space<vmem_shared>>
      tpu.enqueue_dma source(%arg5 : memref<64x128xf32, #tpu.memory_space<hbm>>) target(%dma_start3A_149 : memref<64x128xf32, #tpu.memory_space<vmem_shared>>) target_semaphore(%run_scoped3A : memref<!tpu.dma_semaphore, #tpu.memory_space<semaphore_mem>>)
      %dma_wait3A = arith.constant 0 : i32
      %dma_wait3A_150 = tpu.memref_slice %arg13[%add3A_127, %dma_wait3A] : memref<10240x128xf32, #tpu.memory_space<vmem_shared>> -> memref<64x128xf32, #tpu.memory_space<vmem_shared>>
      tpu.wait_dma2 semaphore(%run_scoped3A : memref<!tpu.dma_semaphore, #tpu.memory_space<semaphore_mem>>) src(%arg5 : memref<64x128xf32, #tpu.memory_space<hbm>>) dst(%dma_wait3A_150 : memref<64x128xf32, #tpu.memory_space<vmem_shared>>)
      tpu.yield
    }) : () -> ()
    %mul3A_128 = arith.constant 640 : i32
    %mul3A_129 = arith.muli %arg1, %mul3A_128 : i32
    %add3A_130 = arith.constant 576 : i32
    %add3A_131 = arith.addi %mul3A_129, %add3A_130 : i32
    "tpu.region"() ({
      %run_scoped3A = tpu.sem_alloc : memref<!tpu.dma_semaphore, #tpu.memory_space<semaphore_mem>>
      %dma_start3A_148 = arith.constant 0 : i32
      %dma_start3A_149 = tpu.memref_slice %arg13[%add3A_131, %dma_start3A_148] : memref<10240x128xf32, #tpu.memory_space<vmem_shared>> -> memref<64x128xf32, #tpu.memory_space<vmem_shared>>
      tpu.enqueue_dma source(%arg5 : memref<64x128xf32, #tpu.memory_space<hbm>>) target(%dma_start3A_149 : memref<64x128xf32, #tpu.memory_space<vmem_shared>>) target_semaphore(%run_scoped3A : memref<!tpu.dma_semaphore, #tpu.memory_space<semaphore_mem>>)
      %dma_wait3A = arith.constant 0 : i32
      %dma_wait3A_150 = tpu.memref_slice %arg13[%add3A_131, %dma_wait3A] : memref<10240x128xf32, #tpu.memory_space<vmem_shared>> -> memref<64x128xf32, #tpu.memory_space<vmem_shared>>
      tpu.wait_dma2 semaphore(%run_scoped3A : memref<!tpu.dma_semaphore, #tpu.memory_space<semaphore_mem>>) src(%arg5 : memref<64x128xf32, #tpu.memory_space<hbm>>) dst(%dma_wait3A_150 : memref<64x128xf32, #tpu.memory_space<vmem_shared>>)
      tpu.yield
    }) : () -> ()
    %mul3A_132 = arith.constant 10240 : i32
    %mul3A_133 = arith.muli %add3A_91, %mul3A_132 : i32
    "tpu.region"() ({
      %run_scoped3A = tpu.sem_alloc : memref<!tpu.dma_semaphore, #tpu.memory_space<semaphore_mem>>
      %dma_start3A_148 = arith.constant 0 : i32
      %dma_start3A_149 = tpu.memref_slice %arg10[%dma_start3A_148] : memref<16000xi32, #tpu.memory_space<vmem>> -> memref<10240xi32, #tpu.memory_space<vmem>>
      %dma_start3A_150 = tpu.memref_slice %arg4[%mul3A_133] : memref<339200xi32, #tpu.memory_space<hbm>> -> memref<10240xi32, #tpu.memory_space<hbm>>
      %dma_start3A_151 = arith.constant 0 : i32
      %dma_start3A_152 = tpu.memref_slice %arg10[%dma_start3A_151] : memref<16000xi32, #tpu.memory_space<vmem>> -> memref<10240xi32, #tpu.memory_space<vmem>>
      %dma_start3A_153 = tpu.memref_slice %arg4[%mul3A_133] : memref<339200xi32, #tpu.memory_space<hbm>> -> memref<10240xi32, #tpu.memory_space<hbm>>
      tpu.enqueue_dma source(%dma_start3A_153 : memref<10240xi32, #tpu.memory_space<hbm>>) target(%dma_start3A_152 : memref<10240xi32, #tpu.memory_space<vmem>>) target_semaphore(%run_scoped3A : memref<!tpu.dma_semaphore, #tpu.memory_space<semaphore_mem>>)
      %dma_wait3A = arith.constant 0 : i32
      %dma_wait3A_154 = tpu.memref_slice %arg10[%dma_wait3A] : memref<16000xi32, #tpu.memory_space<vmem>> -> memref<10240xi32, #tpu.memory_space<vmem>>
      %dma_wait3A_155 = tpu.memref_slice %arg4[%mul3A_133] : memref<339200xi32, #tpu.memory_space<hbm>> -> memref<10240xi32, #tpu.memory_space<hbm>>
      %dma_wait3A_156 = arith.constant 0 : i32
      %dma_wait3A_157 = tpu.memref_slice %arg10[%dma_wait3A_156] : memref<16000xi32, #tpu.memory_space<vmem>> -> memref<10240xi32, #tpu.memory_space<vmem>>
      %dma_wait3A_158 = tpu.memref_slice %arg4[%mul3A_133] : memref<339200xi32, #tpu.memory_space<hbm>> -> memref<10240xi32, #tpu.memory_space<hbm>>
      tpu.wait_dma2 semaphore(%run_scoped3A : memref<!tpu.dma_semaphore, #tpu.memory_space<semaphore_mem>>) src(%dma_wait3A_158 : memref<10240xi32, #tpu.memory_space<hbm>>) dst(%dma_wait3A_157 : memref<10240xi32, #tpu.memory_space<vmem>>)
      tpu.yield
    }) : () -> ()
    "tpu.region"() ({
      %run_scoped3A = tpu.sem_alloc : memref<!tpu.dma_semaphore, #tpu.memory_space<semaphore_mem>>
      tpu.enqueue_dma source(%arg6 : memref<64x128xf32, #tpu.memory_space<hbm>>) target(%arg11 : memref<64x128xf32, #tpu.memory_space<vmem>>) target_semaphore(%run_scoped3A : memref<!tpu.dma_semaphore, #tpu.memory_space<semaphore_mem>>)
      tpu.wait_dma2 semaphore(%run_scoped3A : memref<!tpu.dma_semaphore, #tpu.memory_space<semaphore_mem>>) src(%arg6 : memref<64x128xf32, #tpu.memory_space<hbm>>) dst(%arg11 : memref<64x128xf32, #tpu.memory_space<vmem>>)
      tpu.yield
    }) : () -> ()
    %barrier3A_134 = arith.constant 0 : index
    tpu.barrier barrier_id(%barrier3A_134)
    %scan3A = arith.constant 0 : i32
    %scan3A_135 = arith.constant 0 : i32
    %scan3A_136 = arith.constant 20 : i32
    %scan3A_137 = arith.addi %scan3A_135, %scan3A_136 : i32
    %scan3A_138 = arith.constant 1 : i32
    scf.for %scan3A_148 = %scan3A_135 to %scan3A_137 step %scan3A_138  : i32 {
      %mul3A_149 = arith.constant 8 : i32
      %mul3A_150 = arith.muli %mul3A_149, %scan3A_148 : i32
      %add3A_151 = arith.constant 0 : i32
      %add3A_152 = arith.addi %mul3A_150, %add3A_151 : i32
      %mul3A_153 = arith.constant 64 : i32
      %mul3A_154 = arith.muli %add3A_152, %mul3A_153 : i32
      %dma_start3A_155 = tpu.memref_slice %arg10[%mul3A_154] : memref<16000xi32, #tpu.memory_space<vmem>> -> memref<64xi32, #tpu.memory_space<vmem>>
      %dma_start3A_156 = arith.constant 0 : i32
      %dma_start3A_157 = arith.constant 0 : i32
      %dma_start3A_158 = tpu.memref_slice %arg13[%dma_start3A_156, %dma_start3A_157] : memref<10240x128xf32, #tpu.memory_space<vmem_shared>> -> memref<10240x128xf32, #tpu.memory_space<vmem_shared>>
      tpu.enqueue_indirect_dma source(%arg11 : memref<64x128xf32, #tpu.memory_space<vmem>>) target(%dma_start3A_158 : memref<10240x128xf32, #tpu.memory_space<vmem_shared>>) offsets(%dma_start3A_155 : memref<64xi32, #tpu.memory_space<vmem>>) semaphore(%arg14 : memref<!tpu.dma_semaphore, #tpu.memory_space<semaphore_mem>>) {add = true}
      %mul3A_159 = arith.constant 8 : i32
      %mul3A_160 = arith.muli %mul3A_159, %scan3A_148 : i32
      %add3A_161 = arith.constant 1 : i32
      %add3A_162 = arith.addi %mul3A_160, %add3A_161 : i32
      %mul3A_163 = arith.constant 64 : i32
      %mul3A_164 = arith.muli %add3A_162, %mul3A_163 : i32
      %dma_start3A_165 = tpu.memref_slice %arg10[%mul3A_164] : memref<16000xi32, #tpu.memory_space<vmem>> -> memref<64xi32, #tpu.memory_space<vmem>>
      %dma_start3A_166 = arith.constant 0 : i32
      %dma_start3A_167 = arith.constant 0 : i32
      %dma_start3A_168 = tpu.memref_slice %arg13[%dma_start3A_166, %dma_start3A_167] : memref<10240x128xf32, #tpu.memory_space<vmem_shared>> -> memref<10240x128xf32, #tpu.memory_space<vmem_shared>>
      tpu.enqueue_indirect_dma source(%arg11 : memref<64x128xf32, #tpu.memory_space<vmem>>) target(%dma_start3A_168 : memref<10240x128xf32, #tpu.memory_space<vmem_shared>>) offsets(%dma_start3A_165 : memref<64xi32, #tpu.memory_space<vmem>>) semaphore(%arg14 : memref<!tpu.dma_semaphore, #tpu.memory_space<semaphore_mem>>) {add = true}
      %mul3A_169 = arith.constant 8 : i32
      %mul3A_170 = arith.muli %mul3A_169, %scan3A_148 : i32
      %add3A_171 = arith.constant 2 : i32
      %add3A_172 = arith.addi %mul3A_170, %add3A_171 : i32
      %mul3A_173 = arith.constant 64 : i32
      %mul3A_174 = arith.muli %add3A_172, %mul3A_173 : i32
      %dma_start3A_175 = tpu.memref_slice %arg10[%mul3A_174] : memref<16000xi32, #tpu.memory_space<vmem>> -> memref<64xi32, #tpu.memory_space<vmem>>
      %dma_start3A_176 = arith.constant 0 : i32
      %dma_start3A_177 = arith.constant 0 : i32
      %dma_start3A_178 = tpu.memref_slice %arg13[%dma_start3A_176, %dma_start3A_177] : memref<10240x128xf32, #tpu.memory_space<vmem_shared>> -> memref<10240x128xf32, #tpu.memory_space<vmem_shared>>
      tpu.enqueue_indirect_dma source(%arg11 : memref<64x128xf32, #tpu.memory_space<vmem>>) target(%dma_start3A_178 : memref<10240x128xf32, #tpu.memory_space<vmem_shared>>) offsets(%dma_start3A_175 : memref<64xi32, #tpu.memory_space<vmem>>) semaphore(%arg14 : memref<!tpu.dma_semaphore, #tpu.memory_space<semaphore_mem>>) {add = true}
      %mul3A_179 = arith.constant 8 : i32
      %mul3A_180 = arith.muli %mul3A_179, %scan3A_148 : i32
      %add3A_181 = arith.constant 3 : i32
      %add3A_182 = arith.addi %mul3A_180, %add3A_181 : i32
      %mul3A_183 = arith.constant 64 : i32
      %mul3A_184 = arith.muli %add3A_182, %mul3A_183 : i32
      %dma_start3A_185 = tpu.memref_slice %arg10[%mul3A_184] : memref<16000xi32, #tpu.memory_space<vmem>> -> memref<64xi32, #tpu.memory_space<vmem>>
      %dma_start3A_186 = arith.constant 0 : i32
      %dma_start3A_187 = arith.constant 0 : i32
      %dma_start3A_188 = tpu.memref_slice %arg13[%dma_start3A_186, %dma_start3A_187] : memref<10240x128xf32, #tpu.memory_space<vmem_shared>> -> memref<10240x128xf32, #tpu.memory_space<vmem_shared>>
      tpu.enqueue_indirect_dma source(%arg11 : memref<64x128xf32, #tpu.memory_space<vmem>>) target(%dma_start3A_188 : memref<10240x128xf32, #tpu.memory_space<vmem_shared>>) offsets(%dma_start3A_185 : memref<64xi32, #tpu.memory_space<vmem>>) semaphore(%arg14 : memref<!tpu.dma_semaphore, #tpu.memory_space<semaphore_mem>>) {add = true}
      %mul3A_189 = arith.constant 8 : i32
      %mul3A_190 = arith.muli %mul3A_189, %scan3A_148 : i32
      %add3A_191 = arith.constant 4 : i32
      %add3A_192 = arith.addi %mul3A_190, %add3A_191 : i32
      %mul3A_193 = arith.constant 64 : i32
      %mul3A_194 = arith.muli %add3A_192, %mul3A_193 : i32
      %dma_start3A_195 = tpu.memref_slice %arg10[%mul3A_194] : memref<16000xi32, #tpu.memory_space<vmem>> -> memref<64xi32, #tpu.memory_space<vmem>>
      %dma_start3A_196 = arith.constant 0 : i32
      %dma_start3A_197 = arith.constant 0 : i32
      %dma_start3A_198 = tpu.memref_slice %arg13[%dma_start3A_196, %dma_start3A_197] : memref<10240x128xf32, #tpu.memory_space<vmem_shared>> -> memref<10240x128xf32, #tpu.memory_space<vmem_shared>>
      tpu.enqueue_indirect_dma source(%arg11 : memref<64x128xf32, #tpu.memory_space<vmem>>) target(%dma_start3A_198 : memref<10240x128xf32, #tpu.memory_space<vmem_shared>>) offsets(%dma_start3A_195 : memref<64xi32, #tpu.memory_space<vmem>>) semaphore(%arg14 : memref<!tpu.dma_semaphore, #tpu.memory_space<semaphore_mem>>) {add = true}
      %mul3A_199 = arith.constant 8 : i32
      %mul3A_200 = arith.muli %mul3A_199, %scan3A_148 : i32
      %add3A_201 = arith.constant 5 : i32
      %add3A_202 = arith.addi %mul3A_200, %add3A_201 : i32
      %mul3A_203 = arith.constant 64 : i32
      %mul3A_204 = arith.muli %add3A_202, %mul3A_203 : i32
      %dma_start3A_205 = tpu.memref_slice %arg10[%mul3A_204] : memref<16000xi32, #tpu.memory_space<vmem>> -> memref<64xi32, #tpu.memory_space<vmem>>
      %dma_start3A_206 = arith.constant 0 : i32
      %dma_start3A_207 = arith.constant 0 : i32
      %dma_start3A_208 = tpu.memref_slice %arg13[%dma_start3A_206, %dma_start3A_207] : memref<10240x128xf32, #tpu.memory_space<vmem_shared>> -> memref<10240x128xf32, #tpu.memory_space<vmem_shared>>
      tpu.enqueue_indirect_dma source(%arg11 : memref<64x128xf32, #tpu.memory_space<vmem>>) target(%dma_start3A_208 : memref<10240x128xf32, #tpu.memory_space<vmem_shared>>) offsets(%dma_start3A_205 : memref<64xi32, #tpu.memory_space<vmem>>) semaphore(%arg14 : memref<!tpu.dma_semaphore, #tpu.memory_space<semaphore_mem>>) {add = true}
      %mul3A_209 = arith.constant 8 : i32
      %mul3A_210 = arith.muli %mul3A_209, %scan3A_148 : i32
      %add3A_211 = arith.constant 6 : i32
      %add3A_212 = arith.addi %mul3A_210, %add3A_211 : i32
      %mul3A_213 = arith.constant 64 : i32
      %mul3A_214 = arith.muli %add3A_212, %mul3A_213 : i32
      %dma_start3A_215 = tpu.memref_slice %arg10[%mul3A_214] : memref<16000xi32, #tpu.memory_space<vmem>> -> memref<64xi32, #tpu.memory_space<vmem>>
      %dma_start3A_216 = arith.constant 0 : i32
      %dma_start3A_217 = arith.constant 0 : i32
      %dma_start3A_218 = tpu.memref_slice %arg13[%dma_start3A_216, %dma_start3A_217] : memref<10240x128xf32, #tpu.memory_space<vmem_shared>> -> memref<10240x128xf32, #tpu.memory_space<vmem_shared>>
      tpu.enqueue_indirect_dma source(%arg11 : memref<64x128xf32, #tpu.memory_space<vmem>>) target(%dma_start3A_218 : memref<10240x128xf32, #tpu.memory_space<vmem_shared>>) offsets(%dma_start3A_215 : memref<64xi32, #tpu.memory_space<vmem>>) semaphore(%arg14 : memref<!tpu.dma_semaphore, #tpu.memory_space<semaphore_mem>>) {add = true}
      %mul3A_219 = arith.constant 8 : i32
      %mul3A_220 = arith.muli %mul3A_219, %scan3A_148 : i32
      %add3A_221 = arith.constant 7 : i32
      %add3A_222 = arith.addi %mul3A_220, %add3A_221 : i32
      %mul3A_223 = arith.constant 64 : i32
      %mul3A_224 = arith.muli %add3A_222, %mul3A_223 : i32
      %dma_start3A_225 = tpu.memref_slice %arg10[%mul3A_224] : memref<16000xi32, #tpu.memory_space<vmem>> -> memref<64xi32, #tpu.memory_space<vmem>>
      %dma_start3A_226 = arith.constant 0 : i32
      %dma_start3A_227 = arith.constant 0 : i32
      %dma_start3A_228 = tpu.memref_slice %arg13[%dma_start3A_226, %dma_start3A_227] : memref<10240x128xf32, #tpu.memory_space<vmem_shared>> -> memref<10240x128xf32, #tpu.memory_space<vmem_shared>>
      tpu.enqueue_indirect_dma source(%arg11 : memref<64x128xf32, #tpu.memory_space<vmem>>) target(%dma_start3A_228 : memref<10240x128xf32, #tpu.memory_space<vmem_shared>>) offsets(%dma_start3A_225 : memref<64xi32, #tpu.memory_space<vmem>>) semaphore(%arg14 : memref<!tpu.dma_semaphore, #tpu.memory_space<semaphore_mem>>) {add = true}
      %mul3A_229 = arith.constant 8 : i32
      %mul3A_230 = arith.muli %mul3A_229, %scan3A_148 : i32
      %add3A_231 = arith.constant 0 : i32
      %add3A_232 = arith.addi %mul3A_230, %add3A_231 : i32
      %mul3A_233 = arith.constant 64 : i32
      %mul3A_234 = arith.muli %add3A_232, %mul3A_233 : i32
      %dma_wait3A = tpu.memref_slice %arg10[%mul3A_234] : memref<16000xi32, #tpu.memory_space<vmem>> -> memref<64xi32, #tpu.memory_space<vmem>>
      %dma_wait3A_235 = arith.constant 0 : i32
      %dma_wait3A_236 = arith.constant 0 : i32
      %dma_wait3A_237 = tpu.memref_slice %arg13[%dma_wait3A_235, %dma_wait3A_236] : memref<10240x128xf32, #tpu.memory_space<vmem_shared>> -> memref<10240x128xf32, #tpu.memory_space<vmem_shared>>
      tpu.wait_indirect_dma semaphore(%arg14 : memref<!tpu.dma_semaphore, #tpu.memory_space<semaphore_mem>>) src(%arg11 : memref<64x128xf32, #tpu.memory_space<vmem>>) dst(%dma_wait3A_237 : memref<10240x128xf32, #tpu.memory_space<vmem_shared>>)
      %mul3A_238 = arith.constant 8 : i32
      %mul3A_239 = arith.muli %mul3A_238, %scan3A_148 : i32
      %add3A_240 = arith.constant 1 : i32
      %add3A_241 = arith.addi %mul3A_239, %add3A_240 : i32
      %mul3A_242 = arith.constant 64 : i32
      %mul3A_243 = arith.muli %add3A_241, %mul3A_242 : i32
      %dma_wait3A_244 = tpu.memref_slice %arg10[%mul3A_243] : memref<16000xi32, #tpu.memory_space<vmem>> -> memref<64xi32, #tpu.memory_space<vmem>>
      %dma_wait3A_245 = arith.constant 0 : i32
      %dma_wait3A_246 = arith.constant 0 : i32
      %dma_wait3A_247 = tpu.memref_slice %arg13[%dma_wait3A_245, %dma_wait3A_246] : memref<10240x128xf32, #tpu.memory_space<vmem_shared>> -> memref<10240x128xf32, #tpu.memory_space<vmem_shared>>
      tpu.wait_indirect_dma semaphore(%arg14 : memref<!tpu.dma_semaphore, #tpu.memory_space<semaphore_mem>>) src(%arg11 : memref<64x128xf32, #tpu.memory_space<vmem>>) dst(%dma_wait3A_247 : memref<10240x128xf32, #tpu.memory_space<vmem_shared>>)
      %mul3A_248 = arith.constant 8 : i32
      %mul3A_249 = arith.muli %mul3A_248, %scan3A_148 : i32
      %add3A_250 = arith.constant 2 : i32
      %add3A_251 = arith.addi %mul3A_249, %add3A_250 : i32
      %mul3A_252 = arith.constant 64 : i32
      %mul3A_253 = arith.muli %add3A_251, %mul3A_252 : i32
      %dma_wait3A_254 = tpu.memref_slice %arg10[%mul3A_253] : memref<16000xi32, #tpu.memory_space<vmem>> -> memref<64xi32, #tpu.memory_space<vmem>>
      %dma_wait3A_255 = arith.constant 0 : i32
      %dma_wait3A_256 = arith.constant 0 : i32
      %dma_wait3A_257 = tpu.memref_slice %arg13[%dma_wait3A_255, %dma_wait3A_256] : memref<10240x128xf32, #tpu.memory_space<vmem_shared>> -> memref<10240x128xf32, #tpu.memory_space<vmem_shared>>
      tpu.wait_indirect_dma semaphore(%arg14 : memref<!tpu.dma_semaphore, #tpu.memory_space<semaphore_mem>>) src(%arg11 : memref<64x128xf32, #tpu.memory_space<vmem>>) dst(%dma_wait3A_257 : memref<10240x128xf32, #tpu.memory_space<vmem_shared>>)
      %mul3A_258 = arith.constant 8 : i32
      %mul3A_259 = arith.muli %mul3A_258, %scan3A_148 : i32
      %add3A_260 = arith.constant 3 : i32
      %add3A_261 = arith.addi %mul3A_259, %add3A_260 : i32
      %mul3A_262 = arith.constant 64 : i32
      %mul3A_263 = arith.muli %add3A_261, %mul3A_262 : i32
      %dma_wait3A_264 = tpu.memref_slice %arg10[%mul3A_263] : memref<16000xi32, #tpu.memory_space<vmem>> -> memref<64xi32, #tpu.memory_space<vmem>>
      %dma_wait3A_265 = arith.constant 0 : i32
      %dma_wait3A_266 = arith.constant 0 : i32
      %dma_wait3A_267 = tpu.memref_slice %arg13[%dma_wait3A_265, %dma_wait3A_266] : memref<10240x128xf32, #tpu.memory_space<vmem_shared>> -> memref<10240x128xf32, #tpu.memory_space<vmem_shared>>
      tpu.wait_indirect_dma semaphore(%arg14 : memref<!tpu.dma_semaphore, #tpu.memory_space<semaphore_mem>>) src(%arg11 : memref<64x128xf32, #tpu.memory_space<vmem>>) dst(%dma_wait3A_267 : memref<10240x128xf32, #tpu.memory_space<vmem_shared>>)
      %mul3A_268 = arith.constant 8 : i32
      %mul3A_269 = arith.muli %mul3A_268, %scan3A_148 : i32
      %add3A_270 = arith.constant 4 : i32
      %add3A_271 = arith.addi %mul3A_269, %add3A_270 : i32
      %mul3A_272 = arith.constant 64 : i32
      %mul3A_273 = arith.muli %add3A_271, %mul3A_272 : i32
      %dma_wait3A_274 = tpu.memref_slice %arg10[%mul3A_273] : memref<16000xi32, #tpu.memory_space<vmem>> -> memref<64xi32, #tpu.memory_space<vmem>>
      %dma_wait3A_275 = arith.constant 0 : i32
      %dma_wait3A_276 = arith.constant 0 : i32
      %dma_wait3A_277 = tpu.memref_slice %arg13[%dma_wait3A_275, %dma_wait3A_276] : memref<10240x128xf32, #tpu.memory_space<vmem_shared>> -> memref<10240x128xf32, #tpu.memory_space<vmem_shared>>
      tpu.wait_indirect_dma semaphore(%arg14 : memref<!tpu.dma_semaphore, #tpu.memory_space<semaphore_mem>>) src(%arg11 : memref<64x128xf32, #tpu.memory_space<vmem>>) dst(%dma_wait3A_277 : memref<10240x128xf32, #tpu.memory_space<vmem_shared>>)
      %mul3A_278 = arith.constant 8 : i32
      %mul3A_279 = arith.muli %mul3A_278, %scan3A_148 : i32
      %add3A_280 = arith.constant 5 : i32
      %add3A_281 = arith.addi %mul3A_279, %add3A_280 : i32
      %mul3A_282 = arith.constant 64 : i32
      %mul3A_283 = arith.muli %add3A_281, %mul3A_282 : i32
      %dma_wait3A_284 = tpu.memref_slice %arg10[%mul3A_283] : memref<16000xi32, #tpu.memory_space<vmem>> -> memref<64xi32, #tpu.memory_space<vmem>>
      %dma_wait3A_285 = arith.constant 0 : i32
      %dma_wait3A_286 = arith.constant 0 : i32
      %dma_wait3A_287 = tpu.memref_slice %arg13[%dma_wait3A_285, %dma_wait3A_286] : memref<10240x128xf32, #tpu.memory_space<vmem_shared>> -> memref<10240x128xf32, #tpu.memory_space<vmem_shared>>
      tpu.wait_indirect_dma semaphore(%arg14 : memref<!tpu.dma_semaphore, #tpu.memory_space<semaphore_mem>>) src(%arg11 : memref<64x128xf32, #tpu.memory_space<vmem>>) dst(%dma_wait3A_287 : memref<10240x128xf32, #tpu.memory_space<vmem_shared>>)
      %mul3A_288 = arith.constant 8 : i32
      %mul3A_289 = arith.muli %mul3A_288, %scan3A_148 : i32
      %add3A_290 = arith.constant 6 : i32
      %add3A_291 = arith.addi %mul3A_289, %add3A_290 : i32
      %mul3A_292 = arith.constant 64 : i32
      %mul3A_293 = arith.muli %add3A_291, %mul3A_292 : i32
      %dma_wait3A_294 = tpu.memref_slice %arg10[%mul3A_293] : memref<16000xi32, #tpu.memory_space<vmem>> -> memref<64xi32, #tpu.memory_space<vmem>>
      %dma_wait3A_295 = arith.constant 0 : i32
      %dma_wait3A_296 = arith.constant 0 : i32
      %dma_wait3A_297 = tpu.memref_slice %arg13[%dma_wait3A_295, %dma_wait3A_296] : memref<10240x128xf32, #tpu.memory_space<vmem_shared>> -> memref<10240x128xf32, #tpu.memory_space<vmem_shared>>
      tpu.wait_indirect_dma semaphore(%arg14 : memref<!tpu.dma_semaphore, #tpu.memory_space<semaphore_mem>>) src(%arg11 : memref<64x128xf32, #tpu.memory_space<vmem>>) dst(%dma_wait3A_297 : memref<10240x128xf32, #tpu.memory_space<vmem_shared>>)
      %mul3A_298 = arith.constant 8 : i32
      %mul3A_299 = arith.muli %mul3A_298, %scan3A_148 : i32
      %add3A_300 = arith.constant 7 : i32
      %add3A_301 = arith.addi %mul3A_299, %add3A_300 : i32
      %mul3A_302 = arith.constant 64 : i32
      %mul3A_303 = arith.muli %add3A_301, %mul3A_302 : i32
      %dma_wait3A_304 = tpu.memref_slice %arg10[%mul3A_303] : memref<16000xi32, #tpu.memory_space<vmem>> -> memref<64xi32, #tpu.memory_space<vmem>>
      %dma_wait3A_305 = arith.constant 0 : i32
      %dma_wait3A_306 = arith.constant 0 : i32
      %dma_wait3A_307 = tpu.memref_slice %arg13[%dma_wait3A_305, %dma_wait3A_306] : memref<10240x128xf32, #tpu.memory_space<vmem_shared>> -> memref<10240x128xf32, #tpu.memory_space<vmem_shared>>
      tpu.wait_indirect_dma semaphore(%arg14 : memref<!tpu.dma_semaphore, #tpu.memory_space<semaphore_mem>>) src(%arg11 : memref<64x128xf32, #tpu.memory_space<vmem>>) dst(%dma_wait3A_307 : memref<10240x128xf32, #tpu.memory_space<vmem_shared>>)
    }
    %scan3A_139 = arith.constant 20 : i32
    %barrier3A_140 = arith.constant 0 : index
    tpu.barrier barrier_id(%barrier3A_140)
    %mul3A_141 = arith.constant 640 : i32
    %mul3A_142 = arith.muli %arg1, %mul3A_141 : i32
    %mul3A_143 = arith.constant 10240 : i32
    %mul3A_144 = arith.muli %arg0, %mul3A_143 : i32
    %mul3A_145 = arith.constant 640 : i32
    %mul3A_146 = arith.muli %arg1, %mul3A_145 : i32
    %add3A_147 = arith.addi %mul3A_144, %mul3A_146 : i32
    "tpu.region"() ({
      %run_scoped3A = tpu.sem_alloc : memref<!tpu.dma_semaphore, #tpu.memory_space<semaphore_mem>>
      %dma_start3A_148 = arith.constant 0 : i32
      %dma_start3A_149 = tpu.memref_slice %arg8[%add3A_147, %dma_start3A_148] : memref<20480x128xf32, #tpu.memory_space<hbm>> -> memref<640x128xf32, #tpu.memory_space<hbm>>
      %dma_start3A_150 = arith.constant 0 : i32
      %dma_start3A_151 = tpu.memref_slice %arg13[%mul3A_142, %dma_start3A_150] : memref<10240x128xf32, #tpu.memory_space<vmem_shared>> -> memref<640x128xf32, #tpu.memory_space<vmem_shared>>
      tpu.enqueue_dma source(%dma_start3A_151 : memref<640x128xf32, #tpu.memory_space<vmem_shared>>) target(%dma_start3A_149 : memref<640x128xf32, #tpu.memory_space<hbm>>) target_semaphore(%run_scoped3A : memref<!tpu.dma_semaphore, #tpu.memory_space<semaphore_mem>>)
      %dma_wait3A = arith.constant 0 : i32
      %dma_wait3A_152 = tpu.memref_slice %arg8[%add3A_147, %dma_wait3A] : memref<20480x128xf32, #tpu.memory_space<hbm>> -> memref<640x128xf32, #tpu.memory_space<hbm>>
      %dma_wait3A_153 = arith.constant 0 : i32
      %dma_wait3A_154 = tpu.memref_slice %arg13[%mul3A_142, %dma_wait3A_153] : memref<10240x128xf32, #tpu.memory_space<vmem_shared>> -> memref<640x128xf32, #tpu.memory_space<vmem_shared>>
      tpu.wait_dma2 semaphore(%run_scoped3A : memref<!tpu.dma_semaphore, #tpu.memory_space<semaphore_mem>>) src(%dma_wait3A_154 : memref<640x128xf32, #tpu.memory_space<vmem_shared>>) dst(%dma_wait3A_152 : memref<640x128xf32, #tpu.memory_space<hbm>>)
      tpu.yield
    }) : () -> ()
    return
  }
}

#map = affine_map<(d0, d1) -> (0, 0)>
#map1 = affine_map<(d0, d1) -> (0)>
module attributes {stable_mosaic.version = 14 : i64} {
  func.func @body(%arg0: i32, %arg1: i32, %arg2: memref<10000x128xf32, #tpu.memory_space<hbm>>, %arg3: memref<339200xi32, #tpu.memory_space<hbm>>, %arg4: memref<339200xi32, #tpu.memory_space<hbm>>, %arg5: memref<64x128xf32, #tpu.memory_space<hbm>>, %arg6: memref<64x128xf32, #tpu.memory_space<hbm>>, %arg7: memref<20480x128xf32, #tpu.memory_space<hbm>>, %arg8: memref<16000xi32, #tpu.memory_space<vmem>>, %arg9: memref<16000xi32, #tpu.memory_space<vmem>>, %arg10: memref<64x128xf32, #tpu.memory_space<vmem>>, %arg11: memref<64x128xf32, #tpu.memory_space<vmem>>, %arg12: memref<10240x128xf32, #tpu.memory_space<vmem_shared>>, %arg13: memref<!tpu.dma_semaphore, #tpu.memory_space<semaphore_mem>>, %arg14: memref<!tpu.dma_semaphore, #tpu.memory_space<semaphore_mem>>) attributes {dimension_semantics = [#tpu.dimension_semantics<core_parallel>, #tpu.dimension_semantics<subcore_parallel>], iteration_bounds = array<i64: 2, 16>, scalar_prefetch = 0 : i64, scratch_operands = 7 : i64, tpu.core_type = #tpu.core_type<sc_vector_subcore>, window_params = [{transform_indices = #map}, {transform_indices = #map1}, {transform_indices = #map1}, {transform_indices = #map}, {transform_indices = #map}, {transform_indices = #map}]} {
    %eq3A = arith.constant 1 : i32
    %eq3A_0 = arith.cmpi eq, %arg0, %eq3A : i32
    %jit3A = arith.constant 16000 : i32
    %jit3A_1 = arith.constant 4480 : i32
    %select_n3A = arith.select %eq3A_0, %jit3A, %jit3A_1 : i32
    %jit3A_2 = arith.constant 250 : i32
    %jit3A_3 = arith.constant 70 : i32
    %select_n3A_4 = arith.select %eq3A_0, %jit3A_2, %jit3A_3 : i32
    %mul3A = arith.constant 16000 : i32
    %mul3A_5 = arith.muli %arg1, %mul3A : i32
    %mul3A_6 = arith.constant 4480 : i32
    %mul3A_7 = arith.muli %arg1, %mul3A_6 : i32
    %add3A = arith.constant 256000 : i32
    %add3A_8 = arith.addi %add3A, %mul3A_7 : i32
    %select_n3A_9 = arith.select %eq3A_0, %mul3A_5, %add3A_8 : i32
    %mul3A_10 = arith.constant 640 : i32
    %mul3A_11 = arith.muli %arg1, %mul3A_10 : i32
    %add3A_12 = arith.constant 0 : i32
    %add3A_13 = arith.addi %mul3A_11, %add3A_12 : i32
    "tpu.region"() ({
      %run_scoped3A = tpu.sem_alloc : memref<!tpu.dma_semaphore, #tpu.memory_space<semaphore_mem>>
      %dma_start3A_89 = arith.constant 0 : i32
      %dma_start3A_90 = tpu.memref_slice %arg12[%add3A_13, %dma_start3A_89] : memref<10240x128xf32, #tpu.memory_space<vmem_shared>> -> memref<64x128xf32, #tpu.memory_space<vmem_shared>>
      tpu.enqueue_dma source(%arg5 : memref<64x128xf32, #tpu.memory_space<hbm>>) target(%dma_start3A_90 : memref<64x128xf32, #tpu.memory_space<vmem_shared>>) target_semaphore(%run_scoped3A : memref<!tpu.dma_semaphore, #tpu.memory_space<semaphore_mem>>)
      %dma_wait3A = arith.constant 0 : i32
      %dma_wait3A_91 = tpu.memref_slice %arg12[%add3A_13, %dma_wait3A] : memref<10240x128xf32, #tpu.memory_space<vmem_shared>> -> memref<64x128xf32, #tpu.memory_space<vmem_shared>>
      tpu.wait_dma2 semaphore(%run_scoped3A : memref<!tpu.dma_semaphore, #tpu.memory_space<semaphore_mem>>) src(%arg5 : memref<64x128xf32, #tpu.memory_space<hbm>>) dst(%dma_wait3A_91 : memref<64x128xf32, #tpu.memory_space<vmem_shared>>)
      tpu.yield
    }) : () -> ()
    %mul3A_14 = arith.constant 640 : i32
    %mul3A_15 = arith.muli %arg1, %mul3A_14 : i32
    %add3A_16 = arith.constant 64 : i32
    %add3A_17 = arith.addi %mul3A_15, %add3A_16 : i32
    "tpu.region"() ({
      %run_scoped3A = tpu.sem_alloc : memref<!tpu.dma_semaphore, #tpu.memory_space<semaphore_mem>>
      %dma_start3A_89 = arith.constant 0 : i32
      %dma_start3A_90 = tpu.memref_slice %arg12[%add3A_17, %dma_start3A_89] : memref<10240x128xf32, #tpu.memory_space<vmem_shared>> -> memref<64x128xf32, #tpu.memory_space<vmem_shared>>
      tpu.enqueue_dma source(%arg5 : memref<64x128xf32, #tpu.memory_space<hbm>>) target(%dma_start3A_90 : memref<64x128xf32, #tpu.memory_space<vmem_shared>>) target_semaphore(%run_scoped3A : memref<!tpu.dma_semaphore, #tpu.memory_space<semaphore_mem>>)
      %dma_wait3A = arith.constant 0 : i32
      %dma_wait3A_91 = tpu.memref_slice %arg12[%add3A_17, %dma_wait3A] : memref<10240x128xf32, #tpu.memory_space<vmem_shared>> -> memref<64x128xf32, #tpu.memory_space<vmem_shared>>
      tpu.wait_dma2 semaphore(%run_scoped3A : memref<!tpu.dma_semaphore, #tpu.memory_space<semaphore_mem>>) src(%arg5 : memref<64x128xf32, #tpu.memory_space<hbm>>) dst(%dma_wait3A_91 : memref<64x128xf32, #tpu.memory_space<vmem_shared>>)
      tpu.yield
    }) : () -> ()
    %mul3A_18 = arith.constant 640 : i32
    %mul3A_19 = arith.muli %arg1, %mul3A_18 : i32
    %add3A_20 = arith.constant 128 : i32
    %add3A_21 = arith.addi %mul3A_19, %add3A_20 : i32
    "tpu.region"() ({
      %run_scoped3A = tpu.sem_alloc : memref<!tpu.dma_semaphore, #tpu.memory_space<semaphore_mem>>
      %dma_start3A_89 = arith.constant 0 : i32
      %dma_start3A_90 = tpu.memref_slice %arg12[%add3A_21, %dma_start3A_89] : memref<10240x128xf32, #tpu.memory_space<vmem_shared>> -> memref<64x128xf32, #tpu.memory_space<vmem_shared>>
      tpu.enqueue_dma source(%arg5 : memref<64x128xf32, #tpu.memory_space<hbm>>) target(%dma_start3A_90 : memref<64x128xf32, #tpu.memory_space<vmem_shared>>) target_semaphore(%run_scoped3A : memref<!tpu.dma_semaphore, #tpu.memory_space<semaphore_mem>>)
      %dma_wait3A = arith.constant 0 : i32
      %dma_wait3A_91 = tpu.memref_slice %arg12[%add3A_21, %dma_wait3A] : memref<10240x128xf32, #tpu.memory_space<vmem_shared>> -> memref<64x128xf32, #tpu.memory_space<vmem_shared>>
      tpu.wait_dma2 semaphore(%run_scoped3A : memref<!tpu.dma_semaphore, #tpu.memory_space<semaphore_mem>>) src(%arg5 : memref<64x128xf32, #tpu.memory_space<hbm>>) dst(%dma_wait3A_91 : memref<64x128xf32, #tpu.memory_space<vmem_shared>>)
      tpu.yield
    }) : () -> ()
    %mul3A_22 = arith.constant 640 : i32
    %mul3A_23 = arith.muli %arg1, %mul3A_22 : i32
    %add3A_24 = arith.constant 192 : i32
    %add3A_25 = arith.addi %mul3A_23, %add3A_24 : i32
    "tpu.region"() ({
      %run_scoped3A = tpu.sem_alloc : memref<!tpu.dma_semaphore, #tpu.memory_space<semaphore_mem>>
      %dma_start3A_89 = arith.constant 0 : i32
      %dma_start3A_90 = tpu.memref_slice %arg12[%add3A_25, %dma_start3A_89] : memref<10240x128xf32, #tpu.memory_space<vmem_shared>> -> memref<64x128xf32, #tpu.memory_space<vmem_shared>>
      tpu.enqueue_dma source(%arg5 : memref<64x128xf32, #tpu.memory_space<hbm>>) target(%dma_start3A_90 : memref<64x128xf32, #tpu.memory_space<vmem_shared>>) target_semaphore(%run_scoped3A : memref<!tpu.dma_semaphore, #tpu.memory_space<semaphore_mem>>)
      %dma_wait3A = arith.constant 0 : i32
      %dma_wait3A_91 = tpu.memref_slice %arg12[%add3A_25, %dma_wait3A] : memref<10240x128xf32, #tpu.memory_space<vmem_shared>> -> memref<64x128xf32, #tpu.memory_space<vmem_shared>>
      tpu.wait_dma2 semaphore(%run_scoped3A : memref<!tpu.dma_semaphore, #tpu.memory_space<semaphore_mem>>) src(%arg5 : memref<64x128xf32, #tpu.memory_space<hbm>>) dst(%dma_wait3A_91 : memref<64x128xf32, #tpu.memory_space<vmem_shared>>)
      tpu.yield
    }) : () -> ()
    %mul3A_26 = arith.constant 640 : i32
    %mul3A_27 = arith.muli %arg1, %mul3A_26 : i32
    %add3A_28 = arith.constant 256 : i32
    %add3A_29 = arith.addi %mul3A_27, %add3A_28 : i32
    "tpu.region"() ({
      %run_scoped3A = tpu.sem_alloc : memref<!tpu.dma_semaphore, #tpu.memory_space<semaphore_mem>>
      %dma_start3A_89 = arith.constant 0 : i32
      %dma_start3A_90 = tpu.memref_slice %arg12[%add3A_29, %dma_start3A_89] : memref<10240x128xf32, #tpu.memory_space<vmem_shared>> -> memref<64x128xf32, #tpu.memory_space<vmem_shared>>
      tpu.enqueue_dma source(%arg5 : memref<64x128xf32, #tpu.memory_space<hbm>>) target(%dma_start3A_90 : memref<64x128xf32, #tpu.memory_space<vmem_shared>>) target_semaphore(%run_scoped3A : memref<!tpu.dma_semaphore, #tpu.memory_space<semaphore_mem>>)
      %dma_wait3A = arith.constant 0 : i32
      %dma_wait3A_91 = tpu.memref_slice %arg12[%add3A_29, %dma_wait3A] : memref<10240x128xf32, #tpu.memory_space<vmem_shared>> -> memref<64x128xf32, #tpu.memory_space<vmem_shared>>
      tpu.wait_dma2 semaphore(%run_scoped3A : memref<!tpu.dma_semaphore, #tpu.memory_space<semaphore_mem>>) src(%arg5 : memref<64x128xf32, #tpu.memory_space<hbm>>) dst(%dma_wait3A_91 : memref<64x128xf32, #tpu.memory_space<vmem_shared>>)
      tpu.yield
    }) : () -> ()
    %mul3A_30 = arith.constant 640 : i32
    %mul3A_31 = arith.muli %arg1, %mul3A_30 : i32
    %add3A_32 = arith.constant 320 : i32
    %add3A_33 = arith.addi %mul3A_31, %add3A_32 : i32
    "tpu.region"() ({
      %run_scoped3A = tpu.sem_alloc : memref<!tpu.dma_semaphore, #tpu.memory_space<semaphore_mem>>
      %dma_start3A_89 = arith.constant 0 : i32
      %dma_start3A_90 = tpu.memref_slice %arg12[%add3A_33, %dma_start3A_89] : memref<10240x128xf32, #tpu.memory_space<vmem_shared>> -> memref<64x128xf32, #tpu.memory_space<vmem_shared>>
      tpu.enqueue_dma source(%arg5 : memref<64x128xf32, #tpu.memory_space<hbm>>) target(%dma_start3A_90 : memref<64x128xf32, #tpu.memory_space<vmem_shared>>) target_semaphore(%run_scoped3A : memref<!tpu.dma_semaphore, #tpu.memory_space<semaphore_mem>>)
      %dma_wait3A = arith.constant 0 : i32
      %dma_wait3A_91 = tpu.memref_slice %arg12[%add3A_33, %dma_wait3A] : memref<10240x128xf32, #tpu.memory_space<vmem_shared>> -> memref<64x128xf32, #tpu.memory_space<vmem_shared>>
      tpu.wait_dma2 semaphore(%run_scoped3A : memref<!tpu.dma_semaphore, #tpu.memory_space<semaphore_mem>>) src(%arg5 : memref<64x128xf32, #tpu.memory_space<hbm>>) dst(%dma_wait3A_91 : memref<64x128xf32, #tpu.memory_space<vmem_shared>>)
      tpu.yield
    }) : () -> ()
    %mul3A_34 = arith.constant 640 : i32
    %mul3A_35 = arith.muli %arg1, %mul3A_34 : i32
    %add3A_36 = arith.constant 384 : i32
    %add3A_37 = arith.addi %mul3A_35, %add3A_36 : i32
    "tpu.region"() ({
      %run_scoped3A = tpu.sem_alloc : memref<!tpu.dma_semaphore, #tpu.memory_space<semaphore_mem>>
      %dma_start3A_89 = arith.constant 0 : i32
      %dma_start3A_90 = tpu.memref_slice %arg12[%add3A_37, %dma_start3A_89] : memref<10240x128xf32, #tpu.memory_space<vmem_shared>> -> memref<64x128xf32, #tpu.memory_space<vmem_shared>>
      tpu.enqueue_dma source(%arg5 : memref<64x128xf32, #tpu.memory_space<hbm>>) target(%dma_start3A_90 : memref<64x128xf32, #tpu.memory_space<vmem_shared>>) target_semaphore(%run_scoped3A : memref<!tpu.dma_semaphore, #tpu.memory_space<semaphore_mem>>)
      %dma_wait3A = arith.constant 0 : i32
      %dma_wait3A_91 = tpu.memref_slice %arg12[%add3A_37, %dma_wait3A] : memref<10240x128xf32, #tpu.memory_space<vmem_shared>> -> memref<64x128xf32, #tpu.memory_space<vmem_shared>>
      tpu.wait_dma2 semaphore(%run_scoped3A : memref<!tpu.dma_semaphore, #tpu.memory_space<semaphore_mem>>) src(%arg5 : memref<64x128xf32, #tpu.memory_space<hbm>>) dst(%dma_wait3A_91 : memref<64x128xf32, #tpu.memory_space<vmem_shared>>)
      tpu.yield
    }) : () -> ()
    %mul3A_38 = arith.constant 640 : i32
    %mul3A_39 = arith.muli %arg1, %mul3A_38 : i32
    %add3A_40 = arith.constant 448 : i32
    %add3A_41 = arith.addi %mul3A_39, %add3A_40 : i32
    "tpu.region"() ({
      %run_scoped3A = tpu.sem_alloc : memref<!tpu.dma_semaphore, #tpu.memory_space<semaphore_mem>>
      %dma_start3A_89 = arith.constant 0 : i32
      %dma_start3A_90 = tpu.memref_slice %arg12[%add3A_41, %dma_start3A_89] : memref<10240x128xf32, #tpu.memory_space<vmem_shared>> -> memref<64x128xf32, #tpu.memory_space<vmem_shared>>
      tpu.enqueue_dma source(%arg5 : memref<64x128xf32, #tpu.memory_space<hbm>>) target(%dma_start3A_90 : memref<64x128xf32, #tpu.memory_space<vmem_shared>>) target_semaphore(%run_scoped3A : memref<!tpu.dma_semaphore, #tpu.memory_space<semaphore_mem>>)
      %dma_wait3A = arith.constant 0 : i32
      %dma_wait3A_91 = tpu.memref_slice %arg12[%add3A_41, %dma_wait3A] : memref<10240x128xf32, #tpu.memory_space<vmem_shared>> -> memref<64x128xf32, #tpu.memory_space<vmem_shared>>
      tpu.wait_dma2 semaphore(%run_scoped3A : memref<!tpu.dma_semaphore, #tpu.memory_space<semaphore_mem>>) src(%arg5 : memref<64x128xf32, #tpu.memory_space<hbm>>) dst(%dma_wait3A_91 : memref<64x128xf32, #tpu.memory_space<vmem_shared>>)
      tpu.yield
    }) : () -> ()
    %mul3A_42 = arith.constant 640 : i32
    %mul3A_43 = arith.muli %arg1, %mul3A_42 : i32
    %add3A_44 = arith.constant 512 : i32
    %add3A_45 = arith.addi %mul3A_43, %add3A_44 : i32
    "tpu.region"() ({
      %run_scoped3A = tpu.sem_alloc : memref<!tpu.dma_semaphore, #tpu.memory_space<semaphore_mem>>
      %dma_start3A_89 = arith.constant 0 : i32
      %dma_start3A_90 = tpu.memref_slice %arg12[%add3A_45, %dma_start3A_89] : memref<10240x128xf32, #tpu.memory_space<vmem_shared>> -> memref<64x128xf32, #tpu.memory_space<vmem_shared>>
      tpu.enqueue_dma source(%arg5 : memref<64x128xf32, #tpu.memory_space<hbm>>) target(%dma_start3A_90 : memref<64x128xf32, #tpu.memory_space<vmem_shared>>) target_semaphore(%run_scoped3A : memref<!tpu.dma_semaphore, #tpu.memory_space<semaphore_mem>>)
      %dma_wait3A = arith.constant 0 : i32
      %dma_wait3A_91 = tpu.memref_slice %arg12[%add3A_45, %dma_wait3A] : memref<10240x128xf32, #tpu.memory_space<vmem_shared>> -> memref<64x128xf32, #tpu.memory_space<vmem_shared>>
      tpu.wait_dma2 semaphore(%run_scoped3A : memref<!tpu.dma_semaphore, #tpu.memory_space<semaphore_mem>>) src(%arg5 : memref<64x128xf32, #tpu.memory_space<hbm>>) dst(%dma_wait3A_91 : memref<64x128xf32, #tpu.memory_space<vmem_shared>>)
      tpu.yield
    }) : () -> ()
    %mul3A_46 = arith.constant 640 : i32
    %mul3A_47 = arith.muli %arg1, %mul3A_46 : i32
    %add3A_48 = arith.constant 576 : i32
    %add3A_49 = arith.addi %mul3A_47, %add3A_48 : i32
    "tpu.region"() ({
      %run_scoped3A = tpu.sem_alloc : memref<!tpu.dma_semaphore, #tpu.memory_space<semaphore_mem>>
      %dma_start3A_89 = arith.constant 0 : i32
      %dma_start3A_90 = tpu.memref_slice %arg12[%add3A_49, %dma_start3A_89] : memref<10240x128xf32, #tpu.memory_space<vmem_shared>> -> memref<64x128xf32, #tpu.memory_space<vmem_shared>>
      tpu.enqueue_dma source(%arg5 : memref<64x128xf32, #tpu.memory_space<hbm>>) target(%dma_start3A_90 : memref<64x128xf32, #tpu.memory_space<vmem_shared>>) target_semaphore(%run_scoped3A : memref<!tpu.dma_semaphore, #tpu.memory_space<semaphore_mem>>)
      %dma_wait3A = arith.constant 0 : i32
      %dma_wait3A_91 = tpu.memref_slice %arg12[%add3A_49, %dma_wait3A] : memref<10240x128xf32, #tpu.memory_space<vmem_shared>> -> memref<64x128xf32, #tpu.memory_space<vmem_shared>>
      tpu.wait_dma2 semaphore(%run_scoped3A : memref<!tpu.dma_semaphore, #tpu.memory_space<semaphore_mem>>) src(%arg5 : memref<64x128xf32, #tpu.memory_space<hbm>>) dst(%dma_wait3A_91 : memref<64x128xf32, #tpu.memory_space<vmem_shared>>)
      tpu.yield
    }) : () -> ()
    "tpu.region"() ({
      %run_scoped3A = tpu.sem_alloc : memref<!tpu.dma_semaphore, #tpu.memory_space<semaphore_mem>>
      %dma_start3A_89 = tpu.memref_slice %arg3[%select_n3A_9] : memref<339200xi32, #tpu.memory_space<hbm>> -> memref<16000xi32, #tpu.memory_space<hbm>>
      %dma_start3A_90 = tpu.memref_slice %arg3[%select_n3A_9] : memref<339200xi32, #tpu.memory_space<hbm>> -> memref<16000xi32, #tpu.memory_space<hbm>>
      tpu.enqueue_dma source(%dma_start3A_90 : memref<16000xi32, #tpu.memory_space<hbm>>) target(%arg8 : memref<16000xi32, #tpu.memory_space<vmem>>) target_semaphore(%run_scoped3A : memref<!tpu.dma_semaphore, #tpu.memory_space<semaphore_mem>>)
      %dma_wait3A = tpu.memref_slice %arg3[%select_n3A_9] : memref<339200xi32, #tpu.memory_space<hbm>> -> memref<16000xi32, #tpu.memory_space<hbm>>
      %dma_wait3A_91 = tpu.memref_slice %arg3[%select_n3A_9] : memref<339200xi32, #tpu.memory_space<hbm>> -> memref<16000xi32, #tpu.memory_space<hbm>>
      tpu.wait_dma2 semaphore(%run_scoped3A : memref<!tpu.dma_semaphore, #tpu.memory_space<semaphore_mem>>) src(%dma_wait3A_91 : memref<16000xi32, #tpu.memory_space<hbm>>) dst(%arg8 : memref<16000xi32, #tpu.memory_space<vmem>>)
      tpu.yield
    }) : () -> ()
    "tpu.region"() ({
      %run_scoped3A = tpu.sem_alloc : memref<!tpu.dma_semaphore, #tpu.memory_space<semaphore_mem>>
      %dma_start3A_89 = tpu.memref_slice %arg4[%select_n3A_9] : memref<339200xi32, #tpu.memory_space<hbm>> -> memref<16000xi32, #tpu.memory_space<hbm>>
      %dma_start3A_90 = tpu.memref_slice %arg4[%select_n3A_9] : memref<339200xi32, #tpu.memory_space<hbm>> -> memref<16000xi32, #tpu.memory_space<hbm>>
      tpu.enqueue_dma source(%dma_start3A_90 : memref<16000xi32, #tpu.memory_space<hbm>>) target(%arg9 : memref<16000xi32, #tpu.memory_space<vmem>>) target_semaphore(%run_scoped3A : memref<!tpu.dma_semaphore, #tpu.memory_space<semaphore_mem>>)
      %dma_wait3A = tpu.memref_slice %arg4[%select_n3A_9] : memref<339200xi32, #tpu.memory_space<hbm>> -> memref<16000xi32, #tpu.memory_space<hbm>>
      %dma_wait3A_91 = tpu.memref_slice %arg4[%select_n3A_9] : memref<339200xi32, #tpu.memory_space<hbm>> -> memref<16000xi32, #tpu.memory_space<hbm>>
      tpu.wait_dma2 semaphore(%run_scoped3A : memref<!tpu.dma_semaphore, #tpu.memory_space<semaphore_mem>>) src(%dma_wait3A_91 : memref<16000xi32, #tpu.memory_space<hbm>>) dst(%arg9 : memref<16000xi32, #tpu.memory_space<vmem>>)
      tpu.yield
    }) : () -> ()
    %barrier3A = arith.constant 0 : index
    tpu.barrier barrier_id(%barrier3A)
    %dma_start3A = arith.constant 0 : i32
    %dma_start3A_50 = tpu.memref_slice %arg8[%dma_start3A] : memref<16000xi32, #tpu.memory_space<vmem>> -> memref<64xi32, #tpu.memory_space<vmem>>
    %dma_start3A_51 = arith.constant 0 : i32
    %dma_start3A_52 = arith.constant 0 : i32
    %dma_start3A_53 = tpu.memref_slice %arg2[%dma_start3A_51, %dma_start3A_52] : memref<10000x128xf32, #tpu.memory_space<hbm>> -> memref<10000x128xf32, #tpu.memory_space<hbm>>
    tpu.enqueue_indirect_dma source(%dma_start3A_53 : memref<10000x128xf32, #tpu.memory_space<hbm>>) target(%arg10 : memref<64x128xf32, #tpu.memory_space<vmem>>) offsets(%dma_start3A_50 : memref<64xi32, #tpu.memory_space<vmem>>) semaphore(%arg13 : memref<!tpu.dma_semaphore, #tpu.memory_space<semaphore_mem>>)
    %jit3A_54 = arith.constant 2 : i32
    %div3A = arith.divsi %select_n3A_4, %jit3A_54 : i32
    %sign3A = arith.constant 0 : i32
    %sign3A_55 = arith.cmpi sgt, %select_n3A_4, %sign3A : i32
    %sign3A_56 = arith.extui %sign3A_55 : i1 to i32
    %sign3A_57 = arith.constant 0 : i32
    %sign3A_58 = arith.cmpi slt, %select_n3A_4, %sign3A_57 : i32
    %sign3A_59 = arith.extui %sign3A_58 : i1 to i32
    %sign3A_60 = arith.subi %sign3A_56, %sign3A_59 : i32
    %sign3A_61 = arith.constant 0 : i32
    %sign3A_62 = arith.cmpi sgt, %jit3A_54, %sign3A_61 : i32
    %sign3A_63 = arith.extui %sign3A_62 : i1 to i32
    %sign3A_64 = arith.constant 0 : i32
    %sign3A_65 = arith.cmpi slt, %jit3A_54, %sign3A_64 : i32
    %sign3A_66 = arith.extui %sign3A_65 : i1 to i32
    %sign3A_67 = arith.subi %sign3A_63, %sign3A_66 : i32
    %ne3A = arith.cmpi ne, %sign3A_60, %sign3A_67 : i32
    %rem3A = arith.remsi %select_n3A_4, %jit3A_54 : i32
    %ne3A_68 = arith.constant 0 : i32
    %ne3A_69 = arith.cmpi ne, %rem3A, %ne3A_68 : i32
    %and3A = arith.andi %ne3A, %ne3A_69 : i1
    %sub3A = arith.constant 1 : i32
    %sub3A_70 = arith.subi %div3A, %sub3A : i32
    %select_n3A_71 = arith.select %and3A, %sub3A_70, %div3A : i32
    %while3A = arith.constant 0 : i32
    %while3A_72 = arith.constant 0 : i32
    %while3A_73 = arith.subi %select_n3A_71, %while3A_72 : i32
    %while3A_74 = arith.addi %while3A_72, %while3A_73 : i32
    %while3A_75 = arith.constant 1 : i32
    %while3A_76 = arith.divsi %while3A_73, %while3A_75 : i32
    %while3A_77 = arith.muli %while3A_76, %while3A_75 : i32
    %while3A_78 = arith.addi %while3A_72, %while3A_77 : i32
    %while3A_79 = arith.constant 1 : i32
    scf.for %while3A_89 = %while3A_72 to %while3A_78 step %while3A_79  : i32 {
      %mul3A_90 = arith.constant 2 : i32
      %mul3A_91 = arith.muli %mul3A_90, %while3A_89 : i32
      %mul3A_92 = arith.constant 64 : i32
      %mul3A_93 = arith.muli %mul3A_91, %mul3A_92 : i32
      %add3A_94 = arith.constant 64 : i32
      %add3A_95 = arith.addi %mul3A_93, %add3A_94 : i32
      %dma_start3A_96 = tpu.memref_slice %arg8[%add3A_95] : memref<16000xi32, #tpu.memory_space<vmem>> -> memref<64xi32, #tpu.memory_space<vmem>>
      %dma_start3A_97 = arith.constant 0 : i32
      %dma_start3A_98 = arith.constant 0 : i32
      %dma_start3A_99 = tpu.memref_slice %arg2[%dma_start3A_97, %dma_start3A_98] : memref<10000x128xf32, #tpu.memory_space<hbm>> -> memref<10000x128xf32, #tpu.memory_space<hbm>>
      tpu.enqueue_indirect_dma source(%dma_start3A_99 : memref<10000x128xf32, #tpu.memory_space<hbm>>) target(%arg11 : memref<64x128xf32, #tpu.memory_space<vmem>>) offsets(%dma_start3A_96 : memref<64xi32, #tpu.memory_space<vmem>>) semaphore(%arg14 : memref<!tpu.dma_semaphore, #tpu.memory_space<semaphore_mem>>)
      %dma_wait3A = tpu.memref_slice %arg8[%mul3A_93] : memref<16000xi32, #tpu.memory_space<vmem>> -> memref<64xi32, #tpu.memory_space<vmem>>
      %dma_wait3A_100 = arith.constant 0 : i32
      %dma_wait3A_101 = arith.constant 0 : i32
      %dma_wait3A_102 = tpu.memref_slice %arg2[%dma_wait3A_100, %dma_wait3A_101] : memref<10000x128xf32, #tpu.memory_space<hbm>> -> memref<10000x128xf32, #tpu.memory_space<hbm>>
      tpu.wait_indirect_dma semaphore(%arg13 : memref<!tpu.dma_semaphore, #tpu.memory_space<semaphore_mem>>) src(%dma_wait3A_102 : memref<10000x128xf32, #tpu.memory_space<hbm>>) dst(%arg10 : memref<64x128xf32, #tpu.memory_space<vmem>>)
      "tpu.region"() ({
        %run_scoped3A = tpu.sem_alloc : memref<!tpu.dma_semaphore, #tpu.memory_space<semaphore_mem>>
        %dma_start3A_114 = tpu.memref_slice %arg9[%mul3A_93] : memref<16000xi32, #tpu.memory_space<vmem>> -> memref<64xi32, #tpu.memory_space<vmem>>
        %dma_start3A_115 = arith.constant 0 : i32
        %dma_start3A_116 = arith.constant 0 : i32
        %dma_start3A_117 = tpu.memref_slice %arg12[%dma_start3A_115, %dma_start3A_116] : memref<10240x128xf32, #tpu.memory_space<vmem_shared>> -> memref<10240x128xf32, #tpu.memory_space<vmem_shared>>
        tpu.enqueue_indirect_dma source(%arg10 : memref<64x128xf32, #tpu.memory_space<vmem>>) target(%dma_start3A_117 : memref<10240x128xf32, #tpu.memory_space<vmem_shared>>) offsets(%dma_start3A_114 : memref<64xi32, #tpu.memory_space<vmem>>) semaphore(%run_scoped3A : memref<!tpu.dma_semaphore, #tpu.memory_space<semaphore_mem>>) {add = true}
        %dma_wait3A_118 = tpu.memref_slice %arg9[%mul3A_93] : memref<16000xi32, #tpu.memory_space<vmem>> -> memref<64xi32, #tpu.memory_space<vmem>>
        %dma_wait3A_119 = arith.constant 0 : i32
        %dma_wait3A_120 = arith.constant 0 : i32
        %dma_wait3A_121 = tpu.memref_slice %arg12[%dma_wait3A_119, %dma_wait3A_120] : memref<10240x128xf32, #tpu.memory_space<vmem_shared>> -> memref<10240x128xf32, #tpu.memory_space<vmem_shared>>
        tpu.wait_indirect_dma semaphore(%run_scoped3A : memref<!tpu.dma_semaphore, #tpu.memory_space<semaphore_mem>>) src(%arg10 : memref<64x128xf32, #tpu.memory_space<vmem>>) dst(%dma_wait3A_121 : memref<10240x128xf32, #tpu.memory_space<vmem_shared>>)
        tpu.yield
      }) : () -> ()
      %mul3A_103 = arith.constant 2 : i32
      %mul3A_104 = arith.muli %mul3A_103, %while3A_89 : i32
      %add3A_105 = arith.constant 2 : i32
      %add3A_106 = arith.addi %mul3A_104, %add3A_105 : i32
      %lt3A = arith.cmpi slt, %add3A_106, %select_n3A_4 : i32
      %convert_element_type3A = arith.extui %lt3A : i1 to i32
      %cond3A = arith.constant 0 : i32
      %cond3A_107 = arith.cmpi ne, %convert_element_type3A, %cond3A : i32
      scf.if %cond3A_107 {
        %add3A_114 = arith.constant 128 : i32
        %add3A_115 = arith.addi %mul3A_93, %add3A_114 : i32
        %dma_start3A_116 = tpu.memref_slice %arg8[%add3A_115] : memref<16000xi32, #tpu.memory_space<vmem>> -> memref<64xi32, #tpu.memory_space<vmem>>
        %dma_start3A_117 = arith.constant 0 : i32
        %dma_start3A_118 = arith.constant 0 : i32
        %dma_start3A_119 = tpu.memref_slice %arg2[%dma_start3A_117, %dma_start3A_118] : memref<10000x128xf32, #tpu.memory_space<hbm>> -> memref<10000x128xf32, #tpu.memory_space<hbm>>
        tpu.enqueue_indirect_dma source(%dma_start3A_119 : memref<10000x128xf32, #tpu.memory_space<hbm>>) target(%arg10 : memref<64x128xf32, #tpu.memory_space<vmem>>) offsets(%dma_start3A_116 : memref<64xi32, #tpu.memory_space<vmem>>) semaphore(%arg13 : memref<!tpu.dma_semaphore, #tpu.memory_space<semaphore_mem>>)
      } else {
      }
      %dma_wait3A_108 = tpu.memref_slice %arg8[%add3A_95] : memref<16000xi32, #tpu.memory_space<vmem>> -> memref<64xi32, #tpu.memory_space<vmem>>
      %dma_wait3A_109 = arith.constant 0 : i32
      %dma_wait3A_110 = arith.constant 0 : i32
      %dma_wait3A_111 = tpu.memref_slice %arg2[%dma_wait3A_109, %dma_wait3A_110] : memref<10000x128xf32, #tpu.memory_space<hbm>> -> memref<10000x128xf32, #tpu.memory_space<hbm>>
      tpu.wait_indirect_dma semaphore(%arg14 : memref<!tpu.dma_semaphore, #tpu.memory_space<semaphore_mem>>) src(%dma_wait3A_111 : memref<10000x128xf32, #tpu.memory_space<hbm>>) dst(%arg11 : memref<64x128xf32, #tpu.memory_space<vmem>>)
      %add3A_112 = arith.constant 64 : i32
      %add3A_113 = arith.addi %mul3A_93, %add3A_112 : i32
      "tpu.region"() ({
        %run_scoped3A = tpu.sem_alloc : memref<!tpu.dma_semaphore, #tpu.memory_space<semaphore_mem>>
        %dma_start3A_114 = tpu.memref_slice %arg9[%add3A_113] : memref<16000xi32, #tpu.memory_space<vmem>> -> memref<64xi32, #tpu.memory_space<vmem>>
        %dma_start3A_115 = arith.constant 0 : i32
        %dma_start3A_116 = arith.constant 0 : i32
        %dma_start3A_117 = tpu.memref_slice %arg12[%dma_start3A_115, %dma_start3A_116] : memref<10240x128xf32, #tpu.memory_space<vmem_shared>> -> memref<10240x128xf32, #tpu.memory_space<vmem_shared>>
        tpu.enqueue_indirect_dma source(%arg11 : memref<64x128xf32, #tpu.memory_space<vmem>>) target(%dma_start3A_117 : memref<10240x128xf32, #tpu.memory_space<vmem_shared>>) offsets(%dma_start3A_114 : memref<64xi32, #tpu.memory_space<vmem>>) semaphore(%run_scoped3A : memref<!tpu.dma_semaphore, #tpu.memory_space<semaphore_mem>>) {add = true}
        %dma_wait3A_118 = tpu.memref_slice %arg9[%add3A_113] : memref<16000xi32, #tpu.memory_space<vmem>> -> memref<64xi32, #tpu.memory_space<vmem>>
        %dma_wait3A_119 = arith.constant 0 : i32
        %dma_wait3A_120 = arith.constant 0 : i32
        %dma_wait3A_121 = tpu.memref_slice %arg12[%dma_wait3A_119, %dma_wait3A_120] : memref<10240x128xf32, #tpu.memory_space<vmem_shared>> -> memref<10240x128xf32, #tpu.memory_space<vmem_shared>>
        tpu.wait_indirect_dma semaphore(%run_scoped3A : memref<!tpu.dma_semaphore, #tpu.memory_space<semaphore_mem>>) src(%arg11 : memref<64x128xf32, #tpu.memory_space<vmem>>) dst(%dma_wait3A_121 : memref<10240x128xf32, #tpu.memory_space<vmem_shared>>)
        tpu.yield
      }) : () -> ()
    }
    %while3A_80 = arith.constant 1 : i32
    scf.for %while3A_89 = %while3A_78 to %while3A_74 step %while3A_80  : i32 {
      %mul3A_90 = arith.constant 2 : i32
      %mul3A_91 = arith.muli %mul3A_90, %while3A_89 : i32
      %mul3A_92 = arith.constant 64 : i32
      %mul3A_93 = arith.muli %mul3A_91, %mul3A_92 : i32
      %add3A_94 = arith.constant 64 : i32
      %add3A_95 = arith.addi %mul3A_93, %add3A_94 : i32
      %dma_start3A_96 = tpu.memref_slice %arg8[%add3A_95] : memref<16000xi32, #tpu.memory_space<vmem>> -> memref<64xi32, #tpu.memory_space<vmem>>
      %dma_start3A_97 = arith.constant 0 : i32
      %dma_start3A_98 = arith.constant 0 : i32
      %dma_start3A_99 = tpu.memref_slice %arg2[%dma_start3A_97, %dma_start3A_98] : memref<10000x128xf32, #tpu.memory_space<hbm>> -> memref<10000x128xf32, #tpu.memory_space<hbm>>
      tpu.enqueue_indirect_dma source(%dma_start3A_99 : memref<10000x128xf32, #tpu.memory_space<hbm>>) target(%arg11 : memref<64x128xf32, #tpu.memory_space<vmem>>) offsets(%dma_start3A_96 : memref<64xi32, #tpu.memory_space<vmem>>) semaphore(%arg14 : memref<!tpu.dma_semaphore, #tpu.memory_space<semaphore_mem>>)
      %dma_wait3A = tpu.memref_slice %arg8[%mul3A_93] : memref<16000xi32, #tpu.memory_space<vmem>> -> memref<64xi32, #tpu.memory_space<vmem>>
      %dma_wait3A_100 = arith.constant 0 : i32
      %dma_wait3A_101 = arith.constant 0 : i32
      %dma_wait3A_102 = tpu.memref_slice %arg2[%dma_wait3A_100, %dma_wait3A_101] : memref<10000x128xf32, #tpu.memory_space<hbm>> -> memref<10000x128xf32, #tpu.memory_space<hbm>>
      tpu.wait_indirect_dma semaphore(%arg13 : memref<!tpu.dma_semaphore, #tpu.memory_space<semaphore_mem>>) src(%dma_wait3A_102 : memref<10000x128xf32, #tpu.memory_space<hbm>>) dst(%arg10 : memref<64x128xf32, #tpu.memory_space<vmem>>)
      "tpu.region"() ({
        %run_scoped3A = tpu.sem_alloc : memref<!tpu.dma_semaphore, #tpu.memory_space<semaphore_mem>>
        %dma_start3A_114 = tpu.memref_slice %arg9[%mul3A_93] : memref<16000xi32, #tpu.memory_space<vmem>> -> memref<64xi32, #tpu.memory_space<vmem>>
        %dma_start3A_115 = arith.constant 0 : i32
        %dma_start3A_116 = arith.constant 0 : i32
        %dma_start3A_117 = tpu.memref_slice %arg12[%dma_start3A_115, %dma_start3A_116] : memref<10240x128xf32, #tpu.memory_space<vmem_shared>> -> memref<10240x128xf32, #tpu.memory_space<vmem_shared>>
        tpu.enqueue_indirect_dma source(%arg10 : memref<64x128xf32, #tpu.memory_space<vmem>>) target(%dma_start3A_117 : memref<10240x128xf32, #tpu.memory_space<vmem_shared>>) offsets(%dma_start3A_114 : memref<64xi32, #tpu.memory_space<vmem>>) semaphore(%run_scoped3A : memref<!tpu.dma_semaphore, #tpu.memory_space<semaphore_mem>>) {add = true}
        %dma_wait3A_118 = tpu.memref_slice %arg9[%mul3A_93] : memref<16000xi32, #tpu.memory_space<vmem>> -> memref<64xi32, #tpu.memory_space<vmem>>
        %dma_wait3A_119 = arith.constant 0 : i32
        %dma_wait3A_120 = arith.constant 0 : i32
        %dma_wait3A_121 = tpu.memref_slice %arg12[%dma_wait3A_119, %dma_wait3A_120] : memref<10240x128xf32, #tpu.memory_space<vmem_shared>> -> memref<10240x128xf32, #tpu.memory_space<vmem_shared>>
        tpu.wait_indirect_dma semaphore(%run_scoped3A : memref<!tpu.dma_semaphore, #tpu.memory_space<semaphore_mem>>) src(%arg10 : memref<64x128xf32, #tpu.memory_space<vmem>>) dst(%dma_wait3A_121 : memref<10240x128xf32, #tpu.memory_space<vmem_shared>>)
        tpu.yield
      }) : () -> ()
      %mul3A_103 = arith.constant 2 : i32
      %mul3A_104 = arith.muli %mul3A_103, %while3A_89 : i32
      %add3A_105 = arith.constant 2 : i32
      %add3A_106 = arith.addi %mul3A_104, %add3A_105 : i32
      %lt3A = arith.cmpi slt, %add3A_106, %select_n3A_4 : i32
      %convert_element_type3A = arith.extui %lt3A : i1 to i32
      %cond3A = arith.constant 0 : i32
      %cond3A_107 = arith.cmpi ne, %convert_element_type3A, %cond3A : i32
      scf.if %cond3A_107 {
        %add3A_114 = arith.constant 128 : i32
        %add3A_115 = arith.addi %mul3A_93, %add3A_114 : i32
        %dma_start3A_116 = tpu.memref_slice %arg8[%add3A_115] : memref<16000xi32, #tpu.memory_space<vmem>> -> memref<64xi32, #tpu.memory_space<vmem>>
        %dma_start3A_117 = arith.constant 0 : i32
        %dma_start3A_118 = arith.constant 0 : i32
        %dma_start3A_119 = tpu.memref_slice %arg2[%dma_start3A_117, %dma_start3A_118] : memref<10000x128xf32, #tpu.memory_space<hbm>> -> memref<10000x128xf32, #tpu.memory_space<hbm>>
        tpu.enqueue_indirect_dma source(%dma_start3A_119 : memref<10000x128xf32, #tpu.memory_space<hbm>>) target(%arg10 : memref<64x128xf32, #tpu.memory_space<vmem>>) offsets(%dma_start3A_116 : memref<64xi32, #tpu.memory_space<vmem>>) semaphore(%arg13 : memref<!tpu.dma_semaphore, #tpu.memory_space<semaphore_mem>>)
      } else {
      }
      %dma_wait3A_108 = tpu.memref_slice %arg8[%add3A_95] : memref<16000xi32, #tpu.memory_space<vmem>> -> memref<64xi32, #tpu.memory_space<vmem>>
      %dma_wait3A_109 = arith.constant 0 : i32
      %dma_wait3A_110 = arith.constant 0 : i32
      %dma_wait3A_111 = tpu.memref_slice %arg2[%dma_wait3A_109, %dma_wait3A_110] : memref<10000x128xf32, #tpu.memory_space<hbm>> -> memref<10000x128xf32, #tpu.memory_space<hbm>>
      tpu.wait_indirect_dma semaphore(%arg14 : memref<!tpu.dma_semaphore, #tpu.memory_space<semaphore_mem>>) src(%dma_wait3A_111 : memref<10000x128xf32, #tpu.memory_space<hbm>>) dst(%arg11 : memref<64x128xf32, #tpu.memory_space<vmem>>)
      %add3A_112 = arith.constant 64 : i32
      %add3A_113 = arith.addi %mul3A_93, %add3A_112 : i32
      "tpu.region"() ({
        %run_scoped3A = tpu.sem_alloc : memref<!tpu.dma_semaphore, #tpu.memory_space<semaphore_mem>>
        %dma_start3A_114 = tpu.memref_slice %arg9[%add3A_113] : memref<16000xi32, #tpu.memory_space<vmem>> -> memref<64xi32, #tpu.memory_space<vmem>>
        %dma_start3A_115 = arith.constant 0 : i32
        %dma_start3A_116 = arith.constant 0 : i32
        %dma_start3A_117 = tpu.memref_slice %arg12[%dma_start3A_115, %dma_start3A_116] : memref<10240x128xf32, #tpu.memory_space<vmem_shared>> -> memref<10240x128xf32, #tpu.memory_space<vmem_shared>>
        tpu.enqueue_indirect_dma source(%arg11 : memref<64x128xf32, #tpu.memory_space<vmem>>) target(%dma_start3A_117 : memref<10240x128xf32, #tpu.memory_space<vmem_shared>>) offsets(%dma_start3A_114 : memref<64xi32, #tpu.memory_space<vmem>>) semaphore(%run_scoped3A : memref<!tpu.dma_semaphore, #tpu.memory_space<semaphore_mem>>) {add = true}
        %dma_wait3A_118 = tpu.memref_slice %arg9[%add3A_113] : memref<16000xi32, #tpu.memory_space<vmem>> -> memref<64xi32, #tpu.memory_space<vmem>>
        %dma_wait3A_119 = arith.constant 0 : i32
        %dma_wait3A_120 = arith.constant 0 : i32
        %dma_wait3A_121 = tpu.memref_slice %arg12[%dma_wait3A_119, %dma_wait3A_120] : memref<10240x128xf32, #tpu.memory_space<vmem_shared>> -> memref<10240x128xf32, #tpu.memory_space<vmem_shared>>
        tpu.wait_indirect_dma semaphore(%run_scoped3A : memref<!tpu.dma_semaphore, #tpu.memory_space<semaphore_mem>>) src(%arg11 : memref<64x128xf32, #tpu.memory_space<vmem>>) dst(%dma_wait3A_121 : memref<10240x128xf32, #tpu.memory_space<vmem_shared>>)
        tpu.yield
      }) : () -> ()
    }
    %barrier3A_81 = arith.constant 0 : index
    tpu.barrier barrier_id(%barrier3A_81)
    %mul3A_82 = arith.constant 640 : i32
    %mul3A_83 = arith.muli %arg1, %mul3A_82 : i32
    %mul3A_84 = arith.constant 10240 : i32
    %mul3A_85 = arith.muli %arg0, %mul3A_84 : i32
    %mul3A_86 = arith.constant 640 : i32
    %mul3A_87 = arith.muli %arg1, %mul3A_86 : i32
    %add3A_88 = arith.addi %mul3A_85, %mul3A_87 : i32
    "tpu.region"() ({
      %run_scoped3A = tpu.sem_alloc : memref<!tpu.dma_semaphore, #tpu.memory_space<semaphore_mem>>
      %dma_start3A_89 = arith.constant 0 : i32
      %dma_start3A_90 = tpu.memref_slice %arg7[%add3A_88, %dma_start3A_89] : memref<20480x128xf32, #tpu.memory_space<hbm>> -> memref<640x128xf32, #tpu.memory_space<hbm>>
      %dma_start3A_91 = arith.constant 0 : i32
      %dma_start3A_92 = tpu.memref_slice %arg12[%mul3A_83, %dma_start3A_91] : memref<10240x128xf32, #tpu.memory_space<vmem_shared>> -> memref<640x128xf32, #tpu.memory_space<vmem_shared>>
      tpu.enqueue_dma source(%dma_start3A_92 : memref<640x128xf32, #tpu.memory_space<vmem_shared>>) target(%dma_start3A_90 : memref<640x128xf32, #tpu.memory_space<hbm>>) target_semaphore(%run_scoped3A : memref<!tpu.dma_semaphore, #tpu.memory_space<semaphore_mem>>)
      %dma_wait3A = arith.constant 0 : i32
      %dma_wait3A_93 = tpu.memref_slice %arg7[%add3A_88, %dma_wait3A] : memref<20480x128xf32, #tpu.memory_space<hbm>> -> memref<640x128xf32, #tpu.memory_space<hbm>>
      %dma_wait3A_94 = arith.constant 0 : i32
      %dma_wait3A_95 = tpu.memref_slice %arg12[%mul3A_83, %dma_wait3A_94] : memref<10240x128xf32, #tpu.memory_space<vmem_shared>> -> memref<640x128xf32, #tpu.memory_space<vmem_shared>>
      tpu.wait_dma2 semaphore(%run_scoped3A : memref<!tpu.dma_semaphore, #tpu.memory_space<semaphore_mem>>) src(%dma_wait3A_95 : memref<640x128xf32, #tpu.memory_space<vmem_shared>>) dst(%dma_wait3A_93 : memref<640x128xf32, #tpu.memory_space<hbm>>)
      tpu.yield
    }) : () -> ()
    return
  }
}

module attributes {stable_mosaic.version = 14 : i64} {
  func.func @_tc_pre_body(%arg0: i32, %arg1: memref<1000x128xf32, #tpu.memory_space<vmem>>, %arg2: memref<1000x1xi32, #tpu.memory_space<vmem>>, %arg3: memref<3x8xf32, #tpu.memory_space<vmem>>, %arg4: memref<136x128xf32, #tpu.memory_space<vmem>>, %arg5: memref<136x128xf32, #tpu.memory_space<vmem>>, %arg6: memref<1x128xf32, #tpu.memory_space<vmem>>, %arg7: memref<1000x128xf32, #tpu.memory_space<vmem>>, %arg8: memref<1000x128xf32, #tpu.memory_space<vmem>>, %arg9: memref<1x1xf32, #tpu.memory_space<vmem>>) attributes {dimension_semantics = [#tpu.dimension_semantics<arbitrary>], iteration_bounds = array<i64: 10>, scalar_prefetch = 0 : i64, scratch_operands = 0 : i64, tpu.core_type = #tpu.core_type<tc>, window_params = [{transform_indices = @transform_0, window_bounds = array<i64: 1000, 128>}, {transform_indices = @transform_1, window_bounds = array<i64: 1000, 1>}, {pipeline_mode = #tpu.pipeline_mode<synchronous>, transform_indices = @transform_2, window_bounds = array<i64: 3, 8>}, {pipeline_mode = #tpu.pipeline_mode<synchronous>, transform_indices = @transform_3, window_bounds = array<i64: 136, 128>}, {pipeline_mode = #tpu.pipeline_mode<synchronous>, transform_indices = @transform_4, window_bounds = array<i64: 136, 128>}, {pipeline_mode = #tpu.pipeline_mode<synchronous>, transform_indices = @transform_5, window_bounds = array<i64: 1, 128>}, {transform_indices = @transform_6, window_bounds = array<i64: 1000, 128>}, {transform_indices = @transform_7, window_bounds = array<i64: 1000, 128>}, {pipeline_mode = #tpu.pipeline_mode<synchronous>, transform_indices = @transform_8, window_bounds = array<i64: 1, 1>}]} {
    %get3A = arith.constant 0 : index
    %get3A_0 = arith.constant 0 : index
    %get3A_1 = vector.load %arg1[%get3A, %get3A_0] : memref<1000x128xf32, #tpu.memory_space<vmem>>, vector<1000x128xf32>
    %eq3A = arith.constant 0 : i32
    %eq3A_2 = arith.cmpi eq, %arg0, %eq3A : i32
    %convert_element_type3A = arith.extui %eq3A_2 : i1 to i32
    %cond3A = arith.constant 0 : i32
    %cond3A_3 = arith.cmpi ne, %convert_element_type3A, %cond3A : i32
    scf.if %cond3A_3 {
      %iota3A = tpu.iota {dimensions = array<i32: 1>} : vector<1x128xi32>
      %lt3A = arith.constant 127 : i32
      %lt3A_68 = vector.broadcast %lt3A : i32 to vector<1x128xi32>
      %lt3A_69 = arith.cmpi slt, %iota3A, %lt3A_68 : vector<1x128xi32>
      %jit3A = arith.constant 1.000000e+00 : f32
      %jit3A_70 = arith.constant -1.000000e+00 : f32
      %broadcast_in_dim3A_71 = vector.broadcast %jit3A : f32 to vector<1x128xf32>
      %broadcast_in_dim3A_72 = vector.broadcast %jit3A_70 : f32 to vector<1x128xf32>
      %select_n3A_73 = arith.select %lt3A_69, %broadcast_in_dim3A_71, %broadcast_in_dim3A_72 : vector<1x128xi1>, vector<1x128xf32>
      %slice3A = vector.extract_strided_slice %get3A_1 {offsets = [0, 0], sizes = [1, 128], strides = [1, 1]} : vector<1000x128xf32> to vector<1x128xf32>
      %mul3A_74 = arith.mulf %slice3A, %select_n3A_73 : vector<1x128xf32>
      %slice3A_75 = vector.extract_strided_slice %get3A_1 {offsets = [1, 0], sizes = [1, 128], strides = [1, 1]} : vector<1000x128xf32> to vector<1x128xf32>
      %mul3A_76 = arith.mulf %slice3A_75, %select_n3A_73 : vector<1x128xf32>
      %slice3A_77 = vector.extract_strided_slice %get3A_1 {offsets = [2, 0], sizes = [1, 128], strides = [1, 1]} : vector<1000x128xf32> to vector<1x128xf32>
      %mul3A_78 = arith.mulf %mul3A_74, %slice3A_77 : vector<1x128xf32>
      %reduce_sum3A_79 = vector.shape_cast %mul3A_78 : vector<1x128xf32> to vector<1x1x128xf32>
      %reduce_sum3A_80 = arith.constant dense<0.000000e+00> : vector<1xf32>
      %reduce_sum3A_81 = vector.multi_reduction <add>, %reduce_sum3A_79, %reduce_sum3A_80 [1, 2] : vector<1x1x128xf32> to vector<1xf32>
      %reduce_sum3A_82 = vector.shape_cast %reduce_sum3A_81 : vector<1xf32> to vector<1x1x1xf32>
      %reduce_sum3A_83 = vector.extract %reduce_sum3A_82[0, 0, 0] : f32 from vector<1x1x1xf32>
      %broadcast_in_dim3A_84 = vector.broadcast %reduce_sum3A_83 : f32 to vector<1x1xf32>
      %slice3A_85 = vector.extract_strided_slice %get3A_1 {offsets = [3, 0], sizes = [1, 128], strides = [1, 1]} : vector<1000x128xf32> to vector<1x128xf32>
      %mul3A_86 = arith.mulf %mul3A_76, %slice3A_85 : vector<1x128xf32>
      %reduce_sum3A_87 = vector.shape_cast %mul3A_86 : vector<1x128xf32> to vector<1x1x128xf32>
      %reduce_sum3A_88 = arith.constant dense<0.000000e+00> : vector<1xf32>
      %reduce_sum3A_89 = vector.multi_reduction <add>, %reduce_sum3A_87, %reduce_sum3A_88 [1, 2] : vector<1x1x128xf32> to vector<1xf32>
      %reduce_sum3A_90 = vector.shape_cast %reduce_sum3A_89 : vector<1xf32> to vector<1x1x1xf32>
      %reduce_sum3A_91 = vector.extract %reduce_sum3A_90[0, 0, 0] : f32 from vector<1x1x1xf32>
      %broadcast_in_dim3A_92 = vector.broadcast %reduce_sum3A_91 : f32 to vector<1x1xf32>
      %slice3A_93 = vector.extract_strided_slice %get3A_1 {offsets = [3, 0], sizes = [1, 128], strides = [1, 1]} : vector<1000x128xf32> to vector<1x128xf32>
      %mul3A_94 = arith.mulf %mul3A_74, %slice3A_93 : vector<1x128xf32>
      %reduce_sum3A_95 = vector.shape_cast %mul3A_94 : vector<1x128xf32> to vector<1x1x128xf32>
      %reduce_sum3A_96 = arith.constant dense<0.000000e+00> : vector<1xf32>
      %reduce_sum3A_97 = vector.multi_reduction <add>, %reduce_sum3A_95, %reduce_sum3A_96 [1, 2] : vector<1x1x128xf32> to vector<1xf32>
      %reduce_sum3A_98 = vector.shape_cast %reduce_sum3A_97 : vector<1xf32> to vector<1x1x1xf32>
      %reduce_sum3A_99 = vector.extract %reduce_sum3A_98[0, 0, 0] : f32 from vector<1x1x1xf32>
      %broadcast_in_dim3A_100 = vector.broadcast %reduce_sum3A_99 : f32 to vector<1x1xf32>
      %slice3A_101 = vector.extract_strided_slice %get3A_1 {offsets = [2, 0], sizes = [1, 128], strides = [1, 1]} : vector<1000x128xf32> to vector<1x128xf32>
      %mul3A_102 = arith.mulf %mul3A_76, %slice3A_101 : vector<1x128xf32>
      %reduce_sum3A_103 = vector.shape_cast %mul3A_102 : vector<1x128xf32> to vector<1x1x128xf32>
      %reduce_sum3A_104 = arith.constant dense<0.000000e+00> : vector<1xf32>
      %reduce_sum3A_105 = vector.multi_reduction <add>, %reduce_sum3A_103, %reduce_sum3A_104 [1, 2] : vector<1x1x128xf32> to vector<1xf32>
      %reduce_sum3A_106 = vector.shape_cast %reduce_sum3A_105 : vector<1xf32> to vector<1x1x1xf32>
      %reduce_sum3A_107 = vector.extract %reduce_sum3A_106[0, 0, 0] : f32 from vector<1x1x1xf32>
      %broadcast_in_dim3A_108 = vector.broadcast %reduce_sum3A_107 : f32 to vector<1x1xf32>
      %mul3A_109 = arith.mulf %broadcast_in_dim3A_84, %broadcast_in_dim3A_92 : vector<1x1xf32>
      %mul3A_110 = arith.mulf %broadcast_in_dim3A_100, %broadcast_in_dim3A_108 : vector<1x1xf32>
      %add3A_111 = arith.constant 1.000000e-15 : f32
      %add3A_112 = vector.broadcast %add3A_111 : f32 to vector<1x1xf32>
      %add3A_113 = arith.addf %mul3A_110, %add3A_112 : vector<1x1xf32>
      %div3A_114 = arith.divf %mul3A_109, %add3A_113 : vector<1x1xf32>
      %swap3A_115 = arith.constant 0 : index
      %swap3A_116 = arith.constant 0 : index
      %swap3A_117 = vector.load %arg9[%swap3A_115, %swap3A_116] : memref<1x1xf32, #tpu.memory_space<vmem>>, vector<1x1xf32>
      tpu.vector_store %arg9[%swap3A_115, %swap3A_116], %div3A_114 {strides = array<i32>} : memref<1x1xf32, #tpu.memory_space<vmem>>, vector<1x1xf32>,
    } else {
    }
    %mul3A = arith.mulf %get3A_1, %get3A_1 : vector<1000x128xf32>
    %reduce_sum3A = arith.constant dense<0.000000e+00> : vector<1000xf32>
    %reduce_sum3A_4 = vector.multi_reduction <add>, %mul3A, %reduce_sum3A [1] : vector<1000x128xf32> to vector<1000xf32>
    %broadcast_in_dim3A = vector.shape_cast %reduce_sum3A_4 : vector<1000xf32> to vector<1000x1xf32>
    %sqrt3A = math.sqrt %broadcast_in_dim3A : vector<1000x1xf32>
    %add3A = arith.constant 1.000000e-15 : f32
    %add3A_5 = vector.broadcast %add3A : f32 to vector<1000x1xf32>
    %add3A_6 = arith.addf %sqrt3A, %add3A_5 : vector<1000x1xf32>
    %div3A = vector.broadcast %add3A_6 : vector<1000x1xf32> to vector<1000x128xf32>
    %div3A_7 = arith.divf %get3A_1, %div3A : vector<1000x128xf32>
    %get3A_8 = arith.constant 0 : index
    %get3A_9 = arith.constant 0 : index
    %get3A_10 = vector.load %arg2[%get3A_8, %get3A_9] : memref<1000x1xi32, #tpu.memory_space<vmem>>, vector<1000x1xi32>
    %eq3A_11 = arith.constant 0 : i32
    %eq3A_12 = vector.broadcast %eq3A_11 : i32 to vector<1000x1xi32>
    %eq3A_13 = arith.cmpi eq, %get3A_10, %eq3A_12 : vector<1000x1xi32>
    %get3A_14 = arith.constant 0 : index
    %get3A_15 = arith.constant 0 : index
    %get3A_16 = vector.load %arg3[%get3A_14, %get3A_15] : memref<3x8xf32, #tpu.memory_space<vmem>>, vector<1x8xf32>
    %eq3A_17 = arith.constant 1 : i32
    %eq3A_18 = vector.broadcast %eq3A_17 : i32 to vector<1000x1xi32>
    %eq3A_19 = arith.cmpi eq, %get3A_10, %eq3A_18 : vector<1000x1xi32>
    %get3A_20 = arith.constant 1 : index
    %get3A_21 = arith.constant 0 : index
    %get3A_22 = vector.load %arg3[%get3A_20, %get3A_21] : memref<3x8xf32, #tpu.memory_space<vmem>>, vector<1x8xf32>
    %get3A_23 = arith.constant 2 : index
    %get3A_24 = arith.constant 0 : index
    %get3A_25 = vector.load %arg3[%get3A_23, %get3A_24] : memref<3x8xf32, #tpu.memory_space<vmem>>, vector<1x8xf32>
    %broadcast_in_dim3A_26 = vector.shape_cast %eq3A_19 : vector<1000x1xi1> to vector<1000x1xi1>
    %broadcast_in_dim3A_27 = vector.broadcast %broadcast_in_dim3A_26 : vector<1000x1xi1> to vector<1000x8xi1>
    %broadcast_in_dim3A_28 = vector.shape_cast %get3A_22 : vector<1x8xf32> to vector<1x8xf32>
    %broadcast_in_dim3A_29 = vector.broadcast %broadcast_in_dim3A_28 : vector<1x8xf32> to vector<1000x8xf32>
    %broadcast_in_dim3A_30 = vector.shape_cast %get3A_25 : vector<1x8xf32> to vector<1x8xf32>
    %broadcast_in_dim3A_31 = vector.broadcast %broadcast_in_dim3A_30 : vector<1x8xf32> to vector<1000x8xf32>
    %select_n3A = arith.select %broadcast_in_dim3A_27, %broadcast_in_dim3A_29, %broadcast_in_dim3A_31 : vector<1000x8xi1>, vector<1000x8xf32>
    %broadcast_in_dim3A_32 = vector.shape_cast %eq3A_13 : vector<1000x1xi1> to vector<1000x1xi1>
    %broadcast_in_dim3A_33 = vector.broadcast %broadcast_in_dim3A_32 : vector<1000x1xi1> to vector<1000x8xi1>
    %broadcast_in_dim3A_34 = vector.shape_cast %get3A_16 : vector<1x8xf32> to vector<1x8xf32>
    %broadcast_in_dim3A_35 = vector.broadcast %broadcast_in_dim3A_34 : vector<1x8xf32> to vector<1000x8xf32>
    %select_n3A_36 = arith.select %broadcast_in_dim3A_33, %broadcast_in_dim3A_35, %select_n3A : vector<1000x8xi1>, vector<1000x8xf32>
    %get3A_37 = arith.constant 0 : index
    %get3A_38 = arith.constant 0 : index
    %get3A_39 = vector.load %arg4[%get3A_37, %get3A_38] : memref<136x128xf32, #tpu.memory_space<vmem>>, vector<128x128xf32>
    %dot_general3A = arith.constant dense<0.000000e+00> : vector<1000x128xf32>
    %dot_general3A_40 = tpu.matmul %div3A_7, %get3A_39, %dot_general3A {dimension_numbers = #tpu.dot_dimension_numbers<[1], [0], [0], [1], [0, 0, 1, 1], [], []>, transpose_lhs_hint = false} : vector<1000x128xf32>, vector<128x128xf32>, vector<1000x128xf32> -> vector<1000x128xf32>
    %get3A_41 = arith.constant 128 : index
    %get3A_42 = arith.constant 0 : index
    %get3A_43 = vector.load %arg4[%get3A_41, %get3A_42] : memref<136x128xf32, #tpu.memory_space<vmem>>, vector<8x128xf32>
    %dot_general3A_44 = arith.constant dense<0.000000e+00> : vector<1000x128xf32>
    %dot_general3A_45 = tpu.matmul %select_n3A_36, %get3A_43, %dot_general3A_44 {dimension_numbers = #tpu.dot_dimension_numbers<[1], [0], [0], [1], [0, 0, 1, 1], [], []>, transpose_lhs_hint = false} : vector<1000x8xf32>, vector<8x128xf32>, vector<1000x128xf32> -> vector<1000x128xf32>
    %add3A_46 = arith.addf %dot_general3A_40, %dot_general3A_45 : vector<1000x128xf32>
    %get3A_47 = arith.constant 0 : index
    %get3A_48 = arith.constant 0 : index
    %get3A_49 = vector.load %arg6[%get3A_47, %get3A_48] : memref<1x128xf32, #tpu.memory_space<vmem>>, vector<1x128xf32>
    %add3A_50 = vector.broadcast %get3A_49 : vector<1x128xf32> to vector<1000x128xf32>
    %add3A_51 = arith.addf %add3A_46, %add3A_50 : vector<1000x128xf32>
    %swap3A = arith.constant 0 : index
    %swap3A_52 = arith.constant 0 : index
    %swap3A_53 = vector.load %arg7[%swap3A, %swap3A_52] : memref<1000x128xf32, #tpu.memory_space<vmem>>, vector<1000x128xf32>
    tpu.vector_store %arg7[%swap3A, %swap3A_52], %add3A_51 {strides = array<i32>} : memref<1000x128xf32, #tpu.memory_space<vmem>>, vector<1000x128xf32>,
    %get3A_54 = arith.constant 0 : index
    %get3A_55 = arith.constant 0 : index
    %get3A_56 = vector.load %arg5[%get3A_54, %get3A_55] : memref<136x128xf32, #tpu.memory_space<vmem>>, vector<128x128xf32>
    %dot_general3A_57 = arith.constant dense<0.000000e+00> : vector<1000x128xf32>
    %dot_general3A_58 = tpu.matmul %div3A_7, %get3A_56, %dot_general3A_57 {dimension_numbers = #tpu.dot_dimension_numbers<[1], [0], [0], [1], [0, 0, 1, 1], [], []>, transpose_lhs_hint = false} : vector<1000x128xf32>, vector<128x128xf32>, vector<1000x128xf32> -> vector<1000x128xf32>
    %get3A_59 = arith.constant 128 : index
    %get3A_60 = arith.constant 0 : index
    %get3A_61 = vector.load %arg5[%get3A_59, %get3A_60] : memref<136x128xf32, #tpu.memory_space<vmem>>, vector<8x128xf32>
    %dot_general3A_62 = arith.constant dense<0.000000e+00> : vector<1000x128xf32>
    %dot_general3A_63 = tpu.matmul %select_n3A_36, %get3A_61, %dot_general3A_62 {dimension_numbers = #tpu.dot_dimension_numbers<[1], [0], [0], [1], [0, 0, 1, 1], [], []>, transpose_lhs_hint = false} : vector<1000x8xf32>, vector<8x128xf32>, vector<1000x128xf32> -> vector<1000x128xf32>
    %add3A_64 = arith.addf %dot_general3A_58, %dot_general3A_63 : vector<1000x128xf32>
    %swap3A_65 = arith.constant 0 : index
    %swap3A_66 = arith.constant 0 : index
    %swap3A_67 = vector.load %arg8[%swap3A_65, %swap3A_66] : memref<1000x128xf32, #tpu.memory_space<vmem>>, vector<1000x128xf32>
    tpu.vector_store %arg8[%swap3A_65, %swap3A_66], %add3A_64 {strides = array<i32>} : memref<1000x128xf32, #tpu.memory_space<vmem>>, vector<1000x128xf32>,
    return
  }
  func.func @transform_0(%arg0: i32) -> (i32, i32) {
    %c0_i32 = arith.constant 0 : i32
    %c0_i32_0 = arith.constant 0 : i32
    return %arg0, %c0_i32 : i32, i32
  }
  func.func @transform_1(%arg0: i32) -> (i32, i32) {
    %c0_i32 = arith.constant 0 : i32
    %c0_i32_0 = arith.constant 0 : i32
    return %arg0, %c0_i32 : i32, i32
  }
  func.func @transform_2(%arg0: i32) -> (i32, i32) {
    %c0_i32 = arith.constant 0 : i32
    %c0_i32_0 = arith.constant 0 : i32
    %c0_i32_1 = arith.constant 0 : i32
    return %c0_i32, %c0_i32_0 : i32, i32
  }
  func.func @transform_3(%arg0: i32) -> (i32, i32) {
    %c0_i32 = arith.constant 0 : i32
    %c0_i32_0 = arith.constant 0 : i32
    %c0_i32_1 = arith.constant 0 : i32
    return %c0_i32, %c0_i32_0 : i32, i32
  }
  func.func @transform_4(%arg0: i32) -> (i32, i32) {
    %c0_i32 = arith.constant 0 : i32
    %c0_i32_0 = arith.constant 0 : i32
    %c0_i32_1 = arith.constant 0 : i32
    return %c0_i32, %c0_i32_0 : i32, i32
  }
  func.func @transform_5(%arg0: i32) -> (i32, i32) {
    %c0_i32 = arith.constant 0 : i32
    %c0_i32_0 = arith.constant 0 : i32
    %c0_i32_1 = arith.constant 0 : i32
    return %c0_i32, %c0_i32_0 : i32, i32
  }
  func.func @transform_6(%arg0: i32) -> (i32, i32) {
    %c0_i32 = arith.constant 0 : i32
    %c0_i32_0 = arith.constant 0 : i32
    return %arg0, %c0_i32 : i32, i32
  }
  func.func @transform_7(%arg0: i32) -> (i32, i32) {
    %c0_i32 = arith.constant 0 : i32
    %c0_i32_0 = arith.constant 0 : i32
    return %arg0, %c0_i32 : i32, i32
  }
  func.func @transform_8(%arg0: i32) -> (i32, i32) {
    %c0_i32 = arith.constant 0 : i32
    %c0_i32_0 = arith.constant 0 : i32
    %c0_i32_1 = arith.constant 0 : i32
    return %c0_i32, %c0_i32_0 : i32, i32
  }
}

module attributes {stable_mosaic.version = 14 : i64} {
  func.func @_tc_mid_body(%arg0: i32, %arg1: memref<1000x128xf32, #tpu.memory_space<vmem>>, %arg2: memref<1000x128xf32, #tpu.memory_space<vmem>>, %arg3: memref<1000x128xf32, #tpu.memory_space<vmem>>, %arg4: memref<1000x128xf32, #tpu.memory_space<vmem>>, %arg5: memref<1000x128xf32, #tpu.memory_space<vmem>>, %arg6: memref<1x1xf32, #tpu.memory_space<vmem>>, %arg7: memref<1000x1xi32, #tpu.memory_space<vmem>>, %arg8: memref<3x8xf32, #tpu.memory_space<vmem>>, %arg9: memref<136x128xf32, #tpu.memory_space<vmem>>, %arg10: memref<136x128xf32, #tpu.memory_space<vmem>>, %arg11: memref<1x128xf32, #tpu.memory_space<vmem>>, %arg12: memref<1000x128xf32, #tpu.memory_space<vmem>>, %arg13: memref<1000x128xf32, #tpu.memory_space<vmem>>, %arg14: memref<1xf32, #tpu.memory_space<smem>>) attributes {dimension_semantics = [#tpu.dimension_semantics<arbitrary>], iteration_bounds = array<i64: 10>, scalar_prefetch = 0 : i64, scratch_operands = 1 : i64, tpu.core_type = #tpu.core_type<tc>, window_params = [{transform_indices = @transform_0, window_bounds = array<i64: 1000, 128>}, {transform_indices = @transform_1, window_bounds = array<i64: 1000, 128>}, {transform_indices = @transform_2, window_bounds = array<i64: 1000, 128>}, {transform_indices = @transform_3, window_bounds = array<i64: 1000, 128>}, {transform_indices = @transform_4, window_bounds = array<i64: 1000, 128>}, {pipeline_mode = #tpu.pipeline_mode<synchronous>, transform_indices = @transform_5, window_bounds = array<i64: 1, 1>}, {transform_indices = @transform_6, window_bounds = array<i64: 1000, 1>}, {pipeline_mode = #tpu.pipeline_mode<synchronous>, transform_indices = @transform_7, window_bounds = array<i64: 3, 8>}, {pipeline_mode = #tpu.pipeline_mode<synchronous>, transform_indices = @transform_8, window_bounds = array<i64: 136, 128>}, {pipeline_mode = #tpu.pipeline_mode<synchronous>, transform_indices = @transform_9, window_bounds = array<i64: 136, 128>}, {pipeline_mode = #tpu.pipeline_mode<synchronous>, transform_indices = @transform_10, window_bounds = array<i64: 1, 128>}, {transform_indices = @transform_11, window_bounds = array<i64: 1000, 128>}, {transform_indices = @transform_12, window_bounds = array<i64: 1000, 128>}]} {
    %get3A = arith.constant 0 : index
    %get3A_0 = arith.constant 0 : index
    %get3A_1 = vector.load %arg4[%get3A, %get3A_0] : memref<1000x128xf32, #tpu.memory_space<vmem>>, vector<1000x1xf32>
    %get3A_2 = arith.constant 0 : index
    %get3A_3 = arith.constant 0 : index
    %get3A_4 = vector.load %arg5[%get3A_2, %get3A_3] : memref<1000x128xf32, #tpu.memory_space<vmem>>, vector<1000x1xf32>
    %add3A = arith.addf %get3A_1, %get3A_4 : vector<1000x1xf32>
    %max3A = arith.constant 1.000000e+00 : f32
    %max3A_5 = vector.broadcast %max3A : f32 to vector<1000x1xf32>
    %max3A_6 = arith.maximumf %add3A, %max3A_5 : vector<1000x1xf32>
    %get3A_7 = arith.constant 0 : index
    %get3A_8 = arith.constant 0 : index
    %get3A_9 = vector.load %arg1[%get3A_7, %get3A_8] : memref<1000x128xf32, #tpu.memory_space<vmem>>, vector<1000x128xf32>
    %get3A_10 = arith.constant 0 : index
    %get3A_11 = arith.constant 0 : index
    %get3A_12 = vector.load %arg2[%get3A_10, %get3A_11] : memref<1000x128xf32, #tpu.memory_space<vmem>>, vector<1000x128xf32>
    %get3A_13 = arith.constant 0 : index
    %get3A_14 = arith.constant 0 : index
    %get3A_15 = vector.load %arg3[%get3A_13, %get3A_14] : memref<1000x128xf32, #tpu.memory_space<vmem>>, vector<1000x128xf32>
    %add3A_16 = arith.addf %get3A_12, %get3A_15 : vector<1000x128xf32>
    %div3A = vector.broadcast %max3A_6 : vector<1000x1xf32> to vector<1000x128xf32>
    %div3A_17 = arith.divf %add3A_16, %div3A : vector<1000x128xf32>
    %add3A_18 = arith.addf %get3A_9, %div3A_17 : vector<1000x128xf32>
    %mul3A = arith.mulf %add3A_18, %add3A_18 : vector<1000x128xf32>
    %reduce_sum3A = arith.constant dense<0.000000e+00> : vector<1000xf32>
    %reduce_sum3A_19 = vector.multi_reduction <add>, %mul3A, %reduce_sum3A [1] : vector<1000x128xf32> to vector<1000xf32>
    %broadcast_in_dim3A = vector.shape_cast %reduce_sum3A_19 : vector<1000xf32> to vector<1000x1xf32>
    %sqrt3A = math.sqrt %broadcast_in_dim3A : vector<1000x1xf32>
    %add3A_20 = arith.constant 1.000000e-15 : f32
    %add3A_21 = vector.broadcast %add3A_20 : f32 to vector<1000x1xf32>
    %add3A_22 = arith.addf %sqrt3A, %add3A_21 : vector<1000x1xf32>
    %div3A_23 = vector.broadcast %add3A_22 : vector<1000x1xf32> to vector<1000x128xf32>
    %div3A_24 = arith.divf %add3A_18, %div3A_23 : vector<1000x128xf32>
    %max3A_25 = arith.constant 0.000000e+00 : f32
    %max3A_26 = vector.broadcast %max3A_25 : f32 to vector<1000x128xf32>
    %max3A_27 = arith.maximumf %div3A_24, %max3A_26 : vector<1000x128xf32>
    %mul3A_28 = arith.mulf %max3A_27, %max3A_27 : vector<1000x128xf32>
    %reduce_sum3A_29 = arith.constant dense<0.000000e+00> : vector<1000xf32>
    %reduce_sum3A_30 = vector.multi_reduction <add>, %mul3A_28, %reduce_sum3A_29 [1] : vector<1000x128xf32> to vector<1000xf32>
    %broadcast_in_dim3A_31 = vector.shape_cast %reduce_sum3A_30 : vector<1000xf32> to vector<1000x1xf32>
    %sqrt3A_32 = math.sqrt %broadcast_in_dim3A_31 : vector<1000x1xf32>
    %add3A_33 = arith.constant 1.000000e-15 : f32
    %add3A_34 = vector.broadcast %add3A_33 : f32 to vector<1000x1xf32>
    %add3A_35 = arith.addf %sqrt3A_32, %add3A_34 : vector<1000x1xf32>
    %div3A_36 = vector.broadcast %add3A_35 : vector<1000x1xf32> to vector<1000x128xf32>
    %div3A_37 = arith.divf %max3A_27, %div3A_36 : vector<1000x128xf32>
    %eq3A = arith.constant 0 : i32
    %eq3A_38 = arith.cmpi eq, %arg0, %eq3A : i32
    %convert_element_type3A = arith.extui %eq3A_38 : i1 to i32
    %cond3A = arith.constant 0 : i32
    %cond3A_39 = arith.cmpi ne, %convert_element_type3A, %cond3A : i32
    scf.if %cond3A_39 {
      %slice3A = vector.extract_strided_slice %div3A_37 {offsets = [0, 0], sizes = [1, 128], strides = [1, 1]} : vector<1000x128xf32> to vector<1x128xf32>
      %slice3A_104 = vector.extract_strided_slice %div3A_37 {offsets = [2, 0], sizes = [1, 128], strides = [1, 1]} : vector<1000x128xf32> to vector<1x128xf32>
      %mul3A_105 = arith.mulf %slice3A, %slice3A_104 : vector<1x128xf32>
      %reduce_sum3A_106 = vector.shape_cast %mul3A_105 : vector<1x128xf32> to vector<1x1x128xf32>
      %reduce_sum3A_107 = arith.constant dense<0.000000e+00> : vector<1xf32>
      %reduce_sum3A_108 = vector.multi_reduction <add>, %reduce_sum3A_106, %reduce_sum3A_107 [1, 2] : vector<1x1x128xf32> to vector<1xf32>
      %reduce_sum3A_109 = vector.shape_cast %reduce_sum3A_108 : vector<1xf32> to vector<1x1x1xf32>
      %reduce_sum3A_110 = vector.extract %reduce_sum3A_109[0, 0, 0] : f32 from vector<1x1x1xf32>
      %broadcast_in_dim3A_111 = vector.broadcast %reduce_sum3A_110 : f32 to vector<1x1xf32>
      %sub3A = arith.constant 1.000000e+00 : f32
      %sub3A_112 = vector.broadcast %sub3A : f32 to vector<1x1xf32>
      %sub3A_113 = arith.subf %broadcast_in_dim3A_111, %sub3A_112 : vector<1x1xf32>
      %slice3A_114 = vector.extract_strided_slice %div3A_37 {offsets = [1, 0], sizes = [1, 128], strides = [1, 1]} : vector<1000x128xf32> to vector<1x128xf32>
      %slice3A_115 = vector.extract_strided_slice %div3A_37 {offsets = [3, 0], sizes = [1, 128], strides = [1, 1]} : vector<1000x128xf32> to vector<1x128xf32>
      %mul3A_116 = arith.mulf %slice3A_114, %slice3A_115 : vector<1x128xf32>
      %reduce_sum3A_117 = vector.shape_cast %mul3A_116 : vector<1x128xf32> to vector<1x1x128xf32>
      %reduce_sum3A_118 = arith.constant dense<0.000000e+00> : vector<1xf32>
      %reduce_sum3A_119 = vector.multi_reduction <add>, %reduce_sum3A_117, %reduce_sum3A_118 [1, 2] : vector<1x1x128xf32> to vector<1xf32>
      %reduce_sum3A_120 = vector.shape_cast %reduce_sum3A_119 : vector<1xf32> to vector<1x1x1xf32>
      %reduce_sum3A_121 = vector.extract %reduce_sum3A_120[0, 0, 0] : f32 from vector<1x1x1xf32>
      %broadcast_in_dim3A_122 = vector.broadcast %reduce_sum3A_121 : f32 to vector<1x1xf32>
      %sub3A_123 = arith.constant 1.000000e+00 : f32
      %sub3A_124 = vector.broadcast %sub3A_123 : f32 to vector<1x1xf32>
      %sub3A_125 = arith.subf %broadcast_in_dim3A_122, %sub3A_124 : vector<1x1xf32>
      %slice3A_126 = vector.extract_strided_slice %div3A_37 {offsets = [0, 0], sizes = [1, 128], strides = [1, 1]} : vector<1000x128xf32> to vector<1x128xf32>
      %slice3A_127 = vector.extract_strided_slice %div3A_37 {offsets = [3, 0], sizes = [1, 128], strides = [1, 1]} : vector<1000x128xf32> to vector<1x128xf32>
      %mul3A_128 = arith.mulf %slice3A_126, %slice3A_127 : vector<1x128xf32>
      %reduce_sum3A_129 = vector.shape_cast %mul3A_128 : vector<1x128xf32> to vector<1x1x128xf32>
      %reduce_sum3A_130 = arith.constant dense<0.000000e+00> : vector<1xf32>
      %reduce_sum3A_131 = vector.multi_reduction <add>, %reduce_sum3A_129, %reduce_sum3A_130 [1, 2] : vector<1x1x128xf32> to vector<1xf32>
      %reduce_sum3A_132 = vector.shape_cast %reduce_sum3A_131 : vector<1xf32> to vector<1x1x1xf32>
      %reduce_sum3A_133 = vector.extract %reduce_sum3A_132[0, 0, 0] : f32 from vector<1x1x1xf32>
      %broadcast_in_dim3A_134 = vector.broadcast %reduce_sum3A_133 : f32 to vector<1x1xf32>
      %sub3A_135 = arith.constant 1.000000e+00 : f32
      %sub3A_136 = vector.broadcast %sub3A_135 : f32 to vector<1x1xf32>
      %sub3A_137 = arith.subf %broadcast_in_dim3A_134, %sub3A_136 : vector<1x1xf32>
      %slice3A_138 = vector.extract_strided_slice %div3A_37 {offsets = [1, 0], sizes = [1, 128], strides = [1, 1]} : vector<1000x128xf32> to vector<1x128xf32>
      %slice3A_139 = vector.extract_strided_slice %div3A_37 {offsets = [2, 0], sizes = [1, 128], strides = [1, 1]} : vector<1000x128xf32> to vector<1x128xf32>
      %mul3A_140 = arith.mulf %slice3A_138, %slice3A_139 : vector<1x128xf32>
      %reduce_sum3A_141 = vector.shape_cast %mul3A_140 : vector<1x128xf32> to vector<1x1x128xf32>
      %reduce_sum3A_142 = arith.constant dense<0.000000e+00> : vector<1xf32>
      %reduce_sum3A_143 = vector.multi_reduction <add>, %reduce_sum3A_141, %reduce_sum3A_142 [1, 2] : vector<1x1x128xf32> to vector<1xf32>
      %reduce_sum3A_144 = vector.shape_cast %reduce_sum3A_143 : vector<1xf32> to vector<1x1x1xf32>
      %reduce_sum3A_145 = vector.extract %reduce_sum3A_144[0, 0, 0] : f32 from vector<1x1x1xf32>
      %broadcast_in_dim3A_146 = vector.broadcast %reduce_sum3A_145 : f32 to vector<1x1xf32>
      %sub3A_147 = arith.constant 1.000000e+00 : f32
      %sub3A_148 = vector.broadcast %sub3A_147 : f32 to vector<1x1xf32>
      %sub3A_149 = arith.subf %broadcast_in_dim3A_146, %sub3A_148 : vector<1x1xf32>
      %mul3A_150 = arith.mulf %sub3A_113, %sub3A_125 : vector<1x1xf32>
      %mul3A_151 = arith.mulf %sub3A_137, %sub3A_149 : vector<1x1xf32>
      %add3A_152 = arith.constant 1.000000e-15 : f32
      %add3A_153 = vector.broadcast %add3A_152 : f32 to vector<1x1xf32>
      %add3A_154 = arith.addf %mul3A_151, %add3A_153 : vector<1x1xf32>
      %div3A_155 = arith.divf %mul3A_150, %add3A_154 : vector<1x1xf32>
      %get3A_156 = arith.constant 0 : index
      %get3A_157 = arith.constant 0 : index
      %get3A_158 = vector.load %arg6[%get3A_156, %get3A_157] : memref<1x1xf32, #tpu.memory_space<vmem>>, vector<1x1xf32>
      %eq3A_159 = arith.cmpf oeq, %div3A_155, %div3A_155 : vector<1x1xf32>
      %eq3A_160 = arith.cmpf oeq, %get3A_158, %get3A_158 : vector<1x1xf32>
      %and3A = arith.andi %eq3A_159, %eq3A_160 : vector<1x1xi1>
      %ne3A = arith.constant 0.000000e+00 : f32
      %ne3A_161 = vector.broadcast %ne3A : f32 to vector<1x1xf32>
      %ne3A_162 = arith.cmpf one, %div3A_155, %ne3A_161 : vector<1x1xf32>
      %and3A_163 = arith.andi %and3A, %ne3A_162 : vector<1x1xi1>
      %jit3A = arith.constant 1.000000e+00 : f32
      %broadcast_in_dim3A_164 = vector.broadcast %jit3A : f32 to vector<1x1xf32>
      %select_n3A_165 = arith.select %and3A_163, %div3A_155, %broadcast_in_dim3A_164 : vector<1x1xi1>, vector<1x1xf32>
      %div3A_166 = arith.divf %get3A_158, %select_n3A_165 : vector<1x1xf32>
      %abs3A = math.absf %div3A_166 : vector<1x1xf32>
      %add3A_167 = arith.constant 1.000000e-15 : f32
      %add3A_168 = vector.broadcast %add3A_167 : f32 to vector<1x1xf32>
      %add3A_169 = arith.addf %abs3A, %add3A_168 : vector<1x1xf32>
      %sqrt3A_170 = math.sqrt %add3A_169 : vector<1x1xf32>
      %jit3A_171 = arith.constant 1.000000e+00 : f32
      %broadcast_in_dim3A_172 = vector.broadcast %jit3A_171 : f32 to vector<1x1xf32>
      %select_n3A_173 = arith.select %and3A_163, %sqrt3A_170, %broadcast_in_dim3A_172 : vector<1x1xi1>, vector<1x1xf32>
      %squeeze3A = vector.extract %select_n3A_173[0, 0] : f32 from vector<1x1xf32>
      %swap3A_174 = arith.constant 0 : index
      %swap3A_175 = memref.load %arg14[%swap3A_174] : memref<1xf32, #tpu.memory_space<smem>>
      memref.store %squeeze3A, %arg14[%swap3A_174] : memref<1xf32, #tpu.memory_space<smem>>
    } else {
    }
    %get3A_40 = arith.constant 0 : index
    %get3A_41 = memref.load %arg14[%get3A_40] : memref<1xf32, #tpu.memory_space<smem>>
    %mul3A_42 = vector.broadcast %get3A_41 : f32 to vector<1000x128xf32>
    %mul3A_43 = arith.mulf %div3A_37, %mul3A_42 : vector<1000x128xf32>
    %get3A_44 = arith.constant 0 : index
    %get3A_45 = arith.constant 0 : index
    %get3A_46 = vector.load %arg7[%get3A_44, %get3A_45] : memref<1000x1xi32, #tpu.memory_space<vmem>>, vector<1000x1xi32>
    %eq3A_47 = arith.constant 0 : i32
    %eq3A_48 = vector.broadcast %eq3A_47 : i32 to vector<1000x1xi32>
    %eq3A_49 = arith.cmpi eq, %get3A_46, %eq3A_48 : vector<1000x1xi32>
    %get3A_50 = arith.constant 0 : index
    %get3A_51 = arith.constant 0 : index
    %get3A_52 = vector.load %arg8[%get3A_50, %get3A_51] : memref<3x8xf32, #tpu.memory_space<vmem>>, vector<1x8xf32>
    %eq3A_53 = arith.constant 1 : i32
    %eq3A_54 = vector.broadcast %eq3A_53 : i32 to vector<1000x1xi32>
    %eq3A_55 = arith.cmpi eq, %get3A_46, %eq3A_54 : vector<1000x1xi32>
    %get3A_56 = arith.constant 1 : index
    %get3A_57 = arith.constant 0 : index
    %get3A_58 = vector.load %arg8[%get3A_56, %get3A_57] : memref<3x8xf32, #tpu.memory_space<vmem>>, vector<1x8xf32>
    %get3A_59 = arith.constant 2 : index
    %get3A_60 = arith.constant 0 : index
    %get3A_61 = vector.load %arg8[%get3A_59, %get3A_60] : memref<3x8xf32, #tpu.memory_space<vmem>>, vector<1x8xf32>
    %broadcast_in_dim3A_62 = vector.shape_cast %eq3A_55 : vector<1000x1xi1> to vector<1000x1xi1>
    %broadcast_in_dim3A_63 = vector.broadcast %broadcast_in_dim3A_62 : vector<1000x1xi1> to vector<1000x8xi1>
    %broadcast_in_dim3A_64 = vector.shape_cast %get3A_58 : vector<1x8xf32> to vector<1x8xf32>
    %broadcast_in_dim3A_65 = vector.broadcast %broadcast_in_dim3A_64 : vector<1x8xf32> to vector<1000x8xf32>
    %broadcast_in_dim3A_66 = vector.shape_cast %get3A_61 : vector<1x8xf32> to vector<1x8xf32>
    %broadcast_in_dim3A_67 = vector.broadcast %broadcast_in_dim3A_66 : vector<1x8xf32> to vector<1000x8xf32>
    %select_n3A = arith.select %broadcast_in_dim3A_63, %broadcast_in_dim3A_65, %broadcast_in_dim3A_67 : vector<1000x8xi1>, vector<1000x8xf32>
    %broadcast_in_dim3A_68 = vector.shape_cast %eq3A_49 : vector<1000x1xi1> to vector<1000x1xi1>
    %broadcast_in_dim3A_69 = vector.broadcast %broadcast_in_dim3A_68 : vector<1000x1xi1> to vector<1000x8xi1>
    %broadcast_in_dim3A_70 = vector.shape_cast %get3A_52 : vector<1x8xf32> to vector<1x8xf32>
    %broadcast_in_dim3A_71 = vector.broadcast %broadcast_in_dim3A_70 : vector<1x8xf32> to vector<1000x8xf32>
    %select_n3A_72 = arith.select %broadcast_in_dim3A_69, %broadcast_in_dim3A_71, %select_n3A : vector<1000x8xi1>, vector<1000x8xf32>
    %get3A_73 = arith.constant 0 : index
    %get3A_74 = arith.constant 0 : index
    %get3A_75 = vector.load %arg9[%get3A_73, %get3A_74] : memref<136x128xf32, #tpu.memory_space<vmem>>, vector<128x128xf32>
    %dot_general3A = arith.constant dense<0.000000e+00> : vector<1000x128xf32>
    %dot_general3A_76 = tpu.matmul %mul3A_43, %get3A_75, %dot_general3A {dimension_numbers = #tpu.dot_dimension_numbers<[1], [0], [0], [1], [0, 0, 1, 1], [], []>, transpose_lhs_hint = false} : vector<1000x128xf32>, vector<128x128xf32>, vector<1000x128xf32> -> vector<1000x128xf32>
    %get3A_77 = arith.constant 128 : index
    %get3A_78 = arith.constant 0 : index
    %get3A_79 = vector.load %arg9[%get3A_77, %get3A_78] : memref<136x128xf32, #tpu.memory_space<vmem>>, vector<8x128xf32>
    %dot_general3A_80 = arith.constant dense<0.000000e+00> : vector<1000x128xf32>
    %dot_general3A_81 = tpu.matmul %select_n3A_72, %get3A_79, %dot_general3A_80 {dimension_numbers = #tpu.dot_dimension_numbers<[1], [0], [0], [1], [0, 0, 1, 1], [], []>, transpose_lhs_hint = false} : vector<1000x8xf32>, vector<8x128xf32>, vector<1000x128xf32> -> vector<1000x128xf32>
    %add3A_82 = arith.addf %dot_general3A_76, %dot_general3A_81 : vector<1000x128xf32>
    %get3A_83 = arith.constant 0 : index
    %get3A_84 = arith.constant 0 : index
    %get3A_85 = vector.load %arg11[%get3A_83, %get3A_84] : memref<1x128xf32, #tpu.memory_space<vmem>>, vector<1x128xf32>
    %add3A_86 = vector.broadcast %get3A_85 : vector<1x128xf32> to vector<1000x128xf32>
    %add3A_87 = arith.addf %add3A_82, %add3A_86 : vector<1000x128xf32>
    %swap3A = arith.constant 0 : index
    %swap3A_88 = arith.constant 0 : index
    %swap3A_89 = vector.load %arg12[%swap3A, %swap3A_88] : memref<1000x128xf32, #tpu.memory_space<vmem>>, vector<1000x128xf32>
    tpu.vector_store %arg12[%swap3A, %swap3A_88], %add3A_87 {strides = array<i32>} : memref<1000x128xf32, #tpu.memory_space<vmem>>, vector<1000x128xf32>,
    %get3A_90 = arith.constant 0 : index
    %get3A_91 = arith.constant 0 : index
    %get3A_92 = vector.load %arg10[%get3A_90, %get3A_91] : memref<136x128xf32, #tpu.memory_space<vmem>>, vector<128x128xf32>
    %dot_general3A_93 = arith.constant dense<0.000000e+00> : vector<1000x128xf32>
    %dot_general3A_94 = tpu.matmul %mul3A_43, %get3A_92, %dot_general3A_93 {dimension_numbers = #tpu.dot_dimension_numbers<[1], [0], [0], [1], [0, 0, 1, 1], [], []>, transpose_lhs_hint = false} : vector<1000x128xf32>, vector<128x128xf32>, vector<1000x128xf32> -> vector<1000x128xf32>
    %get3A_95 = arith.constant 128 : index
    %get3A_96 = arith.constant 0 : index
    %get3A_97 = vector.load %arg10[%get3A_95, %get3A_96] : memref<136x128xf32, #tpu.memory_space<vmem>>, vector<8x128xf32>
    %dot_general3A_98 = arith.constant dense<0.000000e+00> : vector<1000x128xf32>
    %dot_general3A_99 = tpu.matmul %select_n3A_72, %get3A_97, %dot_general3A_98 {dimension_numbers = #tpu.dot_dimension_numbers<[1], [0], [0], [1], [0, 0, 1, 1], [], []>, transpose_lhs_hint = false} : vector<1000x8xf32>, vector<8x128xf32>, vector<1000x128xf32> -> vector<1000x128xf32>
    %add3A_100 = arith.addf %dot_general3A_94, %dot_general3A_99 : vector<1000x128xf32>
    %swap3A_101 = arith.constant 0 : index
    %swap3A_102 = arith.constant 0 : index
    %swap3A_103 = vector.load %arg13[%swap3A_101, %swap3A_102] : memref<1000x128xf32, #tpu.memory_space<vmem>>, vector<1000x128xf32>
    tpu.vector_store %arg13[%swap3A_101, %swap3A_102], %add3A_100 {strides = array<i32>} : memref<1000x128xf32, #tpu.memory_space<vmem>>, vector<1000x128xf32>,
    return
  }
  func.func @transform_0(%arg0: i32) -> (i32, i32) {
    %c0_i32 = arith.constant 0 : i32
    %c0_i32_0 = arith.constant 0 : i32
    return %arg0, %c0_i32 : i32, i32
  }
  func.func @transform_1(%arg0: i32) -> (i32, i32) {
    %c0_i32 = arith.constant 0 : i32
    %c0_i32_0 = arith.constant 0 : i32
    return %arg0, %c0_i32 : i32, i32
  }
  func.func @transform_2(%arg0: i32) -> (i32, i32) {
    %c0_i32 = arith.constant 0 : i32
    %c0_i32_0 = arith.constant 0 : i32
    return %arg0, %c0_i32 : i32, i32
  }
  func.func @transform_3(%arg0: i32) -> (i32, i32) {
    %c0_i32 = arith.constant 0 : i32
    %c0_i32_0 = arith.constant 0 : i32
    return %arg0, %c0_i32 : i32, i32
  }
  func.func @transform_4(%arg0: i32) -> (i32, i32) {
    %c0_i32 = arith.constant 0 : i32
    %c0_i32_0 = arith.constant 0 : i32
    return %arg0, %c0_i32 : i32, i32
  }
  func.func @transform_5(%arg0: i32) -> (i32, i32) {
    %c0_i32 = arith.constant 0 : i32
    %c0_i32_0 = arith.constant 0 : i32
    %c0_i32_1 = arith.constant 0 : i32
    return %c0_i32, %c0_i32_0 : i32, i32
  }
  func.func @transform_6(%arg0: i32) -> (i32, i32) {
    %c0_i32 = arith.constant 0 : i32
    %c0_i32_0 = arith.constant 0 : i32
    return %arg0, %c0_i32 : i32, i32
  }
  func.func @transform_7(%arg0: i32) -> (i32, i32) {
    %c0_i32 = arith.constant 0 : i32
    %c0_i32_0 = arith.constant 0 : i32
    %c0_i32_1 = arith.constant 0 : i32
    return %c0_i32, %c0_i32_0 : i32, i32
  }
  func.func @transform_8(%arg0: i32) -> (i32, i32) {
    %c0_i32 = arith.constant 0 : i32
    %c0_i32_0 = arith.constant 0 : i32
    %c0_i32_1 = arith.constant 0 : i32
    return %c0_i32, %c0_i32_0 : i32, i32
  }
  func.func @transform_9(%arg0: i32) -> (i32, i32) {
    %c0_i32 = arith.constant 0 : i32
    %c0_i32_0 = arith.constant 0 : i32
    %c0_i32_1 = arith.constant 0 : i32
    return %c0_i32, %c0_i32_0 : i32, i32
  }
  func.func @transform_10(%arg0: i32) -> (i32, i32) {
    %c0_i32 = arith.constant 0 : i32
    %c0_i32_0 = arith.constant 0 : i32
    %c0_i32_1 = arith.constant 0 : i32
    return %c0_i32, %c0_i32_0 : i32, i32
  }
  func.func @transform_11(%arg0: i32) -> (i32, i32) {
    %c0_i32 = arith.constant 0 : i32
    %c0_i32_0 = arith.constant 0 : i32
    return %arg0, %c0_i32 : i32, i32
  }
  func.func @transform_12(%arg0: i32) -> (i32, i32) {
    %c0_i32 = arith.constant 0 : i32
    %c0_i32_0 = arith.constant 0 : i32
    return %arg0, %c0_i32 : i32, i32
  }
}

module attributes {stable_mosaic.version = 14 : i64} {
  func.func @_tc_post_body(%arg0: i32, %arg1: memref<1000x128xf32, #tpu.memory_space<vmem>>, %arg2: memref<1000x128xf32, #tpu.memory_space<vmem>>, %arg3: memref<1000x128xf32, #tpu.memory_space<vmem>>, %arg4: memref<1000x128xf32, #tpu.memory_space<vmem>>, %arg5: memref<1000x128xf32, #tpu.memory_space<vmem>>, %arg6: memref<1000x128xf32, #tpu.memory_space<vmem>>) attributes {dimension_semantics = [#tpu.dimension_semantics<arbitrary>], iteration_bounds = array<i64: 10>, scalar_prefetch = 0 : i64, scratch_operands = 0 : i64, tpu.core_type = #tpu.core_type<tc>, window_params = [{transform_indices = @transform_0, window_bounds = array<i64: 1000, 128>}, {transform_indices = @transform_1, window_bounds = array<i64: 1000, 128>}, {transform_indices = @transform_2, window_bounds = array<i64: 1000, 128>}, {transform_indices = @transform_3, window_bounds = array<i64: 1000, 128>}, {transform_indices = @transform_4, window_bounds = array<i64: 1000, 128>}, {transform_indices = @transform_5, window_bounds = array<i64: 1000, 128>}]} {
    %get3A = arith.constant 0 : index
    %get3A_0 = arith.constant 0 : index
    %get3A_1 = vector.load %arg4[%get3A, %get3A_0] : memref<1000x128xf32, #tpu.memory_space<vmem>>, vector<1000x1xf32>
    %get3A_2 = arith.constant 0 : index
    %get3A_3 = arith.constant 0 : index
    %get3A_4 = vector.load %arg5[%get3A_2, %get3A_3] : memref<1000x128xf32, #tpu.memory_space<vmem>>, vector<1000x1xf32>
    %add3A = arith.addf %get3A_1, %get3A_4 : vector<1000x1xf32>
    %max3A = arith.constant 1.000000e+00 : f32
    %max3A_5 = vector.broadcast %max3A : f32 to vector<1000x1xf32>
    %max3A_6 = arith.maximumf %add3A, %max3A_5 : vector<1000x1xf32>
    %get3A_7 = arith.constant 0 : index
    %get3A_8 = arith.constant 0 : index
    %get3A_9 = vector.load %arg1[%get3A_7, %get3A_8] : memref<1000x128xf32, #tpu.memory_space<vmem>>, vector<1000x128xf32>
    %get3A_10 = arith.constant 0 : index
    %get3A_11 = arith.constant 0 : index
    %get3A_12 = vector.load %arg2[%get3A_10, %get3A_11] : memref<1000x128xf32, #tpu.memory_space<vmem>>, vector<1000x128xf32>
    %get3A_13 = arith.constant 0 : index
    %get3A_14 = arith.constant 0 : index
    %get3A_15 = vector.load %arg3[%get3A_13, %get3A_14] : memref<1000x128xf32, #tpu.memory_space<vmem>>, vector<1000x128xf32>
    %add3A_16 = arith.addf %get3A_12, %get3A_15 : vector<1000x128xf32>
    %div3A = vector.broadcast %max3A_6 : vector<1000x1xf32> to vector<1000x128xf32>
    %div3A_17 = arith.divf %add3A_16, %div3A : vector<1000x128xf32>
    %add3A_18 = arith.addf %get3A_9, %div3A_17 : vector<1000x128xf32>
    %mul3A = arith.mulf %add3A_18, %add3A_18 : vector<1000x128xf32>
    %reduce_sum3A = arith.constant dense<0.000000e+00> : vector<1000xf32>
    %reduce_sum3A_19 = vector.multi_reduction <add>, %mul3A, %reduce_sum3A [1] : vector<1000x128xf32> to vector<1000xf32>
    %broadcast_in_dim3A = vector.shape_cast %reduce_sum3A_19 : vector<1000xf32> to vector<1000x1xf32>
    %sqrt3A = math.sqrt %broadcast_in_dim3A : vector<1000x1xf32>
    %add3A_20 = arith.constant 1.000000e-15 : f32
    %add3A_21 = vector.broadcast %add3A_20 : f32 to vector<1000x1xf32>
    %add3A_22 = arith.addf %sqrt3A, %add3A_21 : vector<1000x1xf32>
    %div3A_23 = vector.broadcast %add3A_22 : vector<1000x1xf32> to vector<1000x128xf32>
    %div3A_24 = arith.divf %add3A_18, %div3A_23 : vector<1000x128xf32>
    %mul3A_25 = arith.mulf %div3A_24, %div3A_24 : vector<1000x128xf32>
    %reduce_sum3A_26 = arith.constant dense<0.000000e+00> : vector<1000xf32>
    %reduce_sum3A_27 = vector.multi_reduction <add>, %mul3A_25, %reduce_sum3A_26 [1] : vector<1000x128xf32> to vector<1000xf32>
    %broadcast_in_dim3A_28 = vector.shape_cast %reduce_sum3A_27 : vector<1000xf32> to vector<1000x1xf32>
    %sqrt3A_29 = math.sqrt %broadcast_in_dim3A_28 : vector<1000x1xf32>
    %add3A_30 = arith.constant 1.000000e-15 : f32
    %add3A_31 = vector.broadcast %add3A_30 : f32 to vector<1000x1xf32>
    %add3A_32 = arith.addf %sqrt3A_29, %add3A_31 : vector<1000x1xf32>
    %div3A_33 = vector.broadcast %add3A_32 : vector<1000x1xf32> to vector<1000x128xf32>
    %div3A_34 = arith.divf %div3A_24, %div3A_33 : vector<1000x128xf32>
    %swap3A = arith.constant 0 : index
    %swap3A_35 = arith.constant 0 : index
    %swap3A_36 = vector.load %arg6[%swap3A, %swap3A_35] : memref<1000x128xf32, #tpu.memory_space<vmem>>, vector<1000x128xf32>
    tpu.vector_store %arg6[%swap3A, %swap3A_35], %div3A_34 {strides = array<i32>} : memref<1000x128xf32, #tpu.memory_space<vmem>>, vector<1000x128xf32>,
    return
  }
  func.func @transform_0(%arg0: i32) -> (i32, i32) {
    %c0_i32 = arith.constant 0 : i32
    %c0_i32_0 = arith.constant 0 : i32
    return %arg0, %c0_i32 : i32, i32
  }
  func.func @transform_1(%arg0: i32) -> (i32, i32) {
    %c0_i32 = arith.constant 0 : i32
    %c0_i32_0 = arith.constant 0 : i32
    return %arg0, %c0_i32 : i32, i32
  }
  func.func @transform_2(%arg0: i32) -> (i32, i32) {
    %c0_i32 = arith.constant 0 : i32
    %c0_i32_0 = arith.constant 0 : i32
    return %arg0, %c0_i32 : i32, i32
  }
  func.func @transform_3(%arg0: i32) -> (i32, i32) {
    %c0_i32 = arith.constant 0 : i32
    %c0_i32_0 = arith.constant 0 : i32
    return %arg0, %c0_i32 : i32, i32
  }
  func.func @transform_4(%arg0: i32) -> (i32, i32) {
    %c0_i32 = arith.constant 0 : i32
    %c0_i32_0 = arith.constant 0 : i32
    return %arg0, %c0_i32 : i32, i32
  }
  func.func @transform_5(%arg0: i32) -> (i32, i32) {
    %c0_i32 = arith.constant 0 : i32
    %c0_i32_0 = arith.constant 0 : i32
    return %arg0, %c0_i32 : i32, i32
  }
}

</mosaic_0001>

<sc_bundles>
// kernel: kernel.10.cloned.1.call-start
scs
__scs_entry_jumppad:
0x0: {  	(pc) =	sbr.rel $0x88, $3  }
0x1: {  	(tag) =	ssettag $0x0;
	lr =	simm.s32 $0x1  }
0x2: {  	[smem:$0x3F96] =	sst lr;
	_ =	strace $0xD0000000  }
0x3: {  	_ = 	snop  }
0x4: {  	_ = 	snop  }
0x5: {  	_ = 	snop  }
0x6: {  	_ = 	snop  }
0x7: {  	_ = 	snop  }
__scs_overlays_trampoline_lowered:
0x8: {  	[smem:$0x3FA5] =	sst s0  }
0x9: {  	[smem:$0x3FA6] =	sst s1  }
0xa: {  	[smem:$0x3FA7] =	sst s2  }
0xb: {  	[smem:$0x3FA8] =	sst s3  }
0xc: {  	[smem:$0x3FA9] =	sst s4  }
0xd: {  	[smem:$0x3FAA] =	sst s5  }
0xe: {  	[smem:$0x3FAB] =	sst s6  }
0xf: {  	[smem:$0x3FAC] =	sst s7  }
0x10: {  	[smem:$0x3FAD] =	sst s8  }
0x11: {  	[smem:$0x3FAE] =	sst s9;
	s0 =	simm.s32 @!p0 $0x0  }
0x12: {  	s1 =	sld [smem:$0x3F94];
	s0 =	simm.s32 @p0 $0x1  }
0x13: {  	[smem:$0x3FAF] =	sst s0;
	s0 =	simm.s32 @!p1 $0x0  }
0x14: {  	s2 =	sld [smem:$0x3F93];
	s0 =	simm.s32 @p1 $0x1  }
0x15: {  	[smem:$0x3FB0] =	sst s0;
	s0 =	simm.s32 @!p2 $0x0  }
0x16: {  	s3 =	sld [smem:$0x3FDB];
	s0 =	simm.s32 @p2 $0x1  }
0x17: {  	s4 =	simm.s32 $0x1BF5;
	[smem:$0x3FB2] =	sst s0  }
0x18: {  	s0 =	sld [smem:$0x3F95];
	_ =	swait.ge [sflag:s4], $0x0  }
0x19: {  	s7 =	sld [smem:$0x3F96]  }
0x1a: {  	s8 =	sadd.s32 $0xFFFFE003, lr  }
0x1b: {  	s9 =	sadd.s32 $0xFFFFFEF7, lr;
	s5 =	simm.s32 $0xFFFFFFFF;
	p2 =	slt.u32 s8, $0xFFFFF086  }
0x1c: {  	p1 =	slt.u32 s9, $0xF7A;
	s5 =	simm.s32 @!p2 $0x0  }
0x1d: {  	s5 =	simm.s32 @p1 $0x1;
	p0 =	seq.s32 s7, s2  }
0x1e: {  	s7 =	smul.u32 @!p0 $0xF7A, s2;
	p2 =	seq.s32 @!p0 s5, $0x0  }
0x1f: {  	s9 =	smul.u32 $0xF7A, s1;
	s8 =	simm.s32 @!p0 $0x1BF5;
	p2 =	por !p2, p0  }
0x20: {  	[sflag:s8] =	ssyncset.s32 @!p0 $0xFFFFF086;
	s6 =	sadd.s32 @!p0 s3, s7;
	s7 =	simm.s32 @!p0 $0x108  }
0x21: {  	s3 =	sadd.s32 s3, s9;
	s6 =	sadd.s32 @!p0 $0x88, s6;
	s7 =	simm.s32 @p2 $0x1082  }
0x22: {  	[simem:s7], [sflag:s8] =	dma.local @!p0 [hbm:s6], $0xF7A  }
0x23: {  	s9 =	sor.u32 $0xD0000000, s2;
	s6 =	simm.s32 $0x108;
	_ =	swait.ge @!p0 [sflag:s8], $0x0  }
0x24: {  	s3 =	sadd.s32 $0x88, s3;
	s6 =	simm.s32 @!p1 $0x1082;
	[sflag:s4] =	ssyncset.s32 $0xFFFFF086  }
0x25: {  	[simem:s6], [sflag:s4] =	dma.local [hbm:s3], $0xF7A  }
0x26: {  	[smem:$0x3F96] =	sst s1;
	(tag) =	ssettag s2;
	_ =	strace s9  }
0x27: {  	s1 =	sld [smem:$0x3FA6]  }
0x28: {  	s2 =	sld [smem:$0x3FA7]  }
0x29: {  	s4 =	sld [smem:$0x3FA9]  }
0x2a: {  	p0 =	seq.s32 s5, $0x0;
	s5 =	sld [smem:$0x3FAA]  }
0x2b: {  	s6 =	sld [smem:$0x3FAB]  }
0x2c: {  	s7 =	sld [smem:$0x3FAC]  }
0x2d: {  	s3 =	simm.s32 $0x108;
	s8 =	sld [smem:$0x3FAD]  }
0x2e: {  	s3 =	simm.s32 @!p0 $0x1082;
	s9 =	sld [smem:$0x3FAE]  }
0x2f: {  	lr =	sadd.s32 s0, s3;
	s0 =	sld [smem:$0x3FA5]  }
0x30: {  	s3 =	sld [smem:$0x3FA8]  }
0x31: {  	[smem:$0x3FB1] =	sst s10  }
0x32: {  	s10 =	sld [smem:$0x3FAF];
	_ =	sdelay $0x3  }
0x33: {  	p0 =	seq.s32 s10, $0x1;
	s10 =	sld [smem:$0x3FB1];
	_ =	sdelay $0x3  }
0x34: {  	[smem:$0x3FB1] =	sst s10  }
0x35: {  	s10 =	sld [smem:$0x3FB0];
	_ =	sdelay $0x3  }
0x36: {  	p1 =	seq.s32 s10, $0x1;
	s10 =	sld [smem:$0x3FB1];
	_ =	sdelay $0x3  }
0x37: {  	[smem:$0x3FB1] =	sst s10  }
0x38: {  	s10 =	sld [smem:$0x3FB2]  }
0x39: {  	_ = 	snop;
	(pc) =	sbr.ind lr, $3  }
0x3a: {  	_ = 	snop  }
0x3b: {  	_ = 	snop  }
0x3c: {  	p2 =	seq.s32 s10, $0x1;
	s10 =	sld [smem:$0x3FB1]  }
0x3d: {  	_ =	shalt  }
0x3e: {  	_ =	shalt  }
0x3f: {  	_ =	shalt  }
0x40: {  	_ =	shalt  }
0x41: {  	_ =	shalt  }
0x42: {  	_ =	shalt  }
0x43: {  	_ =	shalt  }
0x44: {  	_ =	shalt  }
0x45: {  	_ =	shalt  }
0x46: {  	_ =	shalt  }
0x47: {  	_ =	shalt  }
0x48: {  	_ =	shalt  }
0x49: {  	_ =	shalt  }
0x4a: {  	_ =	shalt  }
0x4b: {  	_ =	shalt  }
0x4c: {  	_ =	shalt  }
0x4d: {  	_ =	shalt  }
0x4e: {  	_ =	shalt  }
0x4f: {  	_ =	shalt  }
0x50: {  	_ =	shalt  }
0x51: {  	_ =	shalt  }
0x52: {  	_ =	shalt  }
0x53: {  	_ =	shalt  }
0x54: {  	_ =	shalt  }
0x55: {  	_ =	shalt  }
0x56: {  	_ =	shalt  }
0x57: {  	_ =	shalt  }
0x58: {  	_ =	shalt  }
0x59: {  	_ =	shalt  }
0x5a: {  	_ =	shalt  }
0x5b: {  	_ =	shalt  }
0x5c: {  	_ =	shalt  }
0x5d: {  	_ =	shalt  }
0x5e: {  	_ =	shalt  }
0x5f: {  	_ =	shalt  }
0x60: {  	_ =	shalt  }
0x61: {  	_ =	shalt  }
0x62: {  	_ =	shalt  }
0x63: {  	_ =	shalt  }
0x64: {  	_ =	shalt  }
0x65: {  	_ =	shalt  }
0x66: {  	_ =	shalt  }
0x67: {  	_ =	shalt  }
0x68: {  	_ =	shalt  }
0x69: {  	_ =	shalt  }
0x6a: {  	_ =	shalt  }
0x6b: {  	_ =	shalt  }
0x6c: {  	_ =	shalt  }
0x6d: {  	_ =	shalt  }
0x6e: {  	_ =	shalt  }
0x6f: {  	_ =	shalt  }
0x70: {  	_ =	shalt  }
0x71: {  	_ =	shalt  }
0x72: {  	_ =	shalt  }
0x73: {  	_ =	shalt  }
0x74: {  	_ =	shalt  }
0x75: {  	_ =	shalt  }
0x76: {  	_ =	shalt  }
0x77: {  	_ =	shalt  }
0x78: {  	_ =	shalt  }
0x79: {  	_ =	shalt  }
0x7a: {  	_ =	shalt  }
0x7b: {  	_ =	shalt  }
0x7c: {  	_ =	shalt  }
0x7d: {  	_ =	shalt  }
0x7e: {  	_ =	shalt  }
0x7f: {  	_ =	shalt  }
0x80: {  	_ =	shalt  }
0x81: {  	_ =	shalt  }
0x82: {  	_ =	shalt  }
0x83: {  	_ =	shalt  }
0x84: {  	_ =	shalt  }
0x85: {  	_ =	shalt  }
0x86: {  	_ =	shalt  }
0x87: {  	_ =	shalt  }
.Lfunc_end0:
.L_simem_size_0:
called_computation.1_lowered:
.L_overlay_start_0:
0x88: {  	s2 =	sld [smem:$0x3FD9]  }
0x89: {  	s3 =	sld [smem:$0x3FFE];
	_ =	sdelay $0x1  }
0x8a: {  	s1 =	srdreg.scid  }
0x8b: {  	s0 =	sand.u32 $0x1, s1  }
0x8c: {  	s17 =	sshll.u32 s0, $0xA;
	s2 =	sadd.s32 s3, s2  }
0x8d: {  	s2 =	sadd.s32 s2, s17  }
0x8e: {  	[smem:$0x3FBD] =	sst s2  }
0x8f: {  	_ = 	snop  }
0x90: {  	s2 =	sld [smem:$0x3FD0];
	(tm) =	ssettm $0x1  }
0x91: {  	s18 =	sld [smem:$0x3FFB];
	_ =	sdelay $0x3  }
0x92: {  	_ =	strace s18  }
0x93: {  	s3 =	sld [smem:$0x3FFC];
	_ =	sdelay $0x3  }
0x94: {  	_ =	strace s3  }
0x95: {  	s3 =	sld [smem:$0x3FFD];
	_ =	sdelay $0x3  }
0x96: {  	_ =	strace s3  }
0x97: {  	_ =	strace $0x8FFFFFFF  }
0x98: {  	s19 =	sld [smem:$0x3FDB];
	_ =	sdelay $0x1  }
0x99: {  	s4 =	simm.s32 $_scs_section_size  }
0x9a: {  	s5 =	simm.s32 $_size__tile_overlayer_lowered;
	s6 =	simm.s32 $_tile_overlayer_lowered  }
0x9b: {  	s22 =	simm.s32 $0x1BFF;
	s21 =	sshll.u32 s6, $0x1;
	s3 =	sadd.s32 s4, s19  }
0x9c: {  	s7 =	simm.s32 $0x0;
	s20 =	sshll.u32 s5, $0x1;
	s5 =	sadd.s32 s21, s3  }
0x9d: {  	[timem:s7], [sflag:s22] =	dma.local [hbm:s5], s20  }
0x9e: {  	_ =	swait.ge [sflag:s22], s20  }
0x9f: {  	s4 =	ssub.s32 $0x0, s20;
	[sflag:s22] =	ssyncset.done $0x0  }
0xa0: {  	[sflag:s22] =	ssyncadd.s32 s4;
	_ =	sdelay $0x1  }
0xa1: {  	s23 =	simm.s32 $0x1B8B  }
0xa2: {  	_ =	swait.ge [sflag:s23], $0x1  }
0xa3: {  	[sflag:s23] =	ssyncset.done $0x0  }
0xa4: {  	s25 =	simm.s32 $0x1B8E;
	s24 =	sld [smem:$0x3FFE];
	[sflag:s23] =	ssyncadd.s32 $0xFFFFFFFF  }
0xa5: {  	s26 =	simm.s32 $execute0_lowered;
	[smem:$0x3FD2] =	sst s25  }
0xa6: {  	s5 =	sshll.u32 s26, $0x1;
	_ =	strace $0x80000049;
	[dreg:$0x1] =	wrdreg $0xFFFFFFFF  }
0xa7: {  	s28 =	simm.s32 $_size_execute0_lowered;
	s3 =	sadd.s32 s3, s5;
	[dreg:$0x0] =	wrdreg $0x0  }
0xa8: {  	s5 =	sshll.u32 s28, $0x1;
	[dreg:$0x2] =	wrdreg s3  }
0xa9: {  	[dreg:$0x3] =	wrdreg s5  }
0xaa: {  	[dreg:$0x4] =	wrdreg $0xC0  }
0xab: {  	_ =	task [dreg:s7], $0x5FFFF  }
0xac: {  	[dreg:$0x1] =	wrdreg $0xFFFFFFFF  }
0xad: {  	[dreg:$0x0] =	wrdreg $0x60  }
0xae: {  	[dreg:$0x2] =	wrdreg s2  }
0xaf: {  	[dreg:$0x3] =	wrdreg s24  }
0xb0: {  	[dreg:$0x4] =	wrdreg $0xBD000  }
0xb1: {  	[dreg:$0x5] =	wrdreg $0x9  }
0xb2: {  	_ =	task.clear_ibuf [dreg:s7], $0x6FFFF;
	_ =	strace $0x90000049  }
0xb3: {  	s29 =	simm.s32 $0x9;
	_ =	strace $0x8000004B  }
0xb4: {  	_ =	swait.ge [sflag:s29], $0x1  }
0xb5: {  	[sflag:s29] =	ssyncadd.s32 $0xFFFFFFFF  }
0xb6: {  	_ =	strace $0x9000004B  }
0xb7: {  	_ =	sfence  }
0xb8: {  	s30 =	sld [smem:$0x0];
	_ =	sdelay $0x2  }
0xb9: {  	s31 =	sshll.u32 s1, $0xD;
	s1 =	sshrl.u32 s1, $0x2  }
0xba: {  	s3 =	sand.u32 $0x4000, s31;
	s1 =	sadd.s32 s1, s30  }
0xbb: {  	s0 =	sor.u32 s3, s0;
	s1 =	sshll.u32 s1, $0x11  }
0xbc: {  	s0 =	sor.u32 s1, s0  }
0xbd: {  	s0 =	sadd.s32 $0x8F2B, s0  }
0xbe: {  	[sflag:s0] =	ssyncadd.remote.s32 $0x1  }
0xbf: {  	_ =	sfence.sel $0xFFFF  }
0xc0: {  	[dreg:$0x0] =	wrdreg $0xFFFFFFFF;
	(pc) =	sbr.abs _section_cstart, $3  }
0xc1: {  	[dreg:$0x1] =	wrdreg $0xFFFFFFFF  }
0xc2: {  	_ =	task.clear_ibuf [dreg:s7], $0x2FFFF;
	_ =	strace $0x9FFFFFFF  }
0xc3: {  	(tm) =	ssettm $0x7FFFFFFF  }
tec
execute0_lowered:
.L_overlay_start_1:
0x0: {  	(tag) =	ssettag $0x1  }
0x1: {  	s1 =	rddreg [dreg:$0x0]  }
0x2: {  	s2 =	rddreg [dreg:$0x1];
	s12 =	stileid.u32  }
0x3: {  	s4 =	srdreg.scid;
	s3 =	rddreg [dreg:$0x2]  }
0x4: {  	s28 =	simm.s32 $0x7D00;
	s29 =	simm.s32 $0x9D00;
	s5 =	smul.u32 $0x1180, s12  }
0x5: {  	s30 =	simm.s32 $0x1;
	s31 =	simm.s32 $0x2;
	s7 =	smul.u32 $0x3E80, s12  }
0x6: {  	s6 =	sand.u32 $0x1, s4;
	s4 =	simm.s32 $0x0;
	s25 =	smul.u32 $0x2800, s12  }
0x7: {  	s11 =	smul.u32 $0x50000, s12;
	s14 =	sshll.u32 s12, $0x6;
	p0 =	seq.s32 s6, $0x0  }
0x8: {  	[smem:$0x7FF] =	sst s4;
	s9 =	smul.u32 $0x28000, s6;
	s6 =	ssub.s32 $0x2, s6  }
0x9: {  	s5 =	sadd.s32 $0x3E800, s5;
	_ =	strace $0x8000004A;
	s10 =	sshrl.u32 s6, $0x1  }
0xa: {  	s13 =	sshrl.u32 s11, $0x2;
	s7 =	smov.u32 @p0 s5;
	s9 =	sadd.s32 s25, s9  }
0xb: {  	s5 =	sadd.s32 $0x66E00, s2;
	s26 =	ssub.s32 s6, s10;
	s10 =	simm.s32 $0x46  }
0xc: {  	s15 =	sadd.s32 s13, s3;
	s6 =	sor.u32 $0x1C03, s14;
	s7 =	sshrl.u32 s7, $0x3  }
0xd: {  	s10 =	simm.s32 @!p0 $0xFA;
	s11 =	sadd.s32 $0x2000, s15;
	s18 =	sadd.s32 $0x4000, s15  }
0xe: {  	s19 =	sadd.s32 $0x6000, s15;
	s20 =	sadd.s32 $0x8000, s15;
	s21 =	sadd.s32 $0xA000, s15  }
0xf: {  	s22 =	sadd.s32 $0xC000, s15;
	s23 =	sadd.s32 $0xE000, s15;
	s24 =	sadd.s32 $0x10000, s15  }
0x10: {  	s25 =	sadd.s32 $0x12000, s15;
	s26 =	smax.u32 s26, $0x1;
	s15 =	sshrl.u32 s15, $0x3  }
0x11: {  	s7 =	sadd.s32 s7, s2;
	s2 =	sadd.s32 s9, s2;
	s17 =	sshrl.u32 s10, $0x1  }
0x12: {  	[dreg:$0x7] =	wrdreg s26;
	s13 =	sadd.s32 $0xFFFFFFFE, s10;
	s18 =	sshrl.u32 s18, $0x3  }
0x13: {  	s19 =	sshrl.u32 s19, $0x3;
	s20 =	sshrl.u32 s20, $0x3;
	s21 =	sshrl.u32 s21, $0x3  }
0x14: {  	s22 =	sshrl.u32 s22, $0x3;
	s23 =	sshrl.u32 s23, $0x3;
	s24 =	sshrl.u32 s24, $0x3  }
0x15: {  	s25 =	sshrl.u32 s25, $0x3;
	s26 =	simm.s32 $0x40;
	s16 =	sadd.s32 $0x35000, s7  }
0x16: {  	s7 =	sadd.s32 $0x2AA00, s7;
	s2 =	sadd.s32 $0x67200, s2;
	[dreg:$0x4] =	wrdreg s16  }
0x17: {  	s14 =	sadd.s32 $0xFFFFFFFF, s17;
	s17 =	sshrl.u32 s11, $0x3;
	[dreg:$0x5] =	wrdreg s7  }
0x18: {  	[dreg:$0x6] =	wrdreg s2;
	s16 =	simm.s32 $0x3;
	s2 =	simm.s32 $0x0  }
.LBB2_1:
0x19: {  	[spmem:s15], [sflag:s6] =	dma.local [hbm:s5], $0x400  }
0x1a: {  	_ =	swait.ge [sflag:s16], $0x400  }
0x1b: {  	[sflag:s16] =	ssyncset.done $0x0  }
0x1c: {  	[sflag:s16] =	ssyncadd.s32 $0xFFFFFC00  }
0x1d: {  	[spmem:s17], [sflag:s6] =	dma.local [hbm:s5], $0x400  }
0x1e: {  	_ =	swait.ge [sflag:s16], $0x400  }
0x1f: {  	[sflag:s16] =	ssyncset.done $0x0  }
0x20: {  	[sflag:s16] =	ssyncadd.s32 $0xFFFFFC00  }
0x21: {  	[spmem:s18], [sflag:s6] =	dma.local [hbm:s5], $0x400  }
0x22: {  	_ =	swait.ge [sflag:s16], $0x400  }
0x23: {  	[sflag:s16] =	ssyncset.done $0x0  }
0x24: {  	[sflag:s16] =	ssyncadd.s32 $0xFFFFFC00  }
0x25: {  	[spmem:s19], [sflag:s6] =	dma.local [hbm:s5], $0x400  }
0x26: {  	_ =	swait.ge [sflag:s16], $0x400  }
0x27: {  	[sflag:s16] =	ssyncset.done $0x0  }
0x28: {  	[sflag:s16] =	ssyncadd.s32 $0xFFFFFC00  }
0x29: {  	[spmem:s20], [sflag:s6] =	dma.local [hbm:s5], $0x400  }
0x2a: {  	_ =	swait.ge [sflag:s16], $0x400  }
0x2b: {  	[sflag:s16] =	ssyncset.done $0x0  }
0x2c: {  	[sflag:s16] =	ssyncadd.s32 $0xFFFFFC00  }
0x2d: {  	[spmem:s21], [sflag:s6] =	dma.local [hbm:s5], $0x400  }
0x2e: {  	_ =	swait.ge [sflag:s16], $0x400  }
0x2f: {  	[sflag:s16] =	ssyncset.done $0x0  }
0x30: {  	[sflag:s16] =	ssyncadd.s32 $0xFFFFFC00  }
0x31: {  	[spmem:s22], [sflag:s6] =	dma.local [hbm:s5], $0x400  }
0x32: {  	_ =	swait.ge [sflag:s16], $0x400  }
0x33: {  	[sflag:s16] =	ssyncset.done $0x0  }
0x34: {  	[sflag:s16] =	ssyncadd.s32 $0xFFFFFC00  }
0x35: {  	[spmem:s23], [sflag:s6] =	dma.local [hbm:s5], $0x400  }
0x36: {  	_ =	swait.ge [sflag:s16], $0x400  }
0x37: {  	[sflag:s16] =	ssyncset.done $0x0  }
0x38: {  	[sflag:s16] =	ssyncadd.s32 $0xFFFFFC00  }
0x39: {  	[spmem:s24], [sflag:s6] =	dma.local [hbm:s5], $0x400  }
0x3a: {  	_ =	swait.ge [sflag:s16], $0x400  }
0x3b: {  	[sflag:s16] =	ssyncset.done $0x0  }
0x3c: {  	[sflag:s16] =	ssyncadd.s32 $0xFFFFFC00  }
0x3d: {  	[spmem:s25], [sflag:s6] =	dma.local [hbm:s5], $0x400  }
0x3e: {  	_ =	swait.ge [sflag:s16], $0x400  }
0x3f: {  	[sflag:s16] =	ssyncset.done $0x0  }
0x40: {  	s7 =	rddreg [dreg:$0x4];
	[sflag:s16] =	ssyncadd.s32 $0xFFFFFC00  }
0x41: {  	[tilespmem:s4], [sflag:$0x3] =	stream.linear.gather [hbm4b:s7+s4], $0x3E80, $0x38;
	[tilespmem:$0x1FD00] =	vst v63  }
0x42: {  	s10 =	sadd.s32 $0xFFFFFFFF, s14;
	_ =	swait.ge [sflag:s16], $0x3E80  }
0x43: {  	p1 =	sne.s32 s10, $0x0;
	[sflag:s16] =	ssyncset.done $0x0  }
0x44: {  	s7 =	simm.s32 $0x3E80;
	s9 =	rddreg [dreg:$0x5];
	[sflag:s16] =	ssyncadd.s32 $0xFFFFC180  }
0x45: {  	[tilespmem:s7], [sflag:$0x3] =	stream.linear.gather [hbm4b:s9+s4], $0x3E80, $0x38;
	[tilespmem:$0x1FD00] =	vst v63  }
.Ltmp0:
0x46: {  	_ =	swait.ge [sflag:s16], $0x3E80;
	(pc) =	sbr.rel @!p1 .LBB2_2-.Ltmp0, $4  }
0x47: {  	[sflag:s16] =	ssyncset.done $0x0  }
0x48: {  	[sflag:s16] =	ssyncadd.s32 $0xFFFFC180  }
0x49: {  	p0 =	por $0x0, $0x0;
	s9 =	simm.s32 $0x80;
	[bflag:$0x0] =	sbarrier.arrive $0xFFFF  }
0x4a: {  	[tilespmem:s28], [sflag:$0x1] =	stream.indirect.gather [hbm4b:s1+s26], $0x80, s4, s26, $0xb8;
	[tilespmem:$0x1FD00] =	vst v63  }
0x4b: {  	s11 =	simm.s32 $0x40  }
0x4c: {  	[tilespmem:s29], [sflag:$0x2] =	stream.indirect.gather [hbm4b:s1+s26], $0x80, s11, s26, $0xb8;
	[tilespmem:$0x1FD00] =	vst v63  }
0x4d: {  	_ =	swait.ge [sflag:s30], $0x2000  }
0x4e: {  	[sflag:s30] =	ssyncset.done $0x0  }
0x4f: {  	[sflag:s30] =	ssyncadd.s32 $0xFFFFE000  }
0x50: {  	[spmem:s3] =	stream.indirect.scatter.add.f32 [tilespmem:s28], [sflag:$0x3], $0x80, s7, s26, $0xb8;
	[tilespmem:$0x1FD00] =	vst v63  }
0x51: {  	_ =	swait.ge [sflag:s16], $0x2000  }
0x52: {  	p0 =	sle.u32 s13, $0x0;
	[sflag:s16] =	ssyncset.done $0x0  }
0x53: {  	s11 =	simm.s32 @!p0 $0x7D00;
	s7 =	simm.s32 @!p0 $0x40;
	[sflag:s16] =	ssyncadd.s32 $0xFFFFE000  }
0x54: {  	[tilespmem:s11], [sflag:$0x1] =	stream.indirect.gather @!p0 [hbm4b:s1+s7], $0x80, s9, s7, $0xb8;
	[tilespmem:$0x1FD00] =	vst v63  }
0x55: {  	s11 =	sadd.s32 $0xFFFFFFFF, s10  }
0x56: {  	_ =	swait.ge [sflag:s31], $0x2000;
	p1 =	sne.s32 s11, $0x0  }
.Ltmp1:
0x57: {  	[sflag:s31] =	ssyncset.done $0x0;
	(pc) =	sbr.rel @!p1 .LBB2_6-.Ltmp1, $4  }
0x58: {  	s12 =	simm.s32 $0x3EC0;
	[sflag:s31] =	ssyncadd.s32 $0xFFFFE000  }
0x59: {  	[spmem:s3] =	stream.indirect.scatter.add.f32 [tilespmem:s29], [sflag:$0x3], $0x80, s12, s26, $0xb8;
	[tilespmem:$0x1FD00] =	vst v63  }
0x5a: {  	s7 =	simm.s32 $0x3F00;
	s10 =	simm.s32 $0x2;
	_ =	swait.ge [sflag:s16], $0x2000  }
0x5b: {  	s9 =	simm.s32 $0x100;
	p0 =	por $0x1, $0x1;
	[sflag:s16] =	ssyncset.done $0x0  }
.LBB2_4:
0x5c: {  	s11 =	sadd.s32 $0xFFFFFFFF, s11;
	s0 =	sadd.s32 $0xFFFFFFC0, s9;
	[sflag:s16] =	ssyncadd.s32 $0xFFFFE000  }
0x5d: {  	[tilespmem:s29], [sflag:$0x2] =	stream.indirect.gather [hbm4b:s1+s26], $0x80, s0, s26, $0xb8;
	[tilespmem:$0x1FD00] =	vst v63  }
0x5e: {  	p1 =	sne.s32 s11, $0x0;
	_ =	swait.ge [sflag:s30], $0x2000  }
0x5f: {  	[sflag:s30] =	ssyncset.done $0x0  }
0x60: {  	[sflag:s30] =	ssyncadd.s32 $0xFFFFE000  }
0x61: {  	[spmem:s3] =	stream.indirect.scatter.add.f32 [tilespmem:s28], [sflag:$0x3], $0x80, s7, s26, $0xb8;
	[tilespmem:$0x1FD00] =	vst v63  }
0x62: {  	_ =	swait.ge [sflag:s16], $0x2000  }
0x63: {  	p2 =	sge.u32 s10, s13;
	[sflag:s16] =	ssyncset.done $0x0  }
0x64: {  	s0 =	simm.s32 @!p2 $0x40;
	s8 =	simm.s32 @!p2 $0x7D00;
	[sflag:s16] =	ssyncadd.s32 $0xFFFFE000  }
0x65: {  	[tilespmem:s8], [sflag:$0x1] =	stream.indirect.gather @!p2 [hbm4b:s1+s0], $0x80, s9, s0, $0xb8;
	[tilespmem:$0x1FD00] =	vst v63  }
0x66: {  	_ =	swait.ge [sflag:s31], $0x2000  }
.Ltmp2:
0x67: {  	[sflag:s31] =	ssyncset.done $0x0;
	(pc) =	sbr.rel @p1 .LBB2_4-.Ltmp2, $4  }
0x68: {  	s10 =	sadd.s32 $0x2, s10;
	s0 =	sadd.s32 $0x40, s7;
	[sflag:s31] =	ssyncadd.s32 $0xFFFFE000  }
0x69: {  	[spmem:s3] =	stream.indirect.scatter.add.f32 [tilespmem:s29], [sflag:$0x3], $0x80, s0, s26, $0xb8;
	[tilespmem:$0x1FD00] =	vst v63  }
0x6a: {  	s8 =	sadd.s32 $0x80, s7;
	s0 =	sadd.s32 $0x80, s9;
	_ =	swait.ge [sflag:s16], $0x2000  }
0x6b: {  	s7 =	smov.u32 s8;
	s9 =	smov.u32 s0;
	[sflag:s16] =	ssyncset.done $0x0  }
0x6c: {  	s9 =	smov.u32 s0;
	s7 =	smov.u32 s8  }
.LBB2_6:
0x6d: {  	s11 =	sadd.s32 $0xFFFFFFC0, s9;
	[sflag:s16] =	ssyncadd.s32 @p0 $0xFFFFE000  }
0x6e: {  	[tilespmem:s29], [sflag:$0x2] =	stream.indirect.gather [hbm4b:s1+s26], $0x80, s11, s26, $0xb8;
	[tilespmem:$0x1FD00] =	vst v63  }
0x6f: {  	_ =	swait.ge [sflag:s30], $0x2000  }
0x70: {  	[sflag:s30] =	ssyncset.done $0x0  }
0x71: {  	[sflag:s30] =	ssyncadd.s32 $0xFFFFE000  }
0x72: {  	[spmem:s3] =	stream.indirect.scatter.add.f32 [tilespmem:s28], [sflag:$0x3], $0x80, s7, s26, $0xb8;
	[tilespmem:$0x1FD00] =	vst v63  }
0x73: {  	_ =	swait.ge [sflag:s16], $0x2000  }
0x74: {  	p0 =	sge.u32 s10, s13;
	[sflag:s16] =	ssyncset.done $0x0  }
0x75: {  	s11 =	simm.s32 @!p0 $0x40;
	s12 =	simm.s32 @!p0 $0x7D00;
	[sflag:s16] =	ssyncadd.s32 $0xFFFFE000  }
0x76: {  	[tilespmem:s12], [sflag:$0x1] =	stream.indirect.gather @!p0 [hbm4b:s1+s11], $0x80, s9, s11, $0xb8;
	[tilespmem:$0x1FD00] =	vst v63  }
0x77: {  	_ =	swait.ge [sflag:s31], $0x2000  }
0x78: {  	[sflag:s31] =	ssyncset.done $0x0  }
0x79: {  	s12 =	sadd.s32 $0x40, s7;
	[sflag:s31] =	ssyncadd.s32 $0xFFFFE000  }
0x7a: {  	[spmem:s3] =	stream.indirect.scatter.add.f32 [tilespmem:s29], [sflag:$0x3], $0x80, s12, s26, $0xb8;
	[tilespmem:$0x1FD00] =	vst v63  }
0x7b: {  	_ =	swait.ge [sflag:s16], $0x2000  }
0x7c: {  	[sflag:s16] =	ssyncset.done $0x0  }
0x7d: {  	s12 =	sadd.s32 $0x40, s0;
	[sflag:s16] =	ssyncadd.s32 $0xFFFFE000  }
0x7e: {  	[tilespmem:s29], [sflag:$0x2] =	stream.indirect.gather [hbm4b:s1+s26], $0x80, s12, s26, $0xb8;
	[tilespmem:$0x1FD00] =	vst v63  }
0x7f: {  	_ =	swait.ge [sflag:s30], $0x2000  }
0x80: {  	[sflag:s30] =	ssyncset.done $0x0  }
0x81: {  	s11 =	sadd.s32 $0x80, s7;
	[sflag:s30] =	ssyncadd.s32 $0xFFFFE000  }
0x82: {  	[spmem:s3] =	stream.indirect.scatter.add.f32 [tilespmem:s28], [sflag:$0x3], $0x80, s11, s26, $0xb8;
	[tilespmem:$0x1FD00] =	vst v63  }
0x83: {  	s12 =	sadd.s32 $0x2, s10;
	_ =	swait.ge [sflag:s16], $0x2000  }
0x84: {  	s9 =	sadd.s32 $0x80, s9;
	p0 =	sge.u32 s12, s13;
	[sflag:s16] =	ssyncset.done $0x0  }
0x85: {  	s7 =	simm.s32 @!p0 $0x40;
	s10 =	simm.s32 @!p0 $0x7D00;
	[sflag:s16] =	ssyncadd.s32 $0xFFFFE000  }
0x86: {  	[tilespmem:s10], [sflag:$0x1] =	stream.indirect.gather @!p0 [hbm4b:s1+s7], $0x80, s9, s7, $0xb8;
	[tilespmem:$0x1FD00] =	vst v63  }
0x87: {  	_ =	swait.ge [sflag:s31], $0x2000  }
0x88: {  	[sflag:s31] =	ssyncset.done $0x0  }
0x89: {  	s10 =	sadd.s32 $0xC0, s8;
	[sflag:s31] =	ssyncadd.s32 $0xFFFFE000  }
0x8a: {  	[spmem:s3] =	stream.indirect.scatter.add.f32 [tilespmem:s29], [sflag:$0x3], $0x80, s10, s26, $0xb8;
	[tilespmem:$0x1FD00] =	vst v63  }
0x8b: {  	_ =	swait.ge [sflag:s16], $0x2000  }
0x8c: {  	[sflag:s16] =	ssyncset.done $0x0  }
0x8d: {  	[sflag:s16] =	ssyncadd.s32 $0xFFFFE000  }
0x8e: {  	[bflag:$0x0] =	sbarrier.arrive $0xFFFF  }
0x8f: {  	s11 =	rddreg [dreg:$0x6]  }
0x90: {  	[hbm:s11], [sflag:s6] =	dma.local [spmem:s15], $0x2800  }
0x91: {  	_ =	swait.ge [sflag:s16], $0x2800  }
0x92: {  	s2 =	sadd.s32 $0x1, s2;
	s12 =	rddreg [dreg:$0x7]  }
0x93: {  	p0 =	sne.s32 s2, s12  }
.Ltmp3:
0x94: {  	_ = 	snop;
	(pc) =	sbr.rel @p0 .LBB2_1-.Ltmp3, $4  }
.Ltmp4:
0x95: {  	_ = 	snop;
	(pc) =	sbr.rel @!p0 .LBB2_7-.Ltmp4, $4  }
0x96: {  	_ = 	snop  }
0x97: {  	[sflag:s16] =	ssyncset.done $0x0  }
0x98: {  	[sflag:s16] =	ssyncadd.s32 $0xFFFFD800  }
0x99: {  	_ = 	snop  }
.LBB2_2:
.Ltmp5:
0x9a: {  	(pc) =	sbr.rel .LBB2_6-.Ltmp5, $2  }
0x9b: {  	_ =	sdelay $0x2  }
0x9c: {  	s10 =	simm.s32 $0x0  }
.LBB2_7:
0x9d: {  	_ =	sfence.sel $0x180000  }
0x9e: {  	[bflag:$0x0] =	sbarrier.arrive $0xFFFF  }
0x9f: {  	_ =	strace $0x9000004A  }
0xa0: {  	s0 =	stileid.u32;
	[bflag:$0x2] =	sbarrier.arrive $0xFFFF  }
0xa1: {  	p0 =	sne.s32 s0, $0x0;
	s0 =	rddreg [dreg:$0x3]  }
0xa2: {  	s0 =	sadd.s32 @!p0 $0x100000, s0  }
0xa3: {  	[sflag:s0] =	ssyncadd.tile.s32 @!p0 $0x1;
	_ =	shalt  }
.Lfunc_end2:
_tile_overlayer_lowered:
.L_overlay_start_2:
0xa4: {  	(tag) =	ssettag $0x2  }
0xa5: {  	s0 =	rddreg [dreg:$0x0];
	s2 =	stileid.u32  }
0xa6: {  	s1 =	rddreg [dreg:$0x1];
	p0 =	sne.s32 s2, $0x0  }
0xa7: {  	s3 =	rddreg [dreg:$0x2];
	[bflag:$0x3] =	sbarrier.arrive $0xFFFF;
	s2 =	simm.s32 @!p0 $0x1C03  }
0xa8: {  	[timem:s3], [sflag:s2] =	dma.local @!p0 [hbm:s0], s1  }
0xa9: {  	s0 =	simm.s32 @!p0 $0x3  }
0xaa: {  	_ =	swait.ge @!p0 [sflag:s0], s1  }
0xab: {  	s1 =	ssub.s32 @!p0 $0x0, s1;
	[sflag:s0] =	ssyncset.done @!p0 $0x0  }
0xac: {  	[sflag:s0] =	ssyncadd.s32 @!p0 s1  }
0xad: {  	[bflag:$0x3] =	sbarrier.arrive $0xFFFF  }
0xae: {  	_ =	shalt  }

// kernel: kernel.7.cloned.1.call-start
scs
__scs_entry_jumppad:
0x0: {  	(pc) =	sbr.rel $0x88, $3  }
0x1: {  	(tag) =	ssettag $0x0;
	lr =	simm.s32 $0x1  }
0x2: {  	[smem:$0x3F96] =	sst lr;
	_ =	strace $0xD0000000  }
0x3: {  	_ = 	snop  }
0x4: {  	_ = 	snop  }
0x5: {  	_ = 	snop  }
0x6: {  	_ = 	snop  }
0x7: {  	_ = 	snop  }
__scs_overlays_trampoline_lowered:
0x8: {  	[smem:$0x3FA5] =	sst s0  }
0x9: {  	[smem:$0x3FA6] =	sst s1  }
0xa: {  	[smem:$0x3FA7] =	sst s2  }
0xb: {  	[smem:$0x3FA8] =	sst s3  }
0xc: {  	[smem:$0x3FA9] =	sst s4  }
0xd: {  	[smem:$0x3FAA] =	sst s5  }
0xe: {  	[smem:$0x3FAB] =	sst s6  }
0xf: {  	[smem:$0x3FAC] =	sst s7  }
0x10: {  	[smem:$0x3FAD] =	sst s8  }
0x11: {  	[smem:$0x3FAE] =	sst s9;
	s0 =	simm.s32 @!p0 $0x0  }
0x12: {  	s1 =	sld [smem:$0x3F94];
	s0 =	simm.s32 @p0 $0x1  }
0x13: {  	[smem:$0x3FAF] =	sst s0;
	s0 =	simm.s32 @!p1 $0x0  }
0x14: {  	s2 =	sld [smem:$0x3F93];
	s0 =	simm.s32 @p1 $0x1  }
0x15: {  	[smem:$0x3FB0] =	sst s0;
	s0 =	simm.s32 @!p2 $0x0  }
0x16: {  	s3 =	sld [smem:$0x3FDB];
	s0 =	simm.s32 @p2 $0x1  }
0x17: {  	s4 =	simm.s32 $0x1BF5;
	[smem:$0x3FB2] =	sst s0  }
0x18: {  	s0 =	sld [smem:$0x3F95];
	_ =	swait.ge [sflag:s4], $0x0  }
0x19: {  	s7 =	sld [smem:$0x3F96]  }
0x1a: {  	s8 =	sadd.s32 $0xFFFFE003, lr  }
0x1b: {  	s9 =	sadd.s32 $0xFFFFFEF7, lr;
	s5 =	simm.s32 $0xFFFFFFFF;
	p2 =	slt.u32 s8, $0xFFFFF086  }
0x1c: {  	p1 =	slt.u32 s9, $0xF7A;
	s5 =	simm.s32 @!p2 $0x0  }
0x1d: {  	s5 =	simm.s32 @p1 $0x1;
	p0 =	seq.s32 s7, s2  }
0x1e: {  	s7 =	smul.u32 @!p0 $0xF7A, s2;
	p2 =	seq.s32 @!p0 s5, $0x0  }
0x1f: {  	s9 =	smul.u32 $0xF7A, s1;
	s8 =	simm.s32 @!p0 $0x1BF5;
	p2 =	por !p2, p0  }
0x20: {  	[sflag:s8] =	ssyncset.s32 @!p0 $0xFFFFF086;
	s6 =	sadd.s32 @!p0 s3, s7;
	s7 =	simm.s32 @!p0 $0x108  }
0x21: {  	s3 =	sadd.s32 s3, s9;
	s6 =	sadd.s32 @!p0 $0x88, s6;
	s7 =	simm.s32 @p2 $0x1082  }
0x22: {  	[simem:s7], [sflag:s8] =	dma.local @!p0 [hbm:s6], $0xF7A  }
0x23: {  	s9 =	sor.u32 $0xD0000000, s2;
	s6 =	simm.s32 $0x108;
	_ =	swait.ge @!p0 [sflag:s8], $0x0  }
0x24: {  	s3 =	sadd.s32 $0x88, s3;
	s6 =	simm.s32 @!p1 $0x1082;
	[sflag:s4] =	ssyncset.s32 $0xFFFFF086  }
0x25: {  	[simem:s6], [sflag:s4] =	dma.local [hbm:s3], $0xF7A  }
0x26: {  	[smem:$0x3F96] =	sst s1;
	(tag) =	ssettag s2;
	_ =	strace s9  }
0x27: {  	s1 =	sld [smem:$0x3FA6]  }
0x28: {  	s2 =	sld [smem:$0x3FA7]  }
0x29: {  	s4 =	sld [smem:$0x3FA9]  }
0x2a: {  	p0 =	seq.s32 s5, $0x0;
	s5 =	sld [smem:$0x3FAA]  }
0x2b: {  	s6 =	sld [smem:$0x3FAB]  }
0x2c: {  	s7 =	sld [smem:$0x3FAC]  }
0x2d: {  	s3 =	simm.s32 $0x108;
	s8 =	sld [smem:$0x3FAD]  }
0x2e: {  	s3 =	simm.s32 @!p0 $0x1082;
	s9 =	sld [smem:$0x3FAE]  }
0x2f: {  	lr =	sadd.s32 s0, s3;
	s0 =	sld [smem:$0x3FA5]  }
0x30: {  	s3 =	sld [smem:$0x3FA8]  }
0x31: {  	[smem:$0x3FB1] =	sst s10  }
0x32: {  	s10 =	sld [smem:$0x3FAF];
	_ =	sdelay $0x3  }
0x33: {  	p0 =	seq.s32 s10, $0x1;
	s10 =	sld [smem:$0x3FB1];
	_ =	sdelay $0x3  }
0x34: {  	[smem:$0x3FB1] =	sst s10  }
0x35: {  	s10 =	sld [smem:$0x3FB0];
	_ =	sdelay $0x3  }
0x36: {  	p1 =	seq.s32 s10, $0x1;
	s10 =	sld [smem:$0x3FB1];
	_ =	sdelay $0x3  }
0x37: {  	[smem:$0x3FB1] =	sst s10  }
0x38: {  	s10 =	sld [smem:$0x3FB2]  }
0x39: {  	_ = 	snop;
	(pc) =	sbr.ind lr, $3  }
0x3a: {  	_ = 	snop  }
0x3b: {  	_ = 	snop  }
0x3c: {  	p2 =	seq.s32 s10, $0x1;
	s10 =	sld [smem:$0x3FB1]  }
0x3d: {  	_ =	shalt  }
0x3e: {  	_ =	shalt  }
0x3f: {  	_ =	shalt  }
0x40: {  	_ =	shalt  }
0x41: {  	_ =	shalt  }
0x42: {  	_ =	shalt  }
0x43: {  	_ =	shalt  }
0x44: {  	_ =	shalt  }
0x45: {  	_ =	shalt  }
0x46: {  	_ =	shalt  }
0x47: {  	_ =	shalt  }
0x48: {  	_ =	shalt  }
0x49: {  	_ =	shalt  }
0x4a: {  	_ =	shalt  }
0x4b: {  	_ =	shalt  }
0x4c: {  	_ =	shalt  }
0x4d: {  	_ =	shalt  }
0x4e: {  	_ =	shalt  }
0x4f: {  	_ =	shalt  }
0x50: {  	_ =	shalt  }
0x51: {  	_ =	shalt  }
0x52: {  	_ =	shalt  }
0x53: {  	_ =	shalt  }
0x54: {  	_ =	shalt  }
0x55: {  	_ =	shalt  }
0x56: {  	_ =	shalt  }
0x57: {  	_ =	shalt  }
0x58: {  	_ =	shalt  }
0x59: {  	_ =	shalt  }
0x5a: {  	_ =	shalt  }
0x5b: {  	_ =	shalt  }
0x5c: {  	_ =	shalt  }
0x5d: {  	_ =	shalt  }
0x5e: {  	_ =	shalt  }
0x5f: {  	_ =	shalt  }
0x60: {  	_ =	shalt  }
0x61: {  	_ =	shalt  }
0x62: {  	_ =	shalt  }
0x63: {  	_ =	shalt  }
0x64: {  	_ =	shalt  }
0x65: {  	_ =	shalt  }
0x66: {  	_ =	shalt  }
0x67: {  	_ =	shalt  }
0x68: {  	_ =	shalt  }
0x69: {  	_ =	shalt  }
0x6a: {  	_ =	shalt  }
0x6b: {  	_ =	shalt  }
0x6c: {  	_ =	shalt  }
0x6d: {  	_ =	shalt  }
0x6e: {  	_ =	shalt  }
0x6f: {  	_ =	shalt  }
0x70: {  	_ =	shalt  }
0x71: {  	_ =	shalt  }
0x72: {  	_ =	shalt  }
0x73: {  	_ =	shalt  }
0x74: {  	_ =	shalt  }
0x75: {  	_ =	shalt  }
0x76: {  	_ =	shalt  }
0x77: {  	_ =	shalt  }
0x78: {  	_ =	shalt  }
0x79: {  	_ =	shalt  }
0x7a: {  	_ =	shalt  }
0x7b: {  	_ =	shalt  }
0x7c: {  	_ =	shalt  }
0x7d: {  	_ =	shalt  }
0x7e: {  	_ =	shalt  }
0x7f: {  	_ =	shalt  }
0x80: {  	_ =	shalt  }
0x81: {  	_ =	shalt  }
0x82: {  	_ =	shalt  }
0x83: {  	_ =	shalt  }
0x84: {  	_ =	shalt  }
0x85: {  	_ =	shalt  }
0x86: {  	_ =	shalt  }
0x87: {  	_ =	shalt  }
.Lfunc_end0:
.L_simem_size_0:
called_computation_lowered:
.L_overlay_start_0:
0x88: {  	s2 =	sld [smem:$0x3FD9]  }
0x89: {  	s3 =	sld [smem:$0x3FFE];
	_ =	sdelay $0x1  }
0x8a: {  	s1 =	srdreg.scid  }
0x8b: {  	s0 =	sand.u32 $0x1, s1  }
0x8c: {  	s16 =	sshll.u32 s0, $0xA;
	s2 =	sadd.s32 s3, s2  }
0x8d: {  	s2 =	sadd.s32 s2, s16  }
0x8e: {  	[smem:$0x3FBD] =	sst s2  }
0x8f: {  	_ = 	snop  }
0x90: {  	(tm) =	ssettm $0x1  }
0x91: {  	s17 =	sld [smem:$0x3FFB];
	_ =	sdelay $0x3  }
0x92: {  	_ =	strace s17  }
0x93: {  	s2 =	sld [smem:$0x3FFC];
	_ =	sdelay $0x3  }
0x94: {  	_ =	strace s2  }
0x95: {  	s2 =	sld [smem:$0x3FFD];
	_ =	sdelay $0x3  }
0x96: {  	_ =	strace s2  }
0x97: {  	_ =	strace $0x8FFFFFFF  }
0x98: {  	s18 =	sld [smem:$0x3FDB];
	_ =	sdelay $0x1  }
0x99: {  	s19 =	simm.s32 $_scs_section_size  }
0x9a: {  	s4 =	simm.s32 $_size__tile_overlayer_lowered;
	s5 =	simm.s32 $_tile_overlayer_lowered  }
0x9b: {  	s22 =	simm.s32 $0x1BFF;
	s21 =	sshll.u32 s5, $0x1;
	s2 =	sadd.s32 s19, s18  }
0x9c: {  	s6 =	simm.s32 $0x0;
	s20 =	sshll.u32 s4, $0x1;
	s4 =	sadd.s32 s21, s2  }
0x9d: {  	[timem:s6], [sflag:s22] =	dma.local [hbm:s4], s20  }
0x9e: {  	_ =	swait.ge [sflag:s22], s20  }
0x9f: {  	s3 =	ssub.s32 $0x0, s20;
	[sflag:s22] =	ssyncset.done $0x0  }
0xa0: {  	[sflag:s22] =	ssyncadd.s32 s3;
	_ =	sdelay $0x1  }
0xa1: {  	s23 =	simm.s32 $0x1B8B  }
0xa2: {  	_ =	swait.ge [sflag:s23], $0x1  }
0xa3: {  	[sflag:s23] =	ssyncset.done $0x0  }
0xa4: {  	s25 =	simm.s32 $0x1B8E;
	s24 =	sld [smem:$0x3FFE];
	[sflag:s23] =	ssyncadd.s32 $0xFFFFFFFF  }
0xa5: {  	s26 =	simm.s32 $execute0_lowered;
	[smem:$0x3FD2] =	sst s25  }
0xa6: {  	s4 =	sshll.u32 s26, $0x1;
	_ =	strace $0x80000046;
	[dreg:$0x1] =	wrdreg $0xFFFFFFFF  }
0xa7: {  	s28 =	simm.s32 $_size_execute0_lowered;
	s2 =	sadd.s32 s2, s4;
	[dreg:$0x0] =	wrdreg $0x0  }
0xa8: {  	s4 =	sshll.u32 s28, $0x1;
	[dreg:$0x2] =	wrdreg s2  }
0xa9: {  	[dreg:$0x3] =	wrdreg s4  }
0xaa: {  	[dreg:$0x4] =	wrdreg $0xC0  }
0xab: {  	_ =	task [dreg:s6], $0x5FFFF  }
0xac: {  	[dreg:$0x1] =	wrdreg $0xFFFFFFFF  }
0xad: {  	[dreg:$0x0] =	wrdreg $0x60  }
0xae: {  	[dreg:$0x2] =	wrdreg s24  }
0xaf: {  	[dreg:$0x3] =	wrdreg $0xBD000  }
0xb0: {  	[dreg:$0x4] =	wrdreg $0x9  }
0xb1: {  	_ =	task.clear_ibuf [dreg:s6], $0x5FFFF;
	_ =	strace $0x90000046  }
0xb2: {  	s29 =	simm.s32 $0x9;
	_ =	strace $0x80000048  }
0xb3: {  	_ =	swait.ge [sflag:s29], $0x1  }
0xb4: {  	[sflag:s29] =	ssyncadd.s32 $0xFFFFFFFF  }
0xb5: {  	_ =	strace $0x90000048  }
0xb6: {  	_ =	sfence  }
0xb7: {  	s30 =	sld [smem:$0x0];
	_ =	sdelay $0x2  }
0xb8: {  	s31 =	sshll.u32 s1, $0xD;
	s1 =	sshrl.u32 s1, $0x2  }
0xb9: {  	s3 =	sand.u32 $0x4000, s31;
	s1 =	sadd.s32 s1, s30  }
0xba: {  	s0 =	sor.u32 s3, s0;
	s1 =	sshll.u32 s1, $0x11  }
0xbb: {  	s0 =	sor.u32 s1, s0  }
0xbc: {  	s0 =	sadd.s32 $0x8F2B, s0  }
0xbd: {  	[sflag:s0] =	ssyncadd.remote.s32 $0x1  }
0xbe: {  	_ =	sfence.sel $0xFFFF  }
0xbf: {  	[dreg:$0x0] =	wrdreg $0xFFFFFFFF;
	(pc) =	sbr.abs _section_cstart, $3  }
0xc0: {  	[dreg:$0x1] =	wrdreg $0xFFFFFFFF  }
0xc1: {  	_ =	task.clear_ibuf [dreg:s6], $0x2FFFF;
	_ =	strace $0x9FFFFFFF  }
0xc2: {  	(tm) =	ssettm $0x7FFFFFFF  }
0xc3: {  	_ =	shalt  }
tec
execute0_lowered:
.L_overlay_start_1:
0x0: {  	(tag) =	ssettag $0x1  }
0x1: {  	s0 =	rddreg [dreg:$0x0]  }
0x2: {  	s13 =	stileid.u32;
	s1 =	srdreg.scid  }
0x3: {  	s2 =	rddreg [dreg:$0x1];
	s29 =	simm.s32 $0x3;
	s3 =	smul.u32 $0x1180, s13  }
0x4: {  	s30 =	simm.s32 $0x40;
	s31 =	simm.s32 $0x7D00;
	s4 =	smul.u32 $0x3E80, s13  }
0x5: {  	s1 =	sand.u32 $0x1, s1;
	s6 =	smul.u32 $0x280, s13;
	s11 =	sadd.s32 $0x2AA00, s0  }
0x6: {  	s8 =	smul.u32 $0x50000, s13;
	s12 =	sadd.s32 $0x66A00, s0;
	s24 =	sshll.u32 s13, $0x6  }
0x7: {  	p0 =	seq.s32 s1, $0x0;
	s7 =	smul.u32 $0x2800, s1;
	s20 =	ssub.s32 $0x2, s1  }
0x8: {  	s1 =	sshll.u32 s1, $0x4;
	s5 =	sadd.s32 $0x3E800, s3;
	s3 =	simm.s32 $0x0  }
0x9: {  	s21 =	sshrl.u32 s20, $0x1;
	s22 =	sshrl.u32 s8, $0x2;
	s8 =	sor.u32 $0x1C03, s24  }
0xa: {  	s1 =	sor.u32 s13, s1;
	[smem:$0x7FF] =	sst s3;
	s6 =	sadd.s32 s6, s7  }
0xb: {  	s7 =	sadd.s32 s22, s2;
	_ =	strace $0x80000047;
	[dreg:$0x3] =	wrdreg s12  }
0xc: {  	s4 =	smov.u32 @p0 s5;
	s14 =	sadd.s32 $0x2000, s7;
	[dreg:$0x4] =	wrdreg s7  }
0xd: {  	s5 =	sadd.s32 $0x66E00, s0;
	s26 =	sadd.s32 $0x4000, s7;
	[dreg:$0x5] =	wrdreg s14  }
0xe: {  	s1 =	smul.u32 $0x500, s1;
	s28 =	sadd.s32 $0x6000, s7;
	[dreg:$0x6] =	wrdreg s26  }
0xf: {  	s9 =	sshrl.u32 s4, $0x3;
	s15 =	sadd.s32 $0x8000, s7;
	[dreg:$0x7] =	wrdreg s28  }
0x10: {  	s4 =	sadd.s32 $0x3F800, s0;
	s16 =	sadd.s32 $0xA000, s7;
	[dreg:$0x8] =	wrdreg s15  }
0x11: {  	s6 =	sshll.u32 s6, $0x4;
	s17 =	sadd.s32 $0xC000, s7;
	[dreg:$0x9] =	wrdreg s16  }
0x12: {  	s12 =	simm.s32 $0x46;
	s18 =	sadd.s32 $0xE000, s7;
	[dreg:$0xa] =	wrdreg s17  }
0x13: {  	s19 =	sadd.s32 $0x10000, s7;
	s7 =	sadd.s32 $0x12000, s7;
	[dreg:$0xb] =	wrdreg s18  }
0x14: {  	s10 =	sadd.s32 s9, s0;
	s0 =	sadd.s32 s6, s0;
	[dreg:$0xc] =	wrdreg s19  }
0x15: {  	s6 =	ssub.s32 s20, s21;
	[dreg:$0xd] =	wrdreg s7;
	s21 =	sadd.s32 s11, s9  }
0x16: {  	s12 =	simm.s32 @!p0 $0xFA;
	s1 =	sadd.s32 s11, s1;
	[dreg:$0xf] =	wrdreg s21  }
0x17: {  	s9 =	simm.s32 $0x3E80;
	s20 =	sadd.s32 $0x35000, s10;
	[dreg:$0x10] =	wrdreg s1  }
0x18: {  	s22 =	sshrl.u32 s12, $0x1;
	s24 =	sadd.s32 $0x67200, s0;
	[dreg:$0xe] =	wrdreg s20  }
0x19: {  	s0 =	sadd.s32 $0xB7200, s0;
	s26 =	smax.u32 s6, $0x1;
	[dreg:$0x11] =	wrdreg s24  }
0x1a: {  	s1 =	simm.s32 $0x9D00;
	s6 =	simm.s32 $0x2;
	[dreg:$0x12] =	wrdreg s0  }
0x1b: {  	s10 =	simm.s32 $0x0;
	[dreg:$0x13] =	wrdreg s26;
	s28 =	sadd.s32 $0xFFFFFFFF, s22  }
0x1c: {  	s26 =	sadd.s32 $0xFFFFFFFE, s12;
	s0 =	simm.s32 $0x1;
	[dreg:$0x14] =	wrdreg s28  }
.LBB2_1:
0x1d: {  	s7 =	rddreg [dreg:$0x4]  }
0x1e: {  	s11 =	sshrl.u32 s7, $0x3  }
0x1f: {  	[spmem:s11], [sflag:s8] =	dma.local [hbm:s5], $0x400  }
0x20: {  	_ =	swait.ge [sflag:s29], $0x400  }
0x21: {  	[sflag:s29] =	ssyncset.done $0x0;
	s17 =	rddreg [dreg:$0x5]  }
0x22: {  	[sflag:s29] =	ssyncadd.s32 $0xFFFFFC00;
	s13 =	sshrl.u32 s17, $0x3  }
0x23: {  	[spmem:s13], [sflag:s8] =	dma.local [hbm:s5], $0x400  }
0x24: {  	_ =	swait.ge [sflag:s29], $0x400  }
0x25: {  	[sflag:s29] =	ssyncset.done $0x0;
	s18 =	rddreg [dreg:$0x6]  }
0x26: {  	[sflag:s29] =	ssyncadd.s32 $0xFFFFFC00;
	s14 =	sshrl.u32 s18, $0x3  }
0x27: {  	[spmem:s14], [sflag:s8] =	dma.local [hbm:s5], $0x400  }
0x28: {  	_ =	swait.ge [sflag:s29], $0x400  }
0x29: {  	[sflag:s29] =	ssyncset.done $0x0;
	s19 =	rddreg [dreg:$0x7]  }
0x2a: {  	[sflag:s29] =	ssyncadd.s32 $0xFFFFFC00;
	s15 =	sshrl.u32 s19, $0x3  }
0x2b: {  	[spmem:s15], [sflag:s8] =	dma.local [hbm:s5], $0x400  }
0x2c: {  	_ =	swait.ge [sflag:s29], $0x400  }
0x2d: {  	[sflag:s29] =	ssyncset.done $0x0;
	s20 =	rddreg [dreg:$0x8]  }
0x2e: {  	[sflag:s29] =	ssyncadd.s32 $0xFFFFFC00;
	s17 =	sshrl.u32 s20, $0x3  }
0x2f: {  	[spmem:s17], [sflag:s8] =	dma.local [hbm:s5], $0x400  }
0x30: {  	_ =	swait.ge [sflag:s29], $0x400  }
0x31: {  	[sflag:s29] =	ssyncset.done $0x0;
	s21 =	rddreg [dreg:$0x9]  }
0x32: {  	[sflag:s29] =	ssyncadd.s32 $0xFFFFFC00;
	s18 =	sshrl.u32 s21, $0x3  }
0x33: {  	[spmem:s18], [sflag:s8] =	dma.local [hbm:s5], $0x400  }
0x34: {  	_ =	swait.ge [sflag:s29], $0x400  }
0x35: {  	[sflag:s29] =	ssyncset.done $0x0;
	s22 =	rddreg [dreg:$0xa]  }
0x36: {  	[sflag:s29] =	ssyncadd.s32 $0xFFFFFC00;
	s19 =	sshrl.u32 s22, $0x3  }
0x37: {  	[spmem:s19], [sflag:s8] =	dma.local [hbm:s5], $0x400  }
0x38: {  	_ =	swait.ge [sflag:s29], $0x400  }
0x39: {  	[sflag:s29] =	ssyncset.done $0x0;
	s24 =	rddreg [dreg:$0xb]  }
0x3a: {  	[sflag:s29] =	ssyncadd.s32 $0xFFFFFC00;
	s20 =	sshrl.u32 s24, $0x3  }
0x3b: {  	[spmem:s20], [sflag:s8] =	dma.local [hbm:s5], $0x400  }
0x3c: {  	_ =	swait.ge [sflag:s29], $0x400  }
0x3d: {  	[sflag:s29] =	ssyncset.done $0x0;
	s28 =	rddreg [dreg:$0xc]  }
0x3e: {  	[sflag:s29] =	ssyncadd.s32 $0xFFFFFC00;
	s21 =	sshrl.u32 s28, $0x3  }
0x3f: {  	[spmem:s21], [sflag:s8] =	dma.local [hbm:s5], $0x400  }
0x40: {  	_ =	swait.ge [sflag:s29], $0x400  }
0x41: {  	[sflag:s29] =	ssyncset.done $0x0;
	s12 =	rddreg [dreg:$0xd]  }
0x42: {  	[sflag:s29] =	ssyncadd.s32 $0xFFFFFC00;
	s22 =	sshrl.u32 s12, $0x3  }
0x43: {  	[spmem:s22], [sflag:s8] =	dma.local [hbm:s5], $0x400  }
0x44: {  	_ =	swait.ge [sflag:s29], $0x400  }
0x45: {  	[sflag:s29] =	ssyncset.done $0x0  }
0x46: {  	s16 =	rddreg [dreg:$0xe];
	[sflag:s29] =	ssyncadd.s32 $0xFFFFFC00  }
0x47: {  	[tilespmem:s3], [sflag:$0x3] =	stream.linear.gather [hbm4b:s16+s3], $0x3E80, $0x38;
	[tilespmem:$0x1FD00] =	vst v63  }
0x48: {  	_ =	swait.ge [sflag:s29], $0x3E80  }
0x49: {  	[sflag:s29] =	ssyncset.done $0x0  }
0x4a: {  	s24 =	rddreg [dreg:$0xf];
	[sflag:s29] =	ssyncadd.s32 $0xFFFFC180  }
0x4b: {  	[tilespmem:s9], [sflag:$0x3] =	stream.linear.gather [hbm4b:s24+s3], $0x3E80, $0x38;
	[tilespmem:$0x1FD00] =	vst v63  }
0x4c: {  	_ =	swait.ge [sflag:s29], $0x3E80  }
0x4d: {  	[sflag:s29] =	ssyncset.done $0x0  }
0x4e: {  	[sflag:s29] =	ssyncadd.s32 $0xFFFFC180  }
0x4f: {  	[bflag:$0x0] =	sbarrier.arrive $0xFFFF  }
0x50: {  	s28 =	rddreg [dreg:$0x14]  }
0x51: {  	s12 =	sadd.s32 $0xFFFFFFFF, s28  }
0x52: {  	p1 =	sne.s32 s12, $0x0  }
.Ltmp0:
0x53: {  	_ = 	snop;
	(pc) =	sbr.rel @!p1 .LBB2_2-.Ltmp0, $3  }
0x54: {  	_ =	sdelay $0x1  }
0x55: {  	p0 =	por $0x0, $0x0;
	s16 =	simm.s32 $0x80  }
0x56: {  	[tilespmem:s31], [sflag:$0x1] =	stream.indirect.gather [hbm4b:s4+s30], $0x80, s3, s30, $0xb8;
	[tilespmem:$0x1FD00] =	vst v63  }
0x57: {  	s24 =	simm.s32 $0x40  }
0x58: {  	[tilespmem:s1], [sflag:$0x2] =	stream.indirect.gather [hbm4b:s4+s30], $0x80, s24, s30, $0xb8;
	[tilespmem:$0x1FD00] =	vst v63  }
0x59: {  	_ =	swait.ge [sflag:s0], $0x2000  }
0x5a: {  	[sflag:s0] =	ssyncset.done $0x0  }
0x5b: {  	[sflag:s0] =	ssyncadd.s32 $0xFFFFE000  }
0x5c: {  	[spmem:s2] =	stream.indirect.scatter.add.f32 [tilespmem:s31], [sflag:$0x3], $0x80, s9, s30, $0xb8;
	[tilespmem:$0x1FD00] =	vst v63  }
0x5d: {  	_ =	swait.ge [sflag:s29], $0x2000  }
0x5e: {  	p0 =	sle.u32 s26, $0x0;
	[sflag:s29] =	ssyncset.done $0x0  }
0x5f: {  	s24 =	simm.s32 @!p0 $0x40;
	s28 =	simm.s32 @!p0 $0x7D00;
	[sflag:s29] =	ssyncadd.s32 $0xFFFFE000  }
0x60: {  	[tilespmem:s28], [sflag:$0x1] =	stream.indirect.gather @!p0 [hbm4b:s4+s24], $0x80, s16, s24, $0xb8;
	[tilespmem:$0x1FD00] =	vst v63  }
0x61: {  	s28 =	sadd.s32 $0xFFFFFFFF, s12  }
0x62: {  	_ =	swait.ge [sflag:s6], $0x2000;
	p1 =	sne.s32 s28, $0x0  }
.Ltmp1:
0x63: {  	[sflag:s6] =	ssyncset.done $0x0;
	(pc) =	sbr.rel @!p1 .LBB2_6-.Ltmp1, $4  }
0x64: {  	s24 =	simm.s32 $0x3EC0;
	[sflag:s6] =	ssyncadd.s32 $0xFFFFE000  }
0x65: {  	[spmem:s2] =	stream.indirect.scatter.add.f32 [tilespmem:s1], [sflag:$0x3], $0x80, s24, s30, $0xb8;
	[tilespmem:$0x1FD00] =	vst v63  }
0x66: {  	s12 =	simm.s32 $0x3F00;
	s16 =	simm.s32 $0x100;
	_ =	swait.ge [sflag:s29], $0x2000  }
0x67: {  	p0 =	por $0x1, $0x1;
	s24 =	simm.s32 $0x2;
	[sflag:s29] =	ssyncset.done $0x0  }
.LBB2_4:
0x68: {  	s28 =	sadd.s32 $0xFFFFFFFF, s28;
	s23 =	sadd.s32 $0xFFFFFFC0, s16;
	[sflag:s29] =	ssyncadd.s32 $0xFFFFE000  }
0x69: {  	[tilespmem:s1], [sflag:$0x2] =	stream.indirect.gather [hbm4b:s4+s30], $0x80, s23, s30, $0xb8;
	[tilespmem:$0x1FD00] =	vst v63  }
0x6a: {  	p1 =	sne.s32 s28, $0x0;
	_ =	swait.ge [sflag:s0], $0x2000  }
0x6b: {  	[sflag:s0] =	ssyncset.done $0x0  }
0x6c: {  	[sflag:s0] =	ssyncadd.s32 $0xFFFFE000  }
0x6d: {  	[spmem:s2] =	stream.indirect.scatter.add.f32 [tilespmem:s31], [sflag:$0x3], $0x80, s12, s30, $0xb8;
	[tilespmem:$0x1FD00] =	vst v63  }
0x6e: {  	_ =	swait.ge [sflag:s29], $0x2000  }
0x6f: {  	p2 =	sge.u32 s24, s26;
	[sflag:s29] =	ssyncset.done $0x0  }
0x70: {  	s23 =	simm.s32 @!p2 $0x40;
	s25 =	simm.s32 @!p2 $0x7D00;
	[sflag:s29] =	ssyncadd.s32 $0xFFFFE000  }
0x71: {  	[tilespmem:s25], [sflag:$0x1] =	stream.indirect.gather @!p2 [hbm4b:s4+s23], $0x80, s16, s23, $0xb8;
	[tilespmem:$0x1FD00] =	vst v63  }
0x72: {  	_ =	swait.ge [sflag:s6], $0x2000  }
.Ltmp2:
0x73: {  	[sflag:s6] =	ssyncset.done $0x0;
	(pc) =	sbr.rel @p1 .LBB2_4-.Ltmp2, $4  }
0x74: {  	s24 =	sadd.s32 $0x2, s24;
	s23 =	sadd.s32 $0x40, s12;
	[sflag:s6] =	ssyncadd.s32 $0xFFFFE000  }
0x75: {  	[spmem:s2] =	stream.indirect.scatter.add.f32 [tilespmem:s1], [sflag:$0x3], $0x80, s23, s30, $0xb8;
	[tilespmem:$0x1FD00] =	vst v63  }
0x76: {  	s25 =	sadd.s32 $0x80, s12;
	s23 =	sadd.s32 $0x80, s16;
	_ =	swait.ge [sflag:s29], $0x2000  }
0x77: {  	s12 =	smov.u32 s25;
	s16 =	smov.u32 s23;
	[sflag:s29] =	ssyncset.done $0x0  }
0x78: {  	s16 =	smov.u32 s23;
	s12 =	smov.u32 s25  }
.LBB2_6:
0x79: {  	s28 =	sadd.s32 $0xFFFFFFC0, s16;
	[sflag:s29] =	ssyncadd.s32 @p0 $0xFFFFE000  }
0x7a: {  	[tilespmem:s1], [sflag:$0x2] =	stream.indirect.gather [hbm4b:s4+s30], $0x80, s28, s30, $0xb8;
	[tilespmem:$0x1FD00] =	vst v63  }
0x7b: {  	_ =	swait.ge [sflag:s0], $0x2000  }
0x7c: {  	[sflag:s0] =	ssyncset.done $0x0  }
0x7d: {  	[sflag:s0] =	ssyncadd.s32 $0xFFFFE000  }
0x7e: {  	[spmem:s2] =	stream.indirect.scatter.add.f32 [tilespmem:s31], [sflag:$0x3], $0x80, s12, s30, $0xb8;
	[tilespmem:$0x1FD00] =	vst v63  }
0x7f: {  	_ =	swait.ge [sflag:s29], $0x2000  }
0x80: {  	p0 =	sge.u32 s24, s26;
	[sflag:s29] =	ssyncset.done $0x0  }
0x81: {  	s28 =	simm.s32 @!p0 $0x40;
	s7 =	simm.s32 @!p0 $0x7D00;
	[sflag:s29] =	ssyncadd.s32 $0xFFFFE000  }
0x82: {  	[tilespmem:s7], [sflag:$0x1] =	stream.indirect.gather @!p0 [hbm4b:s4+s28], $0x80, s16, s28, $0xb8;
	[tilespmem:$0x1FD00] =	vst v63  }
0x83: {  	_ =	swait.ge [sflag:s6], $0x2000  }
0x84: {  	[sflag:s6] =	ssyncset.done $0x0  }
0x85: {  	s28 =	sadd.s32 $0x40, s12;
	[sflag:s6] =	ssyncadd.s32 $0xFFFFE000  }
0x86: {  	[spmem:s2] =	stream.indirect.scatter.add.f32 [tilespmem:s1], [sflag:$0x3], $0x80, s28, s30, $0xb8;
	[tilespmem:$0x1FD00] =	vst v63  }
0x87: {  	_ =	swait.ge [sflag:s29], $0x2000  }
0x88: {  	[sflag:s29] =	ssyncset.done $0x0  }
0x89: {  	s28 =	sadd.s32 $0x40, s23;
	[sflag:s29] =	ssyncadd.s32 $0xFFFFE000  }
0x8a: {  	[tilespmem:s1], [sflag:$0x2] =	stream.indirect.gather [hbm4b:s4+s30], $0x80, s28, s30, $0xb8;
	[tilespmem:$0x1FD00] =	vst v63  }
0x8b: {  	_ =	swait.ge [sflag:s0], $0x2000  }
0x8c: {  	[sflag:s0] =	ssyncset.done $0x0  }
0x8d: {  	s24 =	sadd.s32 $0x2, s24;
	s12 =	sadd.s32 $0x80, s12;
	[sflag:s0] =	ssyncadd.s32 $0xFFFFE000  }
0x8e: {  	[spmem:s2] =	stream.indirect.scatter.add.f32 [tilespmem:s31], [sflag:$0x3], $0x80, s12, s30, $0xb8;
	[tilespmem:$0x1FD00] =	vst v63  }
0x8f: {  	p0 =	sge.u32 s24, s26;
	_ =	swait.ge [sflag:s29], $0x2000  }
0x90: {  	s7 =	simm.s32 @!p0 $0x40;
	[sflag:s29] =	ssyncset.done $0x0  }
0x91: {  	s12 =	sadd.s32 $0x80, s16;
	s16 =	simm.s32 @!p0 $0x7D00;
	[sflag:s29] =	ssyncadd.s32 $0xFFFFE000  }
0x92: {  	[tilespmem:s16], [sflag:$0x1] =	stream.indirect.gather @!p0 [hbm4b:s4+s7], $0x80, s12, s7, $0xb8;
	[tilespmem:$0x1FD00] =	vst v63  }
0x93: {  	_ =	swait.ge [sflag:s6], $0x2000  }
0x94: {  	[sflag:s6] =	ssyncset.done $0x0  }
0x95: {  	s28 =	sadd.s32 $0xC0, s25;
	[sflag:s6] =	ssyncadd.s32 $0xFFFFE000  }
0x96: {  	[spmem:s2] =	stream.indirect.scatter.add.f32 [tilespmem:s1], [sflag:$0x3], $0x80, s28, s30, $0xb8;
	[tilespmem:$0x1FD00] =	vst v63  }
0x97: {  	_ =	swait.ge [sflag:s29], $0x2000  }
0x98: {  	[sflag:s29] =	ssyncset.done $0x0  }
0x99: {  	[sflag:s29] =	ssyncadd.s32 $0xFFFFE000  }
0x9a: {  	[bflag:$0x0] =	sbarrier.arrive $0xFFFF  }
0x9b: {  	s12 =	rddreg [dreg:$0x11]  }
0x9c: {  	[hbm:s12], [sflag:s8] =	dma.local [spmem:s11], $0x2800  }
0x9d: {  	_ =	swait.ge [sflag:s29], $0x2800  }
0x9e: {  	[sflag:s29] =	ssyncset.done $0x0  }
0x9f: {  	[sflag:s29] =	ssyncadd.s32 $0xFFFFD800  }
0xa0: {  	[spmem:s11], [sflag:s8] =	dma.local [hbm:s5], $0x400  }
0xa1: {  	_ =	swait.ge [sflag:s29], $0x400  }
0xa2: {  	[sflag:s29] =	ssyncset.done $0x0  }
0xa3: {  	[sflag:s29] =	ssyncadd.s32 $0xFFFFFC00  }
0xa4: {  	[spmem:s13], [sflag:s8] =	dma.local [hbm:s5], $0x400  }
0xa5: {  	_ =	swait.ge [sflag:s29], $0x400  }
0xa6: {  	[sflag:s29] =	ssyncset.done $0x0  }
0xa7: {  	[sflag:s29] =	ssyncadd.s32 $0xFFFFFC00  }
0xa8: {  	[spmem:s14], [sflag:s8] =	dma.local [hbm:s5], $0x400  }
0xa9: {  	_ =	swait.ge [sflag:s29], $0x400  }
0xaa: {  	[sflag:s29] =	ssyncset.done $0x0  }
0xab: {  	[sflag:s29] =	ssyncadd.s32 $0xFFFFFC00  }
0xac: {  	[spmem:s15], [sflag:s8] =	dma.local [hbm:s5], $0x400  }
0xad: {  	_ =	swait.ge [sflag:s29], $0x400  }
0xae: {  	[sflag:s29] =	ssyncset.done $0x0  }
0xaf: {  	[sflag:s29] =	ssyncadd.s32 $0xFFFFFC00  }
0xb0: {  	[spmem:s17], [sflag:s8] =	dma.local [hbm:s5], $0x400  }
0xb1: {  	_ =	swait.ge [sflag:s29], $0x400  }
0xb2: {  	[sflag:s29] =	ssyncset.done $0x0  }
0xb3: {  	[sflag:s29] =	ssyncadd.s32 $0xFFFFFC00  }
0xb4: {  	[spmem:s18], [sflag:s8] =	dma.local [hbm:s5], $0x400  }
0xb5: {  	_ =	swait.ge [sflag:s29], $0x400  }
0xb6: {  	[sflag:s29] =	ssyncset.done $0x0  }
0xb7: {  	[sflag:s29] =	ssyncadd.s32 $0xFFFFFC00  }
0xb8: {  	[spmem:s19], [sflag:s8] =	dma.local [hbm:s5], $0x400  }
0xb9: {  	_ =	swait.ge [sflag:s29], $0x400  }
0xba: {  	[sflag:s29] =	ssyncset.done $0x0  }
0xbb: {  	[sflag:s29] =	ssyncadd.s32 $0xFFFFFC00  }
0xbc: {  	[spmem:s20], [sflag:s8] =	dma.local [hbm:s5], $0x400  }
0xbd: {  	_ =	swait.ge [sflag:s29], $0x400  }
0xbe: {  	[sflag:s29] =	ssyncset.done $0x0  }
0xbf: {  	[sflag:s29] =	ssyncadd.s32 $0xFFFFFC00  }
0xc0: {  	[spmem:s21], [sflag:s8] =	dma.local [hbm:s5], $0x400  }
0xc1: {  	_ =	swait.ge [sflag:s29], $0x400  }
0xc2: {  	[sflag:s29] =	ssyncset.done $0x0  }
0xc3: {  	[sflag:s29] =	ssyncadd.s32 $0xFFFFFC00  }
0xc4: {  	[spmem:s22], [sflag:s8] =	dma.local [hbm:s5], $0x400  }
0xc5: {  	_ =	swait.ge [sflag:s29], $0x400  }
0xc6: {  	[sflag:s29] =	ssyncset.done $0x0  }
0xc7: {  	s14 =	simm.s32 $0x0;
	s15 =	rddreg [dreg:$0x10];
	[sflag:s29] =	ssyncadd.s32 $0xFFFFFC00  }
0xc8: {  	[tilespmem:s9], [sflag:$0x3] =	stream.linear.gather [hbm4b:s15+s14], $0x2800, $0x38;
	[tilespmem:$0x1FD00] =	vst v63  }
0xc9: {  	_ =	swait.ge [sflag:s29], $0x2800  }
0xca: {  	[sflag:s29] =	ssyncset.done $0x0  }
0xcb: {  	s16 =	rddreg [dreg:$0x3];
	[sflag:s29] =	ssyncadd.s32 $0xFFFFD800  }
0xcc: {  	[tilespmem:s31], [sflag:$0x3] =	stream.linear.gather [hbm4b:s16+s14], $0x2000, $0x38;
	[tilespmem:$0x1FD00] =	vst v63  }
0xcd: {  	_ =	swait.ge [sflag:s29], $0x2000  }
0xce: {  	[sflag:s29] =	ssyncset.done $0x0  }
0xcf: {  	[sflag:s29] =	ssyncadd.s32 $0xFFFFE000  }
0xd0: {  	s17 =	simm.s32 $0x3E80;
	[bflag:$0x0] =	sbarrier.arrive $0xFFFF  }
0xd1: {  	[spmem:s2] =	stream.indirect.scatter.add.f32 [tilespmem:s31], [sflag:$0x1], $0x80, s17, s30, $0xb8;
	[tilespmem:$0x1FD00] =	vst v63  }
0xd2: {  	s18 =	simm.s32 $0x3EC0  }
0xd3: {  	[spmem:s2] =	stream.indirect.scatter.add.f32 [tilespmem:s31], [sflag:$0x1], $0x80, s18, s30, $0xb8;
	[tilespmem:$0x1FD00] =	vst v63  }
0xd4: {  	s19 =	simm.s32 $0x3F00  }
0xd5: {  	[spmem:s2] =	stream.indirect.scatter.add.f32 [tilespmem:s31], [sflag:$0x1], $0x80, s19, s30, $0xb8;
	[tilespmem:$0x1FD00] =	vst v63  }
0xd6: {  	s20 =	simm.s32 $0x3F40  }
0xd7: {  	[spmem:s2] =	stream.indirect.scatter.add.f32 [tilespmem:s31], [sflag:$0x1], $0x80, s20, s30, $0xb8;
	[tilespmem:$0x1FD00] =	vst v63  }
0xd8: {  	s21 =	simm.s32 $0x3F80  }
0xd9: {  	[spmem:s2] =	stream.indirect.scatter.add.f32 [tilespmem:s31], [sflag:$0x1], $0x80, s21, s30, $0xb8;
	[tilespmem:$0x1FD00] =	vst v63  }
0xda: {  	s22 =	simm.s32 $0x3FC0  }
0xdb: {  	[spmem:s2] =	stream.indirect.scatter.add.f32 [tilespmem:s31], [sflag:$0x1], $0x80, s22, s30, $0xb8;
	[tilespmem:$0x1FD00] =	vst v63  }
0xdc: {  	s24 =	simm.s32 $0x4000  }
0xdd: {  	[spmem:s2] =	stream.indirect.scatter.add.f32 [tilespmem:s31], [sflag:$0x1], $0x80, s24, s30, $0xb8;
	[tilespmem:$0x1FD00] =	vst v63  }
0xde: {  	s28 =	simm.s32 $0x4040  }
0xdf: {  	[spmem:s2] =	stream.indirect.scatter.add.f32 [tilespmem:s31], [sflag:$0x1], $0x80, s28, s30, $0xb8;
	[tilespmem:$0x1FD00] =	vst v63  }
0xe0: {  	_ =	swait.ge [sflag:s0], $0x2000  }
0xe1: {  	[sflag:s0] =	ssyncset.done $0x0  }
0xe2: {  	[sflag:s0] =	ssyncadd.s32 $0xFFFFE000  }
0xe3: {  	_ =	swait.ge [sflag:s0], $0x2000  }
0xe4: {  	[sflag:s0] =	ssyncset.done $0x0  }
0xe5: {  	[sflag:s0] =	ssyncadd.s32 $0xFFFFE000  }
0xe6: {  	_ =	swait.ge [sflag:s0], $0x2000  }
0xe7: {  	[sflag:s0] =	ssyncset.done $0x0  }
0xe8: {  	[sflag:s0] =	ssyncadd.s32 $0xFFFFE000  }
0xe9: {  	_ =	swait.ge [sflag:s0], $0x2000  }
0xea: {  	[sflag:s0] =	ssyncset.done $0x0  }
0xeb: {  	[sflag:s0] =	ssyncadd.s32 $0xFFFFE000  }
0xec: {  	_ =	swait.ge [sflag:s0], $0x2000  }
0xed: {  	[sflag:s0] =	ssyncset.done $0x0  }
0xee: {  	[sflag:s0] =	ssyncadd.s32 $0xFFFFE000  }
0xef: {  	_ =	swait.ge [sflag:s0], $0x2000  }
0xf0: {  	[sflag:s0] =	ssyncset.done $0x0  }
0xf1: {  	[sflag:s0] =	ssyncadd.s32 $0xFFFFE000  }
0xf2: {  	_ =	swait.ge [sflag:s0], $0x2000  }
0xf3: {  	[sflag:s0] =	ssyncset.done $0x0  }
0xf4: {  	[sflag:s0] =	ssyncadd.s32 $0xFFFFE000  }
0xf5: {  	_ =	swait.ge [sflag:s0], $0x2000  }
0xf6: {  	s15 =	simm.s32 $0x1000;
	s14 =	simm.s32 $0x200;
	[sflag:s0] =	ssyncset.done $0x0  }
.LBB2_7:
0xf7: {  	s7 =	sadd.s32 $0x3E80, s14  }
0xf8: {  	[sflag:s0] =	ssyncadd.s32 $0xFFFFE000;
	s12 =	smov.u32 s15;
	s13 =	sadd.s32 $0x800, s15  }
0xf9: {  	[spmem:s2] =	stream.indirect.scatter.add.f32 [tilespmem:s31], [sflag:$0x1], $0x80, s7, s30, $0xb8;
	[tilespmem:$0x1FD00] =	vst v63  }
0xfa: {  	p0 =	sne.s32 s15, $0x9800;
	s7 =	sadd.s32 $0x3EC0, s14  }
0xfb: {  	[spmem:s2] =	stream.indirect.scatter.add.f32 [tilespmem:s31], [sflag:$0x1], $0x80, s7, s30, $0xb8;
	[tilespmem:$0x1FD00] =	vst v63  }
0xfc: {  	s7 =	sadd.s32 $0x3F00, s14  }
0xfd: {  	[spmem:s2] =	stream.indirect.scatter.add.f32 [tilespmem:s31], [sflag:$0x1], $0x80, s7, s30, $0xb8;
	[tilespmem:$0x1FD00] =	vst v63  }
0xfe: {  	s7 =	sadd.s32 $0x3F40, s14  }
0xff: {  	[spmem:s2] =	stream.indirect.scatter.add.f32 [tilespmem:s31], [sflag:$0x1], $0x80, s7, s30, $0xb8;
	[tilespmem:$0x1FD00] =	vst v63  }
0x100: {  	s7 =	sadd.s32 $0x3F80, s14  }
0x101: {  	[spmem:s2] =	stream.indirect.scatter.add.f32 [tilespmem:s31], [sflag:$0x1], $0x80, s7, s30, $0xb8;
	[tilespmem:$0x1FD00] =	vst v63  }
0x102: {  	s7 =	sadd.s32 $0x3FC0, s14  }
0x103: {  	[spmem:s2] =	stream.indirect.scatter.add.f32 [tilespmem:s31], [sflag:$0x1], $0x80, s7, s30, $0xb8;
	[tilespmem:$0x1FD00] =	vst v63  }
0x104: {  	s7 =	sadd.s32 $0x4000, s14  }
0x105: {  	[spmem:s2] =	stream.indirect.scatter.add.f32 [tilespmem:s31], [sflag:$0x1], $0x80, s7, s30, $0xb8;
	[tilespmem:$0x1FD00] =	vst v63  }
0x106: {  	s7 =	sadd.s32 $0x4040, s14  }
0x107: {  	[spmem:s2] =	stream.indirect.scatter.add.f32 [tilespmem:s31], [sflag:$0x1], $0x80, s7, s30, $0xb8;
	[tilespmem:$0x1FD00] =	vst v63  }
0x108: {  	_ =	swait.ge [sflag:s0], $0x2000  }
0x109: {  	[sflag:s0] =	ssyncset.done $0x0  }
0x10a: {  	[sflag:s0] =	ssyncadd.s32 $0xFFFFE000  }
0x10b: {  	_ =	swait.ge [sflag:s0], $0x2000  }
0x10c: {  	[sflag:s0] =	ssyncset.done $0x0  }
0x10d: {  	[sflag:s0] =	ssyncadd.s32 $0xFFFFE000  }
0x10e: {  	_ =	swait.ge [sflag:s0], $0x2000  }
0x10f: {  	[sflag:s0] =	ssyncset.done $0x0  }
0x110: {  	[sflag:s0] =	ssyncadd.s32 $0xFFFFE000  }
0x111: {  	_ =	swait.ge [sflag:s0], $0x2000  }
0x112: {  	[sflag:s0] =	ssyncset.done $0x0  }
0x113: {  	[sflag:s0] =	ssyncadd.s32 $0xFFFFE000  }
0x114: {  	_ =	swait.ge [sflag:s0], $0x2000  }
0x115: {  	[sflag:s0] =	ssyncset.done $0x0  }
0x116: {  	[sflag:s0] =	ssyncadd.s32 $0xFFFFE000  }
0x117: {  	_ =	swait.ge [sflag:s0], $0x2000  }
0x118: {  	[sflag:s0] =	ssyncset.done $0x0  }
0x119: {  	[sflag:s0] =	ssyncadd.s32 $0xFFFFE000  }
.Ltmp3:
0x11a: {  	_ =	swait.ge [sflag:s0], $0x2000;
	(pc) =	sbr.rel @p0 .LBB2_7-.Ltmp3, $4  }
0x11b: {  	[sflag:s0] =	ssyncset.done $0x0  }
0x11c: {  	[sflag:s0] =	ssyncadd.s32 $0xFFFFE000  }
0x11d: {  	_ =	swait.ge [sflag:s0], $0x2000  }
0x11e: {  	s15 =	smov.u32 s13;
	s14 =	sshra.s32 s12, $0x2;
	[sflag:s0] =	ssyncset.done $0x0  }
0x11f: {  	s7 =	sadd.s32 $0x3E80, s14;
	[sflag:s0] =	ssyncadd.s32 $0xFFFFE000  }
0x120: {  	[spmem:s2] =	stream.indirect.scatter.add.f32 [tilespmem:s31], [sflag:$0x1], $0x80, s7, s30, $0xb8;
	[tilespmem:$0x1FD00] =	vst v63  }
0x121: {  	s16 =	sadd.s32 $0x3EC0, s14  }
0x122: {  	[spmem:s2] =	stream.indirect.scatter.add.f32 [tilespmem:s31], [sflag:$0x1], $0x80, s16, s30, $0xb8;
	[tilespmem:$0x1FD00] =	vst v63  }
0x123: {  	s17 =	sadd.s32 $0x3F00, s14  }
0x124: {  	[spmem:s2] =	stream.indirect.scatter.add.f32 [tilespmem:s31], [sflag:$0x1], $0x80, s17, s30, $0xb8;
	[tilespmem:$0x1FD00] =	vst v63  }
0x125: {  	s18 =	sadd.s32 $0x3F40, s14  }
0x126: {  	[spmem:s2] =	stream.indirect.scatter.add.f32 [tilespmem:s31], [sflag:$0x1], $0x80, s18, s30, $0xb8;
	[tilespmem:$0x1FD00] =	vst v63  }
0x127: {  	s19 =	sadd.s32 $0x3F80, s14  }
0x128: {  	[spmem:s2] =	stream.indirect.scatter.add.f32 [tilespmem:s31], [sflag:$0x1], $0x80, s19, s30, $0xb8;
	[tilespmem:$0x1FD00] =	vst v63  }
0x129: {  	s20 =	sadd.s32 $0x3FC0, s14  }
0x12a: {  	[spmem:s2] =	stream.indirect.scatter.add.f32 [tilespmem:s31], [sflag:$0x1], $0x80, s20, s30, $0xb8;
	[tilespmem:$0x1FD00] =	vst v63  }
0x12b: {  	s21 =	sadd.s32 $0x4000, s14  }
0x12c: {  	[spmem:s2] =	stream.indirect.scatter.add.f32 [tilespmem:s31], [sflag:$0x1], $0x80, s21, s30, $0xb8;
	[tilespmem:$0x1FD00] =	vst v63  }
0x12d: {  	s22 =	sadd.s32 $0x4040, s14  }
0x12e: {  	[spmem:s2] =	stream.indirect.scatter.add.f32 [tilespmem:s31], [sflag:$0x1], $0x80, s22, s30, $0xb8;
	[tilespmem:$0x1FD00] =	vst v63  }
0x12f: {  	_ =	swait.ge [sflag:s0], $0x2000  }
0x130: {  	[sflag:s0] =	ssyncset.done $0x0  }
0x131: {  	[sflag:s0] =	ssyncadd.s32 $0xFFFFE000  }
0x132: {  	_ =	swait.ge [sflag:s0], $0x2000  }
0x133: {  	[sflag:s0] =	ssyncset.done $0x0  }
0x134: {  	[sflag:s0] =	ssyncadd.s32 $0xFFFFE000  }
0x135: {  	_ =	swait.ge [sflag:s0], $0x2000  }
0x136: {  	[sflag:s0] =	ssyncset.done $0x0  }
0x137: {  	[sflag:s0] =	ssyncadd.s32 $0xFFFFE000  }
0x138: {  	_ =	swait.ge [sflag:s0], $0x2000  }
0x139: {  	[sflag:s0] =	ssyncset.done $0x0  }
0x13a: {  	[sflag:s0] =	ssyncadd.s32 $0xFFFFE000  }
0x13b: {  	_ =	swait.ge [sflag:s0], $0x2000  }
0x13c: {  	[sflag:s0] =	ssyncset.done $0x0  }
0x13d: {  	[sflag:s0] =	ssyncadd.s32 $0xFFFFE000  }
0x13e: {  	_ =	swait.ge [sflag:s0], $0x2000  }
0x13f: {  	[sflag:s0] =	ssyncset.done $0x0  }
0x140: {  	[sflag:s0] =	ssyncadd.s32 $0xFFFFE000  }
0x141: {  	_ =	swait.ge [sflag:s0], $0x2000  }
0x142: {  	[sflag:s0] =	ssyncset.done $0x0  }
0x143: {  	[sflag:s0] =	ssyncadd.s32 $0xFFFFE000  }
0x144: {  	_ =	swait.ge [sflag:s0], $0x2000  }
0x145: {  	[sflag:s0] =	ssyncset.done $0x0  }
0x146: {  	[sflag:s0] =	ssyncadd.s32 $0xFFFFE000  }
0x147: {  	[bflag:$0x0] =	sbarrier.arrive $0xFFFF  }
0x148: {  	s24 =	rddreg [dreg:$0x12]  }
0x149: {  	[hbm:s24], [sflag:s8] =	dma.local [spmem:s11], $0x2800  }
0x14a: {  	_ =	swait.ge [sflag:s29], $0x2800  }
0x14b: {  	s10 =	sadd.s32 $0x1, s10;
	s28 =	rddreg [dreg:$0x13]  }
0x14c: {  	p0 =	sne.s32 s10, s28  }
.Ltmp4:
0x14d: {  	_ = 	snop;
	(pc) =	sbr.rel @p0 .LBB2_1-.Ltmp4, $4  }
.Ltmp5:
0x14e: {  	_ = 	snop;
	(pc) =	sbr.rel @!p0 .LBB2_9-.Ltmp5, $4  }
0x14f: {  	_ = 	snop  }
0x150: {  	[sflag:s29] =	ssyncset.done $0x0  }
0x151: {  	[sflag:s29] =	ssyncadd.s32 $0xFFFFD800  }
0x152: {  	_ = 	snop  }
.LBB2_2:
.Ltmp6:
0x153: {  	(pc) =	sbr.rel .LBB2_6-.Ltmp6, $2  }
0x154: {  	_ =	sdelay $0x2  }
0x155: {  	s12 =	simm.s32 $0x3E80;
	s24 =	simm.s32 $0x0  }
.LBB2_9:
0x156: {  	_ =	sfence.sel $0x180000  }
0x157: {  	[bflag:$0x0] =	sbarrier.arrive $0xFFFF  }
0x158: {  	_ =	strace $0x90000047  }
0x159: {  	s0 =	stileid.u32;
	[bflag:$0x2] =	sbarrier.arrive $0xFFFF  }
0x15a: {  	p0 =	sne.s32 s0, $0x0;
	s0 =	rddreg [dreg:$0x2]  }
0x15b: {  	s0 =	sadd.s32 @!p0 $0x100000, s0  }
0x15c: {  	[sflag:s0] =	ssyncadd.tile.s32 @!p0 $0x1;
	_ =	shalt  }
.Lfunc_end2:
_tile_overlayer_lowered:
.L_overlay_start_2:
0x15d: {  	(tag) =	ssettag $0x2  }
0x15e: {  	s0 =	rddreg [dreg:$0x0];
	s2 =	stileid.u32  }
0x15f: {  	s1 =	rddreg [dreg:$0x1];
	p0 =	sne.s32 s2, $0x0  }
0x160: {  	s3 =	rddreg [dreg:$0x2];
	[bflag:$0x3] =	sbarrier.arrive $0xFFFF;
	s2 =	simm.s32 @!p0 $0x1C03  }
0x161: {  	[timem:s3], [sflag:s2] =	dma.local @!p0 [hbm:s0], s1  }
0x162: {  	s0 =	simm.s32 @!p0 $0x3  }
0x163: {  	_ =	swait.ge @!p0 [sflag:s0], s1  }
0x164: {  	s1 =	ssub.s32 @!p0 $0x0, s1;
	[sflag:s0] =	ssyncset.done @!p0 $0x0  }
0x165: {  	[sflag:s0] =	ssyncadd.s32 @!p0 s1  }
0x166: {  	[bflag:$0x3] =	sbarrier.arrive $0xFFFF  }
0x167: {  	_ =	shalt  }

</sc_bundles>
